<compile_context>
chip_gen: v7x
topology: tpu7x:2x2x1
jax: 0.10.2.dev20260603
libtpu: 0.0.44.dev20260713+nightly
codegen_flags: <defaults>
</compile_context>

<pallas_src>
import functools

import jax
import jax.numpy as jnp
from jax import lax
from jax.experimental import pallas as pl
from jax.experimental.pallas import tpu as pltpu
from jax.experimental.pallas import tpu_sc as plsc
import numpy as np

_MU = 1024
_RS = float(1.0 / np.sqrt(np.float32(1.0 + 1e-5)))
_IDX_MASK = 0xFFF


def _knn_body(pu_ref, pd_ref, bdf_ref, bdl_ref,
              i0_ref, i1_ref, w0_ref, w1_ref, *, nd, chunk):
    inf = jnp.float32(jnp.inf)
    maxi = jnp.int32(2**31 - 1)
    nj = pd_ref.shape[0]

    bu_first = pu_ref[0, 6]
    bu_last = pu_ref[_MU - 1, 6]
    c_lo = jnp.int32(nj)
    c_hi = jnp.int32(0)
    for c in range(nj):
        a = jnp.logical_and(bdf_ref[0, c] <= bu_last,
                            bdl_ref[0, c] >= bu_first)
        c_lo = jnp.where(jnp.logical_and(a, c_lo == nj), jnp.int32(c), c_lo)
        c_hi = jnp.where(a, jnp.int32(c + 1), c_hi)

    pu = pu_ref[...]
    bu = pu_ref[:, 6:7]

    def body(c, carry):
        r0, r1 = carry
        pd = pd_ref[c]
        d2 = lax.dot_general(pu, pd, (((1,), (0,)), ((), ())),
                             preferred_element_type=jnp.float32,
                             precision=lax.Precision.HIGHEST)
        d2 = jnp.maximum(d2, 0.0)
        bd = pd_ref[c, 5:6, :]
        d2 = jnp.where(bu != bd, inf, d2)
        col = lax.broadcasted_iota(jnp.int32, (1, chunk), 1) + c * chunk
        key = (lax.bitcast_convert_type(d2, jnp.int32) & ~_IDX_MASK) | col
        k1 = jnp.min(key, axis=1, keepdims=True)
        keyb = jnp.where(key == k1, maxi, key)
        k2 = jnp.min(keyb, axis=1, keepdims=True)
        n0 = jnp.minimum(k1, r0)
        n1 = jnp.minimum(jnp.maximum(k1, r0), jnp.minimum(k2, r1))
        return n0, n1

    init = (jnp.full((_MU, 1), maxi, jnp.int32),
            jnp.full((_MU, 1), maxi, jnp.int32))
    k0, k1 = lax.fori_loop(c_lo, c_hi, body, init)

    i0_ref[...] = jnp.minimum(k0 & _IDX_MASK, nd - 1)
    i1_ref[...] = jnp.minimum(k1 & _IDX_MASK, nd - 1)
    d20 = lax.bitcast_convert_type(k0 & ~_IDX_MASK, jnp.float32)
    d21 = lax.bitcast_convert_type(k1 & ~_IDX_MASK, jnp.float32)
    w0_ref[...] = 1.0 / jnp.maximum(d20, 1e-16)
    w1_ref[...] = 1.0 / jnp.maximum(d21, 1e-16)


def _knn(pu8, pd3d, bdf, bdl, nd, chunk):
    nu = pu8.shape[0]
    nj = pd3d.shape[0]
    grid = (nu // _MU,)
    out1 = jax.ShapeDtypeStruct((nu, 1), jnp.int32)
    outf = jax.ShapeDtypeStruct((nu, 1), jnp.float32)
    return pl.pallas_call(
        functools.partial(_knn_body, nd=nd, chunk=chunk),
        grid=grid,
        in_specs=[
            pl.BlockSpec((_MU, 8), lambda t: (t, 0)),
            pl.BlockSpec((nj, 8, chunk), lambda t: (0, 0, 0)),
            pl.BlockSpec((1, nj), lambda t: (0, 0)),
            pl.BlockSpec((1, nj), lambda t: (0, 0)),
        ],
        out_specs=[
            pl.BlockSpec((_MU, 1), lambda t: (t, 0)),
            pl.BlockSpec((_MU, 1), lambda t: (t, 0)),
            pl.BlockSpec((_MU, 1), lambda t: (t, 0)),
            pl.BlockSpec((_MU, 1), lambda t: (t, 0)),
        ],
        out_shape=[out1, out1, outf, outf],
    )(pu8, pd3d, bdf, bdl)


def _gather_pairs(table, idx0, idx1):
    nd, d = table.shape
    nu = idx0.shape[0]
    nw = 32
    rows = nu // nw
    ch = rows
    while ch * d * 4 > 131072:
        ch //= 2
    mesh = plsc.VectorSubcoreMesh(core_axis_name="c", subcore_axis_name="s")

    @functools.partial(
        pl.kernel,
        out_type=(jax.ShapeDtypeStruct((nu, d), jnp.float32),
                  jax.ShapeDtypeStruct((nu, d), jnp.float32)),
        mesh=mesh,
        scratch_types=[
            pltpu.VMEM((ch,), jnp.int32),
            pltpu.VMEM((ch,), jnp.int32),
            pltpu.VMEM((ch, d), jnp.float32),
            pltpu.VMEM((ch, d), jnp.float32),
            pltpu.SemaphoreType.DMA,
            pltpu.SemaphoreType.DMA,
            pltpu.SemaphoreType.DMA,
            pltpu.SemaphoreType.DMA,
        ],
    )
    def gk(tab, i0h, i1h, o0h, o1h, i0v, i1v, rows0, rows1,
           sg0, sg1, sw0, sw1):
        wid = lax.axis_index("s") * 2 + lax.axis_index("c")
        w0 = w1 = None
        for t in range(rows // ch):
            base = wid * rows + t * ch
            pltpu.sync_copy(i0h.at[pl.ds(base, ch)], i0v)
            pltpu.sync_copy(i1h.at[pl.ds(base, ch)], i1v)
            if w0 is not None:
                w0.wait()
                w1.wait()
            g0 = pltpu.async_copy(tab.at[i0v], rows0, sg0)
            g1 = pltpu.async_copy(tab.at[i1v], rows1, sg1)
            g0.wait()
            w0 = pltpu.async_copy(rows0, o0h.at[pl.ds(base, ch)], sw0)
            g1.wait()
            w1 = pltpu.async_copy(rows1, o1h.at[pl.ds(base, ch)], sw1)
        w0.wait()
        w1.wait()

    return gk(table, idx0, idx1)


def _mlp_body(xu_ref, k0_ref, k1_ref, w0_ref, w1_ref,
              wa_ref, wb_ref, c0_ref, g0_ref, e0_ref,
              w1w_ref, c1_ref, g1_ref, e1_ref, o_ref):
    w0 = w0_ref[...]
    w1 = w1_ref[...]
    xi = (k0_ref[...] * w0 + k1_ref[...] * w1) * (1.0 / (w0 + w1))
    ya = lax.dot_general(xu_ref[...], wa_ref[...], (((1,), (1,)), ((), ())),
                         preferred_element_type=jnp.float32,
                         precision=lax.Precision.DEFAULT)
    yb = lax.dot_general(xi, wb_ref[...], (((1,), (1,)), ((), ())),
                         preferred_element_type=jnp.float32,
                         precision=lax.Precision.DEFAULT)
    s0 = g0_ref[...] * _RS
    t0 = c0_ref[...] * s0 + e0_ref[...]
    y = jnp.maximum((ya + yb) * s0 + t0, 0.0)
    y = lax.dot_general(y, w1w_ref[...], (((1,), (1,)), ((), ())),
                        preferred_element_type=jnp.float32,
                        precision=lax.Precision.DEFAULT)
    s1 = g1_ref[...] * _RS
    t1 = c1_ref[...] * s1 + e1_ref[...]
    o_ref[...] = jnp.maximum(y * s1 + t1, 0.0)


def _mlp(x_up, xk0, xk1, w0, w1, wa, wb, c0, g0, e0, w1w, c1, g1, e1):
    nu, cup = x_up.shape
    d = xk0.shape[1]
    ch2 = w1w.shape[0]
    grid = (nu // _MU,)
    full = lambda a: pl.BlockSpec(a.shape, lambda t: tuple(0 for _ in a.shape))
    return pl.pallas_call(
        _mlp_body,
        grid=grid,
        in_specs=[
            pl.BlockSpec((_MU, cup), lambda t: (t, 0)),
            pl.BlockSpec((_MU, d), lambda t: (t, 0)),
            pl.BlockSpec((_MU, d), lambda t: (t, 0)),
            pl.BlockSpec((_MU, 1), lambda t: (t, 0)),
            pl.BlockSpec((_MU, 1), lambda t: (t, 0)),
            full(wa), full(wb), full(c0), full(g0), full(e0),
            full(w1w), full(c1), full(g1), full(e1),
        ],
        out_specs=pl.BlockSpec((_MU, ch2), lambda t: (t, 0)),
        out_shape=jax.ShapeDtypeStruct((nu, ch2), jnp.float32),
    )(x_up, xk0, xk1, w0, w1, wa, wb, c0, g0, e0, w1w, c1, g1, e1)


def _stage(p_up, x_up, b_up, p_down, x_down, b_down,
           w_l0, c_l0, g_l0, e_l0, w_l1, c_l1, g_l1, e_l1, chunk):
    nu = p_up.shape[0]
    nd = p_down.shape[0]
    nj = nd // chunk
    cup = x_up.shape[1]
    zu = jnp.zeros((nu, 1), jnp.float32)
    pu8 = jnp.concatenate(
        [p_up * -2.0, jnp.sum(p_up * p_up, axis=1, keepdims=True),
         jnp.ones((nu, 1), jnp.float32), zu,
         b_up.astype(jnp.float32).reshape(nu, 1), zu], axis=1)
    bdow = b_down.astype(jnp.float32).reshape(1, nd)
    pd_ex = jnp.concatenate(
        [p_down.T, jnp.ones((1, nd), jnp.float32),
         jnp.sum(p_down * p_down, axis=1).reshape(1, nd),
         bdow, jnp.zeros((2, nd), jnp.float32)], axis=0)
    pd3d = pd_ex.reshape(8, nj, chunk).swapaxes(0, 1)
    bdf = bdow[0, ::chunk].reshape(1, nj)
    bdl = bdow[0, chunk - 1::chunk].reshape(1, nj)
    i0, i1, w0, w1 = _knn(pu8, pd3d, bdf, bdl, nd, chunk)
    xk0, xk1 = _gather_pairs(x_down, i0.reshape(nu), i1.reshape(nu))
    wa = w_l0[:, :cup]
    wb = w_l0[:, cup:]
    row = lambda v: v.reshape(1, -1)
    return _mlp(x_up, xk0, xk1, w0, w1, wa, wb,
                row(c_l0), row(g_l0), row(e_l0),
                w_l1, row(c_l1), row(g_l1), row(e_l1))


def kernel(p0, x0, b0, p1, x1, b1, p2, x2, b2, p3, x3, b3,
           W0_0, c0_0, g0_0, e0_0, W0_1, c0_1, g0_1, e0_1,
           W1_0, c1_0, g1_0, e1_0, W1_1, c1_1, g1_1, e1_1,
           W2_0, c2_0, g2_0, e2_0, W2_1, c2_1, g2_1, e2_1):
    x2n = _stage(p2, x2, b2, p3, x3, b3,
                 W2_0, c2_0, g2_0, e2_0, W2_1, c2_1, g2_1, e2_1, chunk=128)
    x1n = _stage(p1, x1, b1, p2, x2n, b2,
                 W1_0, c1_0, g1_0, e1_0, W1_1, c1_1, g1_1, e1_1, chunk=256)
    x0n = _stage(p0, x0, b0, p1, x1n, b1,
                 W0_0, c0_0, g0_0, e0_0, W0_1, c0_1, g0_1, e0_1, chunk=1024)
    return x0n

# --- scband reference (transcript-rebuilt; emitter-appended) ---
"""Pipeline reference for scband-point-net2-decoder-py-g-13237089206889 (READ-ONLY COPY).

The authoritative reference and input builder live on the scoring server;
editing this copy changes nothing except your own understanding.
"""

import jax, jax.numpy as jnp
import numpy as np

# NOTE: due to a loop-variable shadowing bug in the original __init__ (for k in range(len(fp_mlps))),
# the FP modules are constructed with k = len(fp_mlps) - 1 = 2, not the passed k=3. We reproduce that.
K = 2


def _knn_interpolate(x_down, p_down, p_up, b_down, b_up, k=K):
    d2 = jnp.sum((p_up[:, None, :] - p_down[None, :, :]) ** 2, axis=-1)
    mask = b_up[:, None] != b_down[None, :]
    d2 = jnp.where(mask, jnp.inf, d2)
    neg_d2, idx = jax.lax.top_k(-d2, k)
    d2k = jnp.maximum(-neg_d2, 0.0)
    # torch.no_grad() around knn + weights -> stop_gradient here
    w = jax.lax.stop_gradient(1.0 / jnp.maximum(d2k, 1e-16))
    xk = jnp.take(x_down, idx, axis=0)
    return jnp.sum(xk * w[..., None], axis=1) / jnp.sum(w, axis=1, keepdims=True)


def _linblock(x, W, b, g, be):
    # Linear -> BatchNorm1d (eval mode, freshly initialized running stats mean=0, var=1) -> ReLU
    y = x @ W.T + b
    y = y / np.sqrt(1.0 + 1e-5).astype(np.float32) * g + be
    return jnp.maximum(y, 0.0)


def _fp(p_up, x_up, b_up, p_down, x_down, b_down, layers):
    xi = _knn_interpolate(x_down, p_down, p_up, b_down, b_up)
    xc = jnp.concatenate([x_up, xi], axis=1)
    for (W, b, g, be) in layers:
        xc = _linblock(xc, W, b, g, be)
    return xc


_DIMS = {0: [(320, 128), (128, 128)], 1: [(384, 256), (256, 256)], 2: [(768, 256), (256, 256)]}


def setup_inputs(seed: int = 0):
    key = jax.random.key(seed)
    ks = jax.random.split(key, 64)
    ki = iter(range(64))
    B = 4
    Ns = [16384, 4096, 1024, 256]
    Cs = [64, 128, 256, 512]
    inp = {}
    for i in range(4):
        inp[f"p{i}"] = jax.random.normal(ks[next(ki)], (Ns[i], 3), dtype=jnp.float32)
        inp[f"x{i}"] = jax.random.normal(ks[next(ki)], (Ns[i], Cs[i]), dtype=jnp.float32)
        inp[f"b{i}"] = jnp.sort(jax.random.randint(ks[next(ki)], (Ns[i],), 0, B))
    for m, layer_dims in _DIMS.items():
        for l, (cin, cout) in enumerate(layer_dims):
            inp[f"W{m}_{l}"] = jax.random.normal(ks[next(ki)], (cout, cin), dtype=jnp.float32) / np.sqrt(cin).astype(np.float32)
            inp[f"c{m}_{l}"] = jnp.zeros((cout,), dtype=jnp.float32)
            inp[f"g{m}_{l}"] = jnp.ones((cout,), dtype=jnp.float32)
            inp[f"e{m}_{l}"] = jnp.zeros((cout,), dtype=jnp.float32)
    return inp


def _forward(kw):
    def layers(m):
        return [(kw[f"W{m}_{l}"], kw[f"c{m}_{l}"], kw[f"g{m}_{l}"], kw[f"e{m}_{l}"]) for l in range(2)]
    # FP modules applied from coarsest to finest, matching the original forward loop
    x2n = _fp(kw["p2"], kw["x2"], kw["b2"], kw["p3"], kw["x3"], kw["b3"], layers(2))
    x1n = _fp(kw["p1"], kw["x1"], kw["b1"], kw["p2"], x2n, kw["b2"], layers(1))
    x0n = _fp(kw["p0"], kw["x0"], kw["b0"], kw["p1"], x1n, kw["b1"], layers(0))
    return x0n


def reference(p0, x0, b0, p1, x1, b1, p2, x2, b2, p3, x3, b3,
              W0_0, c0_0, g0_0, e0_0, W0_1, c0_1, g0_1, e0_1,
              W1_0, c1_0, g1_0, e1_0, W1_1, c1_1, g1_1, e1_1,
              W2_0, c2_0, g2_0, e2_0, W2_1, c2_1, g2_1, e2_1):
    kw = {
        "p0": p0, "x0": x0, "b0": b0,
        "p1": p1, "x1": x1, "b1": b1,
        "p2": p2, "x2": x2, "b2": b2,
        "p3": p3, "x3": x3, "b3": b3,
        "W0_0": W0_0, "c0_0": c0_0, "g0_0": g0_0, "e0_0": e0_0,
        "W0_1": W0_1, "c0_1": c0_1, "g0_1": g0_1, "e0_1": e0_1,
        "W1_0": W1_0, "c1_0": c1_0, "g1_0": g1_0, "e1_0": e1_0,
        "W1_1": W1_1, "c1_1": c1_1, "g1_1": g1_1, "e1_1": e1_1,
        "W2_0": W2_0, "c2_0": c2_0, "g2_0": g2_0, "e2_0": e2_0,
        "W2_1": W2_1, "c2_1": c2_1, "g2_1": g2_1, "e2_1": e2_1,
    }
    return _forward(kw)

if __name__ == "__main__":
    import jax
    _d = setup_inputs()
    print(jax.jit(kernel)(*tuple(_d.values())))

</pallas_src>

<mosaic_0001>
#map = affine_map<(d0, d1) -> (0, 0)>
#map1 = affine_map<(d0, d1) -> (0)>
module attributes {stable_mosaic.version = 14 : i64} {
  func.func @gk(%arg0: i32, %arg1: i32, %arg2: memref<4096x256xf32, #tpu.memory_space<hbm>>, %arg3: memref<16384xi32, #tpu.memory_space<hbm>>, %arg4: memref<16384xi32, #tpu.memory_space<hbm>>, %arg5: memref<16384x256xf32, #tpu.memory_space<hbm>>, %arg6: memref<16384x256xf32, #tpu.memory_space<hbm>>, %arg7: memref<128xi32, #tpu.memory_space<vmem>>, %arg8: memref<128xi32, #tpu.memory_space<vmem>>, %arg9: memref<128x256xf32, #tpu.memory_space<vmem>>, %arg10: memref<128x256xf32, #tpu.memory_space<vmem>>, %arg11: memref<!tpu.dma_semaphore, #tpu.memory_space<semaphore_mem>>, %arg12: memref<!tpu.dma_semaphore, #tpu.memory_space<semaphore_mem>>, %arg13: memref<!tpu.dma_semaphore, #tpu.memory_space<semaphore_mem>>, %arg14: memref<!tpu.dma_semaphore, #tpu.memory_space<semaphore_mem>>) attributes {dimension_semantics = [#tpu.dimension_semantics<core_parallel>, #tpu.dimension_semantics<subcore_parallel>], iteration_bounds = array<i64: 2, 16>, scalar_prefetch = 0 : i64, scratch_operands = 8 : i64, tpu.core_type = #tpu.core_type<sc_vector_subcore>, window_params = [{transform_indices = #map}, {transform_indices = #map1}, {transform_indices = #map1}, {transform_indices = #map}, {transform_indices = #map}]} {
    %mul3A = arith.constant 2 : i32
    %mul3A_0 = arith.muli %arg1, %mul3A : i32
    %add3A = arith.addi %mul3A_0, %arg0 : i32
    %mul3A_1 = arith.constant 512 : i32
    %mul3A_2 = arith.muli %add3A, %mul3A_1 : i32
    %add3A_3 = arith.constant 0 : i32
    %add3A_4 = arith.addi %mul3A_2, %add3A_3 : i32
    "tpu.region"() ({
      %run_scoped3A = tpu.sem_alloc : memref<!tpu.dma_semaphore, #tpu.memory_space<semaphore_mem>>
      %dma_start3A_127 = tpu.memref_slice %arg3[%add3A_4] : memref<16384xi32, #tpu.memory_space<hbm>> -> memref<128xi32, #tpu.memory_space<hbm>>
      %dma_start3A_128 = tpu.memref_slice %arg3[%add3A_4] : memref<16384xi32, #tpu.memory_space<hbm>> -> memref<128xi32, #tpu.memory_space<hbm>>
      tpu.enqueue_dma source(%dma_start3A_128 : memref<128xi32, #tpu.memory_space<hbm>>) target(%arg7 : memref<128xi32, #tpu.memory_space<vmem>>) target_semaphore(%run_scoped3A : memref<!tpu.dma_semaphore, #tpu.memory_space<semaphore_mem>>)
      %dma_wait3A_129 = tpu.memref_slice %arg3[%add3A_4] : memref<16384xi32, #tpu.memory_space<hbm>> -> memref<128xi32, #tpu.memory_space<hbm>>
      %dma_wait3A_130 = tpu.memref_slice %arg3[%add3A_4] : memref<16384xi32, #tpu.memory_space<hbm>> -> memref<128xi32, #tpu.memory_space<hbm>>
      tpu.wait_dma2 semaphore(%run_scoped3A : memref<!tpu.dma_semaphore, #tpu.memory_space<semaphore_mem>>) src(%dma_wait3A_130 : memref<128xi32, #tpu.memory_space<hbm>>) dst(%arg7 : memref<128xi32, #tpu.memory_space<vmem>>)
      tpu.yield
    }) : () -> ()
    "tpu.region"() ({
      %run_scoped3A = tpu.sem_alloc : memref<!tpu.dma_semaphore, #tpu.memory_space<semaphore_mem>>
      %dma_start3A_127 = tpu.memref_slice %arg4[%add3A_4] : memref<16384xi32, #tpu.memory_space<hbm>> -> memref<128xi32, #tpu.memory_space<hbm>>
      %dma_start3A_128 = tpu.memref_slice %arg4[%add3A_4] : memref<16384xi32, #tpu.memory_space<hbm>> -> memref<128xi32, #tpu.memory_space<hbm>>
      tpu.enqueue_dma source(%dma_start3A_128 : memref<128xi32, #tpu.memory_space<hbm>>) target(%arg8 : memref<128xi32, #tpu.memory_space<vmem>>) target_semaphore(%run_scoped3A : memref<!tpu.dma_semaphore, #tpu.memory_space<semaphore_mem>>)
      %dma_wait3A_129 = tpu.memref_slice %arg4[%add3A_4] : memref<16384xi32, #tpu.memory_space<hbm>> -> memref<128xi32, #tpu.memory_space<hbm>>
      %dma_wait3A_130 = tpu.memref_slice %arg4[%add3A_4] : memref<16384xi32, #tpu.memory_space<hbm>> -> memref<128xi32, #tpu.memory_space<hbm>>
      tpu.wait_dma2 semaphore(%run_scoped3A : memref<!tpu.dma_semaphore, #tpu.memory_space<semaphore_mem>>) src(%dma_wait3A_130 : memref<128xi32, #tpu.memory_space<hbm>>) dst(%arg8 : memref<128xi32, #tpu.memory_space<vmem>>)
      tpu.yield
    }) : () -> ()
    %dma_start3A = arith.constant 0 : i32
    %dma_start3A_5 = arith.constant 0 : i32
    %dma_start3A_6 = tpu.memref_slice %arg2[%dma_start3A, %dma_start3A_5] : memref<4096x256xf32, #tpu.memory_space<hbm>> -> memref<4096x256xf32, #tpu.memory_space<hbm>>
    tpu.enqueue_indirect_dma source(%dma_start3A_6 : memref<4096x256xf32, #tpu.memory_space<hbm>>) target(%arg9 : memref<128x256xf32, #tpu.memory_space<vmem>>) offsets(%arg7 : memref<128xi32, #tpu.memory_space<vmem>>) semaphore(%arg11 : memref<!tpu.dma_semaphore, #tpu.memory_space<semaphore_mem>>)
    %dma_start3A_7 = arith.constant 0 : i32
    %dma_start3A_8 = arith.constant 0 : i32
    %dma_start3A_9 = tpu.memref_slice %arg2[%dma_start3A_7, %dma_start3A_8] : memref<4096x256xf32, #tpu.memory_space<hbm>> -> memref<4096x256xf32, #tpu.memory_space<hbm>>
    tpu.enqueue_indirect_dma source(%dma_start3A_9 : memref<4096x256xf32, #tpu.memory_space<hbm>>) target(%arg10 : memref<128x256xf32, #tpu.memory_space<vmem>>) offsets(%arg8 : memref<128xi32, #tpu.memory_space<vmem>>) semaphore(%arg12 : memref<!tpu.dma_semaphore, #tpu.memory_space<semaphore_mem>>)
    %dma_wait3A = arith.constant 0 : i32
    %dma_wait3A_10 = arith.constant 0 : i32
    %dma_wait3A_11 = tpu.memref_slice %arg2[%dma_wait3A, %dma_wait3A_10] : memref<4096x256xf32, #tpu.memory_space<hbm>> -> memref<4096x256xf32, #tpu.memory_space<hbm>>
    tpu.wait_indirect_dma semaphore(%arg11 : memref<!tpu.dma_semaphore, #tpu.memory_space<semaphore_mem>>) src(%dma_wait3A_11 : memref<4096x256xf32, #tpu.memory_space<hbm>>) dst(%arg9 : memref<128x256xf32, #tpu.memory_space<vmem>>)
    %dma_start3A_12 = arith.constant 0 : i32
    %dma_start3A_13 = tpu.memref_slice %arg5[%add3A_4, %dma_start3A_12] : memref<16384x256xf32, #tpu.memory_space<hbm>> -> memref<128x256xf32, #tpu.memory_space<hbm>>
    %dma_start3A_14 = arith.constant 0 : i32
    %dma_start3A_15 = tpu.memref_slice %arg5[%add3A_4, %dma_start3A_14] : memref<16384x256xf32, #tpu.memory_space<hbm>> -> memref<128x256xf32, #tpu.memory_space<hbm>>
    tpu.enqueue_dma source(%arg9 : memref<128x256xf32, #tpu.memory_space<vmem>>) target(%dma_start3A_15 : memref<128x256xf32, #tpu.memory_space<hbm>>) target_semaphore(%arg13 : memref<!tpu.dma_semaphore, #tpu.memory_space<semaphore_mem>>)
    %dma_wait3A_16 = arith.constant 0 : i32
    %dma_wait3A_17 = arith.constant 0 : i32
    %dma_wait3A_18 = tpu.memref_slice %arg2[%dma_wait3A_16, %dma_wait3A_17] : memref<4096x256xf32, #tpu.memory_space<hbm>> -> memref<4096x256xf32, #tpu.memory_space<hbm>>
    tpu.wait_indirect_dma semaphore(%arg12 : memref<!tpu.dma_semaphore, #tpu.memory_space<semaphore_mem>>) src(%dma_wait3A_18 : memref<4096x256xf32, #tpu.memory_space<hbm>>) dst(%arg10 : memref<128x256xf32, #tpu.memory_space<vmem>>)
    %dma_start3A_19 = arith.constant 0 : i32
    %dma_start3A_20 = tpu.memref_slice %arg6[%add3A_4, %dma_start3A_19] : memref<16384x256xf32, #tpu.memory_space<hbm>> -> memref<128x256xf32, #tpu.memory_space<hbm>>
    %dma_start3A_21 = arith.constant 0 : i32
    %dma_start3A_22 = tpu.memref_slice %arg6[%add3A_4, %dma_start3A_21] : memref<16384x256xf32, #tpu.memory_space<hbm>> -> memref<128x256xf32, #tpu.memory_space<hbm>>
    tpu.enqueue_dma source(%arg10 : memref<128x256xf32, #tpu.memory_space<vmem>>) target(%dma_start3A_22 : memref<128x256xf32, #tpu.memory_space<hbm>>) target_semaphore(%arg14 : memref<!tpu.dma_semaphore, #tpu.memory_space<semaphore_mem>>)
    %mul3A_23 = arith.constant 512 : i32
    %mul3A_24 = arith.muli %add3A, %mul3A_23 : i32
    %add3A_25 = arith.constant 128 : i32
    %add3A_26 = arith.addi %mul3A_24, %add3A_25 : i32
    "tpu.region"() ({
      %run_scoped3A = tpu.sem_alloc : memref<!tpu.dma_semaphore, #tpu.memory_space<semaphore_mem>>
      %dma_start3A_127 = tpu.memref_slice %arg3[%add3A_26] : memref<16384xi32, #tpu.memory_space<hbm>> -> memref<128xi32, #tpu.memory_space<hbm>>
      %dma_start3A_128 = tpu.memref_slice %arg3[%add3A_26] : memref<16384xi32, #tpu.memory_space<hbm>> -> memref<128xi32, #tpu.memory_space<hbm>>
      tpu.enqueue_dma source(%dma_start3A_128 : memref<128xi32, #tpu.memory_space<hbm>>) target(%arg7 : memref<128xi32, #tpu.memory_space<vmem>>) target_semaphore(%run_scoped3A : memref<!tpu.dma_semaphore, #tpu.memory_space<semaphore_mem>>)
      %dma_wait3A_129 = tpu.memref_slice %arg3[%add3A_26] : memref<16384xi32, #tpu.memory_space<hbm>> -> memref<128xi32, #tpu.memory_space<hbm>>
      %dma_wait3A_130 = tpu.memref_slice %arg3[%add3A_26] : memref<16384xi32, #tpu.memory_space<hbm>> -> memref<128xi32, #tpu.memory_space<hbm>>
      tpu.wait_dma2 semaphore(%run_scoped3A : memref<!tpu.dma_semaphore, #tpu.memory_space<semaphore_mem>>) src(%dma_wait3A_130 : memref<128xi32, #tpu.memory_space<hbm>>) dst(%arg7 : memref<128xi32, #tpu.memory_space<vmem>>)
      tpu.yield
    }) : () -> ()
    "tpu.region"() ({
      %run_scoped3A = tpu.sem_alloc : memref<!tpu.dma_semaphore, #tpu.memory_space<semaphore_mem>>
      %dma_start3A_127 = tpu.memref_slice %arg4[%add3A_26] : memref<16384xi32, #tpu.memory_space<hbm>> -> memref<128xi32, #tpu.memory_space<hbm>>
      %dma_start3A_128 = tpu.memref_slice %arg4[%add3A_26] : memref<16384xi32, #tpu.memory_space<hbm>> -> memref<128xi32, #tpu.memory_space<hbm>>
      tpu.enqueue_dma source(%dma_start3A_128 : memref<128xi32, #tpu.memory_space<hbm>>) target(%arg8 : memref<128xi32, #tpu.memory_space<vmem>>) target_semaphore(%run_scoped3A : memref<!tpu.dma_semaphore, #tpu.memory_space<semaphore_mem>>)
      %dma_wait3A_129 = tpu.memref_slice %arg4[%add3A_26] : memref<16384xi32, #tpu.memory_space<hbm>> -> memref<128xi32, #tpu.memory_space<hbm>>
      %dma_wait3A_130 = tpu.memref_slice %arg4[%add3A_26] : memref<16384xi32, #tpu.memory_space<hbm>> -> memref<128xi32, #tpu.memory_space<hbm>>
      tpu.wait_dma2 semaphore(%run_scoped3A : memref<!tpu.dma_semaphore, #tpu.memory_space<semaphore_mem>>) src(%dma_wait3A_130 : memref<128xi32, #tpu.memory_space<hbm>>) dst(%arg8 : memref<128xi32, #tpu.memory_space<vmem>>)
      tpu.yield
    }) : () -> ()
    %dma_wait3A_27 = arith.constant 0 : i32
    %dma_wait3A_28 = tpu.memref_slice %arg5[%add3A_4, %dma_wait3A_27] : memref<16384x256xf32, #tpu.memory_space<hbm>> -> memref<128x256xf32, #tpu.memory_space<hbm>>
    %dma_wait3A_29 = arith.constant 0 : i32
    %dma_wait3A_30 = tpu.memref_slice %arg5[%add3A_4, %dma_wait3A_29] : memref<16384x256xf32, #tpu.memory_space<hbm>> -> memref<128x256xf32, #tpu.memory_space<hbm>>
    tpu.wait_dma2 semaphore(%arg13 : memref<!tpu.dma_semaphore, #tpu.memory_space<semaphore_mem>>) src(%arg9 : memref<128x256xf32, #tpu.memory_space<vmem>>) dst(%dma_wait3A_30 : memref<128x256xf32, #tpu.memory_space<hbm>>)
    %dma_wait3A_31 = arith.constant 0 : i32
    %dma_wait3A_32 = tpu.memref_slice %arg6[%add3A_4, %dma_wait3A_31] : memref<16384x256xf32, #tpu.memory_space<hbm>> -> memref<128x256xf32, #tpu.memory_space<hbm>>
    %dma_wait3A_33 = arith.constant 0 : i32
    %dma_wait3A_34 = tpu.memref_slice %arg6[%add3A_4, %dma_wait3A_33] : memref<16384x256xf32, #tpu.memory_space<hbm>> -> memref<128x256xf32, #tpu.memory_space<hbm>>
    tpu.wait_dma2 semaphore(%arg14 : memref<!tpu.dma_semaphore, #tpu.memory_space<semaphore_mem>>) src(%arg10 : memref<128x256xf32, #tpu.memory_space<vmem>>) dst(%dma_wait3A_34 : memref<128x256xf32, #tpu.memory_space<hbm>>)
    %dma_start3A_35 = arith.constant 0 : i32
    %dma_start3A_36 = arith.constant 0 : i32
    %dma_start3A_37 = tpu.memref_slice %arg2[%dma_start3A_35, %dma_start3A_36] : memref<4096x256xf32, #tpu.memory_space<hbm>> -> memref<4096x256xf32, #tpu.memory_space<hbm>>
    tpu.enqueue_indirect_dma source(%dma_start3A_37 : memref<4096x256xf32, #tpu.memory_space<hbm>>) target(%arg9 : memref<128x256xf32, #tpu.memory_space<vmem>>) offsets(%arg7 : memref<128xi32, #tpu.memory_space<vmem>>) semaphore(%arg11 : memref<!tpu.dma_semaphore, #tpu.memory_space<semaphore_mem>>)
    %dma_start3A_38 = arith.constant 0 : i32
    %dma_start3A_39 = arith.constant 0 : i32
    %dma_start3A_40 = tpu.memref_slice %arg2[%dma_start3A_38, %dma_start3A_39] : memref<4096x256xf32, #tpu.memory_space<hbm>> -> memref<4096x256xf32, #tpu.memory_space<hbm>>
    tpu.enqueue_indirect_dma source(%dma_start3A_40 : memref<4096x256xf32, #tpu.memory_space<hbm>>) target(%arg10 : memref<128x256xf32, #tpu.memory_space<vmem>>) offsets(%arg8 : memref<128xi32, #tpu.memory_space<vmem>>) semaphore(%arg12 : memref<!tpu.dma_semaphore, #tpu.memory_space<semaphore_mem>>)
    %dma_wait3A_41 = arith.constant 0 : i32
    %dma_wait3A_42 = arith.constant 0 : i32
    %dma_wait3A_43 = tpu.memref_slice %arg2[%dma_wait3A_41, %dma_wait3A_42] : memref<4096x256xf32, #tpu.memory_space<hbm>> -> memref<4096x256xf32, #tpu.memory_space<hbm>>
    tpu.wait_indirect_dma semaphore(%arg11 : memref<!tpu.dma_semaphore, #tpu.memory_space<semaphore_mem>>) src(%dma_wait3A_43 : memref<4096x256xf32, #tpu.memory_space<hbm>>) dst(%arg9 : memref<128x256xf32, #tpu.memory_space<vmem>>)
    %dma_start3A_44 = arith.constant 0 : i32
    %dma_start3A_45 = tpu.memref_slice %arg5[%add3A_26, %dma_start3A_44] : memref<16384x256xf32, #tpu.memory_space<hbm>> -> memref<128x256xf32, #tpu.memory_space<hbm>>
    %dma_start3A_46 = arith.constant 0 : i32
    %dma_start3A_47 = tpu.memref_slice %arg5[%add3A_26, %dma_start3A_46] : memref<16384x256xf32, #tpu.memory_space<hbm>> -> memref<128x256xf32, #tpu.memory_space<hbm>>
    tpu.enqueue_dma source(%arg9 : memref<128x256xf32, #tpu.memory_space<vmem>>) target(%dma_start3A_47 : memref<128x256xf32, #tpu.memory_space<hbm>>) target_semaphore(%arg13 : memref<!tpu.dma_semaphore, #tpu.memory_space<semaphore_mem>>)
    %dma_wait3A_48 = arith.constant 0 : i32
    %dma_wait3A_49 = arith.constant 0 : i32
    %dma_wait3A_50 = tpu.memref_slice %arg2[%dma_wait3A_48, %dma_wait3A_49] : memref<4096x256xf32, #tpu.memory_space<hbm>> -> memref<4096x256xf32, #tpu.memory_space<hbm>>
    tpu.wait_indirect_dma semaphore(%arg12 : memref<!tpu.dma_semaphore, #tpu.memory_space<semaphore_mem>>) src(%dma_wait3A_50 : memref<4096x256xf32, #tpu.memory_space<hbm>>) dst(%arg10 : memref<128x256xf32, #tpu.memory_space<vmem>>)
    %dma_start3A_51 = arith.constant 0 : i32
    %dma_start3A_52 = tpu.memref_slice %arg6[%add3A_26, %dma_start3A_51] : memref<16384x256xf32, #tpu.memory_space<hbm>> -> memref<128x256xf32, #tpu.memory_space<hbm>>
    %dma_start3A_53 = arith.constant 0 : i32
    %dma_start3A_54 = tpu.memref_slice %arg6[%add3A_26, %dma_start3A_53] : memref<16384x256xf32, #tpu.memory_space<hbm>> -> memref<128x256xf32, #tpu.memory_space<hbm>>
    tpu.enqueue_dma source(%arg10 : memref<128x256xf32, #tpu.memory_space<vmem>>) target(%dma_start3A_54 : memref<128x256xf32, #tpu.memory_space<hbm>>) target_semaphore(%arg14 : memref<!tpu.dma_semaphore, #tpu.memory_space<semaphore_mem>>)
    %mul3A_55 = arith.constant 512 : i32
    %mul3A_56 = arith.muli %add3A, %mul3A_55 : i32
    %add3A_57 = arith.constant 256 : i32
    %add3A_58 = arith.addi %mul3A_56, %add3A_57 : i32
    "tpu.region"() ({
      %run_scoped3A = tpu.sem_alloc : memref<!tpu.dma_semaphore, #tpu.memory_space<semaphore_mem>>
      %dma_start3A_127 = tpu.memref_slice %arg3[%add3A_58] : memref<16384xi32, #tpu.memory_space<hbm>> -> memref<128xi32, #tpu.memory_space<hbm>>
      %dma_start3A_128 = tpu.memref_slice %arg3[%add3A_58] : memref<16384xi32, #tpu.memory_space<hbm>> -> memref<128xi32, #tpu.memory_space<hbm>>
      tpu.enqueue_dma source(%dma_start3A_128 : memref<128xi32, #tpu.memory_space<hbm>>) target(%arg7 : memref<128xi32, #tpu.memory_space<vmem>>) target_semaphore(%run_scoped3A : memref<!tpu.dma_semaphore, #tpu.memory_space<semaphore_mem>>)
      %dma_wait3A_129 = tpu.memref_slice %arg3[%add3A_58] : memref<16384xi32, #tpu.memory_space<hbm>> -> memref<128xi32, #tpu.memory_space<hbm>>
      %dma_wait3A_130 = tpu.memref_slice %arg3[%add3A_58] : memref<16384xi32, #tpu.memory_space<hbm>> -> memref<128xi32, #tpu.memory_space<hbm>>
      tpu.wait_dma2 semaphore(%run_scoped3A : memref<!tpu.dma_semaphore, #tpu.memory_space<semaphore_mem>>) src(%dma_wait3A_130 : memref<128xi32, #tpu.memory_space<hbm>>) dst(%arg7 : memref<128xi32, #tpu.memory_space<vmem>>)
      tpu.yield
    }) : () -> ()
    "tpu.region"() ({
      %run_scoped3A = tpu.sem_alloc : memref<!tpu.dma_semaphore, #tpu.memory_space<semaphore_mem>>
      %dma_start3A_127 = tpu.memref_slice %arg4[%add3A_58] : memref<16384xi32, #tpu.memory_space<hbm>> -> memref<128xi32, #tpu.memory_space<hbm>>
      %dma_start3A_128 = tpu.memref_slice %arg4[%add3A_58] : memref<16384xi32, #tpu.memory_space<hbm>> -> memref<128xi32, #tpu.memory_space<hbm>>
      tpu.enqueue_dma source(%dma_start3A_128 : memref<128xi32, #tpu.memory_space<hbm>>) target(%arg8 : memref<128xi32, #tpu.memory_space<vmem>>) target_semaphore(%run_scoped3A : memref<!tpu.dma_semaphore, #tpu.memory_space<semaphore_mem>>)
      %dma_wait3A_129 = tpu.memref_slice %arg4[%add3A_58] : memref<16384xi32, #tpu.memory_space<hbm>> -> memref<128xi32, #tpu.memory_space<hbm>>
      %dma_wait3A_130 = tpu.memref_slice %arg4[%add3A_58] : memref<16384xi32, #tpu.memory_space<hbm>> -> memref<128xi32, #tpu.memory_space<hbm>>
      tpu.wait_dma2 semaphore(%run_scoped3A : memref<!tpu.dma_semaphore, #tpu.memory_space<semaphore_mem>>) src(%dma_wait3A_130 : memref<128xi32, #tpu.memory_space<hbm>>) dst(%arg8 : memref<128xi32, #tpu.memory_space<vmem>>)
      tpu.yield
    }) : () -> ()
    %dma_wait3A_59 = arith.constant 0 : i32
    %dma_wait3A_60 = tpu.memref_slice %arg5[%add3A_26, %dma_wait3A_59] : memref<16384x256xf32, #tpu.memory_space<hbm>> -> memref<128x256xf32, #tpu.memory_space<hbm>>
    %dma_wait3A_61 = arith.constant 0 : i32
    %dma_wait3A_62 = tpu.memref_slice %arg5[%add3A_26, %dma_wait3A_61] : memref<16384x256xf32, #tpu.memory_space<hbm>> -> memref<128x256xf32, #tpu.memory_space<hbm>>
    tpu.wait_dma2 semaphore(%arg13 : memref<!tpu.dma_semaphore, #tpu.memory_space<semaphore_mem>>) src(%arg9 : memref<128x256xf32, #tpu.memory_space<vmem>>) dst(%dma_wait3A_62 : memref<128x256xf32, #tpu.memory_space<hbm>>)
    %dma_wait3A_63 = arith.constant 0 : i32
    %dma_wait3A_64 = tpu.memref_slice %arg6[%add3A_26, %dma_wait3A_63] : memref<16384x256xf32, #tpu.memory_space<hbm>> -> memref<128x256xf32, #tpu.memory_space<hbm>>
    %dma_wait3A_65 = arith.constant 0 : i32
    %dma_wait3A_66 = tpu.memref_slice %arg6[%add3A_26, %dma_wait3A_65] : memref<16384x256xf32, #tpu.memory_space<hbm>> -> memref<128x256xf32, #tpu.memory_space<hbm>>
    tpu.wait_dma2 semaphore(%arg14 : memref<!tpu.dma_semaphore, #tpu.memory_space<semaphore_mem>>) src(%arg10 : memref<128x256xf32, #tpu.memory_space<vmem>>) dst(%dma_wait3A_66 : memref<128x256xf32, #tpu.memory_space<hbm>>)
    %dma_start3A_67 = arith.constant 0 : i32
    %dma_start3A_68 = arith.constant 0 : i32
    %dma_start3A_69 = tpu.memref_slice %arg2[%dma_start3A_67, %dma_start3A_68] : memref<4096x256xf32, #tpu.memory_space<hbm>> -> memref<4096x256xf32, #tpu.memory_space<hbm>>
    tpu.enqueue_indirect_dma source(%dma_start3A_69 : memref<4096x256xf32, #tpu.memory_space<hbm>>) target(%arg9 : memref<128x256xf32, #tpu.memory_space<vmem>>) offsets(%arg7 : memref<128xi32, #tpu.memory_space<vmem>>) semaphore(%arg11 : memref<!tpu.dma_semaphore, #tpu.memory_space<semaphore_mem>>)
    %dma_start3A_70 = arith.constant 0 : i32
    %dma_start3A_71 = arith.constant 0 : i32
    %dma_start3A_72 = tpu.memref_slice %arg2[%dma_start3A_70, %dma_start3A_71] : memref<4096x256xf32, #tpu.memory_space<hbm>> -> memref<4096x256xf32, #tpu.memory_space<hbm>>
    tpu.enqueue_indirect_dma source(%dma_start3A_72 : memref<4096x256xf32, #tpu.memory_space<hbm>>) target(%arg10 : memref<128x256xf32, #tpu.memory_space<vmem>>) offsets(%arg8 : memref<128xi32, #tpu.memory_space<vmem>>) semaphore(%arg12 : memref<!tpu.dma_semaphore, #tpu.memory_space<semaphore_mem>>)
    %dma_wait3A_73 = arith.constant 0 : i32
    %dma_wait3A_74 = arith.constant 0 : i32
    %dma_wait3A_75 = tpu.memref_slice %arg2[%dma_wait3A_73, %dma_wait3A_74] : memref<4096x256xf32, #tpu.memory_space<hbm>> -> memref<4096x256xf32, #tpu.memory_space<hbm>>
    tpu.wait_indirect_dma semaphore(%arg11 : memref<!tpu.dma_semaphore, #tpu.memory_space<semaphore_mem>>) src(%dma_wait3A_75 : memref<4096x256xf32, #tpu.memory_space<hbm>>) dst(%arg9 : memref<128x256xf32, #tpu.memory_space<vmem>>)
    %dma_start3A_76 = arith.constant 0 : i32
    %dma_start3A_77 = tpu.memref_slice %arg5[%add3A_58, %dma_start3A_76] : memref<16384x256xf32, #tpu.memory_space<hbm>> -> memref<128x256xf32, #tpu.memory_space<hbm>>
    %dma_start3A_78 = arith.constant 0 : i32
    %dma_start3A_79 = tpu.memref_slice %arg5[%add3A_58, %dma_start3A_78] : memref<16384x256xf32, #tpu.memory_space<hbm>> -> memref<128x256xf32, #tpu.memory_space<hbm>>
    tpu.enqueue_dma source(%arg9 : memref<128x256xf32, #tpu.memory_space<vmem>>) target(%dma_start3A_79 : memref<128x256xf32, #tpu.memory_space<hbm>>) target_semaphore(%arg13 : memref<!tpu.dma_semaphore, #tpu.memory_space<semaphore_mem>>)
    %dma_wait3A_80 = arith.constant 0 : i32
    %dma_wait3A_81 = arith.constant 0 : i32
    %dma_wait3A_82 = tpu.memref_slice %arg2[%dma_wait3A_80, %dma_wait3A_81] : memref<4096x256xf32, #tpu.memory_space<hbm>> -> memref<4096x256xf32, #tpu.memory_space<hbm>>
    tpu.wait_indirect_dma semaphore(%arg12 : memref<!tpu.dma_semaphore, #tpu.memory_space<semaphore_mem>>) src(%dma_wait3A_82 : memref<4096x256xf32, #tpu.memory_space<hbm>>) dst(%arg10 : memref<128x256xf32, #tpu.memory_space<vmem>>)
    %dma_start3A_83 = arith.constant 0 : i32
    %dma_start3A_84 = tpu.memref_slice %arg6[%add3A_58, %dma_start3A_83] : memref<16384x256xf32, #tpu.memory_space<hbm>> -> memref<128x256xf32, #tpu.memory_space<hbm>>
    %dma_start3A_85 = arith.constant 0 : i32
    %dma_start3A_86 = tpu.memref_slice %arg6[%add3A_58, %dma_start3A_85] : memref<16384x256xf32, #tpu.memory_space<hbm>> -> memref<128x256xf32, #tpu.memory_space<hbm>>
    tpu.enqueue_dma source(%arg10 : memref<128x256xf32, #tpu.memory_space<vmem>>) target(%dma_start3A_86 : memref<128x256xf32, #tpu.memory_space<hbm>>) target_semaphore(%arg14 : memref<!tpu.dma_semaphore, #tpu.memory_space<semaphore_mem>>)
    %mul3A_87 = arith.constant 512 : i32
    %mul3A_88 = arith.muli %add3A, %mul3A_87 : i32
    %add3A_89 = arith.constant 384 : i32
    %add3A_90 = arith.addi %mul3A_88, %add3A_89 : i32
    "tpu.region"() ({
      %run_scoped3A = tpu.sem_alloc : memref<!tpu.dma_semaphore, #tpu.memory_space<semaphore_mem>>
      %dma_start3A_127 = tpu.memref_slice %arg3[%add3A_90] : memref<16384xi32, #tpu.memory_space<hbm>> -> memref<128xi32, #tpu.memory_space<hbm>>
      %dma_start3A_128 = tpu.memref_slice %arg3[%add3A_90] : memref<16384xi32, #tpu.memory_space<hbm>> -> memref<128xi32, #tpu.memory_space<hbm>>
      tpu.enqueue_dma source(%dma_start3A_128 : memref<128xi32, #tpu.memory_space<hbm>>) target(%arg7 : memref<128xi32, #tpu.memory_space<vmem>>) target_semaphore(%run_scoped3A : memref<!tpu.dma_semaphore, #tpu.memory_space<semaphore_mem>>)
      %dma_wait3A_129 = tpu.memref_slice %arg3[%add3A_90] : memref<16384xi32, #tpu.memory_space<hbm>> -> memref<128xi32, #tpu.memory_space<hbm>>
      %dma_wait3A_130 = tpu.memref_slice %arg3[%add3A_90] : memref<16384xi32, #tpu.memory_space<hbm>> -> memref<128xi32, #tpu.memory_space<hbm>>
      tpu.wait_dma2 semaphore(%run_scoped3A : memref<!tpu.dma_semaphore, #tpu.memory_space<semaphore_mem>>) src(%dma_wait3A_130 : memref<128xi32, #tpu.memory_space<hbm>>) dst(%arg7 : memref<128xi32, #tpu.memory_space<vmem>>)
      tpu.yield
    }) : () -> ()
    "tpu.region"() ({
      %run_scoped3A = tpu.sem_alloc : memref<!tpu.dma_semaphore, #tpu.memory_space<semaphore_mem>>
      %dma_start3A_127 = tpu.memref_slice %arg4[%add3A_90] : memref<16384xi32, #tpu.memory_space<hbm>> -> memref<128xi32, #tpu.memory_space<hbm>>
      %dma_start3A_128 = tpu.memref_slice %arg4[%add3A_90] : memref<16384xi32, #tpu.memory_space<hbm>> -> memref<128xi32, #tpu.memory_space<hbm>>
      tpu.enqueue_dma source(%dma_start3A_128 : memref<128xi32, #tpu.memory_space<hbm>>) target(%arg8 : memref<128xi32, #tpu.memory_space<vmem>>) target_semaphore(%run_scoped3A : memref<!tpu.dma_semaphore, #tpu.memory_space<semaphore_mem>>)
      %dma_wait3A_129 = tpu.memref_slice %arg4[%add3A_90] : memref<16384xi32, #tpu.memory_space<hbm>> -> memref<128xi32, #tpu.memory_space<hbm>>
      %dma_wait3A_130 = tpu.memref_slice %arg4[%add3A_90] : memref<16384xi32, #tpu.memory_space<hbm>> -> memref<128xi32, #tpu.memory_space<hbm>>
      tpu.wait_dma2 semaphore(%run_scoped3A : memref<!tpu.dma_semaphore, #tpu.memory_space<semaphore_mem>>) src(%dma_wait3A_130 : memref<128xi32, #tpu.memory_space<hbm>>) dst(%arg8 : memref<128xi32, #tpu.memory_space<vmem>>)
      tpu.yield
    }) : () -> ()
    %dma_wait3A_91 = arith.constant 0 : i32
    %dma_wait3A_92 = tpu.memref_slice %arg5[%add3A_58, %dma_wait3A_91] : memref<16384x256xf32, #tpu.memory_space<hbm>> -> memref<128x256xf32, #tpu.memory_space<hbm>>
    %dma_wait3A_93 = arith.constant 0 : i32
    %dma_wait3A_94 = tpu.memref_slice %arg5[%add3A_58, %dma_wait3A_93] : memref<16384x256xf32, #tpu.memory_space<hbm>> -> memref<128x256xf32, #tpu.memory_space<hbm>>
    tpu.wait_dma2 semaphore(%arg13 : memref<!tpu.dma_semaphore, #tpu.memory_space<semaphore_mem>>) src(%arg9 : memref<128x256xf32, #tpu.memory_space<vmem>>) dst(%dma_wait3A_94 : memref<128x256xf32, #tpu.memory_space<hbm>>)
    %dma_wait3A_95 = arith.constant 0 : i32
    %dma_wait3A_96 = tpu.memref_slice %arg6[%add3A_58, %dma_wait3A_95] : memref<16384x256xf32, #tpu.memory_space<hbm>> -> memref<128x256xf32, #tpu.memory_space<hbm>>
    %dma_wait3A_97 = arith.constant 0 : i32
    %dma_wait3A_98 = tpu.memref_slice %arg6[%add3A_58, %dma_wait3A_97] : memref<16384x256xf32, #tpu.memory_space<hbm>> -> memref<128x256xf32, #tpu.memory_space<hbm>>
    tpu.wait_dma2 semaphore(%arg14 : memref<!tpu.dma_semaphore, #tpu.memory_space<semaphore_mem>>) src(%arg10 : memref<128x256xf32, #tpu.memory_space<vmem>>) dst(%dma_wait3A_98 : memref<128x256xf32, #tpu.memory_space<hbm>>)
    %dma_start3A_99 = arith.constant 0 : i32
    %dma_start3A_100 = arith.constant 0 : i32
    %dma_start3A_101 = tpu.memref_slice %arg2[%dma_start3A_99, %dma_start3A_100] : memref<4096x256xf32, #tpu.memory_space<hbm>> -> memref<4096x256xf32, #tpu.memory_space<hbm>>
    tpu.enqueue_indirect_dma source(%dma_start3A_101 : memref<4096x256xf32, #tpu.memory_space<hbm>>) target(%arg9 : memref<128x256xf32, #tpu.memory_space<vmem>>) offsets(%arg7 : memref<128xi32, #tpu.memory_space<vmem>>) semaphore(%arg11 : memref<!tpu.dma_semaphore, #tpu.memory_space<semaphore_mem>>)
    %dma_start3A_102 = arith.constant 0 : i32
    %dma_start3A_103 = arith.constant 0 : i32
    %dma_start3A_104 = tpu.memref_slice %arg2[%dma_start3A_102, %dma_start3A_103] : memref<4096x256xf32, #tpu.memory_space<hbm>> -> memref<4096x256xf32, #tpu.memory_space<hbm>>
    tpu.enqueue_indirect_dma source(%dma_start3A_104 : memref<4096x256xf32, #tpu.memory_space<hbm>>) target(%arg10 : memref<128x256xf32, #tpu.memory_space<vmem>>) offsets(%arg8 : memref<128xi32, #tpu.memory_space<vmem>>) semaphore(%arg12 : memref<!tpu.dma_semaphore, #tpu.memory_space<semaphore_mem>>)
    %dma_wait3A_105 = arith.constant 0 : i32
    %dma_wait3A_106 = arith.constant 0 : i32
    %dma_wait3A_107 = tpu.memref_slice %arg2[%dma_wait3A_105, %dma_wait3A_106] : memref<4096x256xf32, #tpu.memory_space<hbm>> -> memref<4096x256xf32, #tpu.memory_space<hbm>>
    tpu.wait_indirect_dma semaphore(%arg11 : memref<!tpu.dma_semaphore, #tpu.memory_space<semaphore_mem>>) src(%dma_wait3A_107 : memref<4096x256xf32, #tpu.memory_space<hbm>>) dst(%arg9 : memref<128x256xf32, #tpu.memory_space<vmem>>)
    %dma_start3A_108 = arith.constant 0 : i32
    %dma_start3A_109 = tpu.memref_slice %arg5[%add3A_90, %dma_start3A_108] : memref<16384x256xf32, #tpu.memory_space<hbm>> -> memref<128x256xf32, #tpu.memory_space<hbm>>
    %dma_start3A_110 = arith.constant 0 : i32
    %dma_start3A_111 = tpu.memref_slice %arg5[%add3A_90, %dma_start3A_110] : memref<16384x256xf32, #tpu.memory_space<hbm>> -> memref<128x256xf32, #tpu.memory_space<hbm>>
    tpu.enqueue_dma source(%arg9 : memref<128x256xf32, #tpu.memory_space<vmem>>) target(%dma_start3A_111 : memref<128x256xf32, #tpu.memory_space<hbm>>) target_semaphore(%arg13 : memref<!tpu.dma_semaphore, #tpu.memory_space<semaphore_mem>>)
    %dma_wait3A_112 = arith.constant 0 : i32
    %dma_wait3A_113 = arith.constant 0 : i32
    %dma_wait3A_114 = tpu.memref_slice %arg2[%dma_wait3A_112, %dma_wait3A_113] : memref<4096x256xf32, #tpu.memory_space<hbm>> -> memref<4096x256xf32, #tpu.memory_space<hbm>>
    tpu.wait_indirect_dma semaphore(%arg12 : memref<!tpu.dma_semaphore, #tpu.memory_space<semaphore_mem>>) src(%dma_wait3A_114 : memref<4096x256xf32, #tpu.memory_space<hbm>>) dst(%arg10 : memref<128x256xf32, #tpu.memory_space<vmem>>)
    %dma_start3A_115 = arith.constant 0 : i32
    %dma_start3A_116 = tpu.memref_slice %arg6[%add3A_90, %dma_start3A_115] : memref<16384x256xf32, #tpu.memory_space<hbm>> -> memref<128x256xf32, #tpu.memory_space<hbm>>
    %dma_start3A_117 = arith.constant 0 : i32
    %dma_start3A_118 = tpu.memref_slice %arg6[%add3A_90, %dma_start3A_117] : memref<16384x256xf32, #tpu.memory_space<hbm>> -> memref<128x256xf32, #tpu.memory_space<hbm>>
    tpu.enqueue_dma source(%arg10 : memref<128x256xf32, #tpu.memory_space<vmem>>) target(%dma_start3A_118 : memref<128x256xf32, #tpu.memory_space<hbm>>) target_semaphore(%arg14 : memref<!tpu.dma_semaphore, #tpu.memory_space<semaphore_mem>>)
    %dma_wait3A_119 = arith.constant 0 : i32
    %dma_wait3A_120 = tpu.memref_slice %arg5[%add3A_90, %dma_wait3A_119] : memref<16384x256xf32, #tpu.memory_space<hbm>> -> memref<128x256xf32, #tpu.memory_space<hbm>>
    %dma_wait3A_121 = arith.constant 0 : i32
    %dma_wait3A_122 = tpu.memref_slice %arg5[%add3A_90, %dma_wait3A_121] : memref<16384x256xf32, #tpu.memory_space<hbm>> -> memref<128x256xf32, #tpu.memory_space<hbm>>
    tpu.wait_dma2 semaphore(%arg13 : memref<!tpu.dma_semaphore, #tpu.memory_space<semaphore_mem>>) src(%arg9 : memref<128x256xf32, #tpu.memory_space<vmem>>) dst(%dma_wait3A_122 : memref<128x256xf32, #tpu.memory_space<hbm>>)
    %dma_wait3A_123 = arith.constant 0 : i32
    %dma_wait3A_124 = tpu.memref_slice %arg6[%add3A_90, %dma_wait3A_123] : memref<16384x256xf32, #tpu.memory_space<hbm>> -> memref<128x256xf32, #tpu.memory_space<hbm>>
    %dma_wait3A_125 = arith.constant 0 : i32
    %dma_wait3A_126 = tpu.memref_slice %arg6[%add3A_90, %dma_wait3A_125] : memref<16384x256xf32, #tpu.memory_space<hbm>> -> memref<128x256xf32, #tpu.memory_space<hbm>>
    tpu.wait_dma2 semaphore(%arg14 : memref<!tpu.dma_semaphore, #tpu.memory_space<semaphore_mem>>) src(%arg10 : memref<128x256xf32, #tpu.memory_space<vmem>>) dst(%dma_wait3A_126 : memref<128x256xf32, #tpu.memory_space<hbm>>)
    return
  }
}

#map = affine_map<(d0, d1) -> (0, 0)>
#map1 = affine_map<(d0, d1) -> (0)>
module attributes {stable_mosaic.version = 14 : i64} {
  func.func @gk(%arg0: i32, %arg1: i32, %arg2: memref<256x512xf32, #tpu.memory_space<hbm>>, %arg3: memref<1024xi32, #tpu.memory_space<hbm>>, %arg4: memref<1024xi32, #tpu.memory_space<hbm>>, %arg5: memref<1024x512xf32, #tpu.memory_space<hbm>>, %arg6: memref<1024x512xf32, #tpu.memory_space<hbm>>, %arg7: memref<32xi32, #tpu.memory_space<vmem>>, %arg8: memref<32xi32, #tpu.memory_space<vmem>>, %arg9: memref<32x512xf32, #tpu.memory_space<vmem>>, %arg10: memref<32x512xf32, #tpu.memory_space<vmem>>, %arg11: memref<!tpu.dma_semaphore, #tpu.memory_space<semaphore_mem>>, %arg12: memref<!tpu.dma_semaphore, #tpu.memory_space<semaphore_mem>>, %arg13: memref<!tpu.dma_semaphore, #tpu.memory_space<semaphore_mem>>, %arg14: memref<!tpu.dma_semaphore, #tpu.memory_space<semaphore_mem>>) attributes {dimension_semantics = [#tpu.dimension_semantics<core_parallel>, #tpu.dimension_semantics<subcore_parallel>], iteration_bounds = array<i64: 2, 16>, scalar_prefetch = 0 : i64, scratch_operands = 8 : i64, tpu.core_type = #tpu.core_type<sc_vector_subcore>, window_params = [{transform_indices = #map}, {transform_indices = #map1}, {transform_indices = #map1}, {transform_indices = #map}, {transform_indices = #map}]} {
    %mul3A = arith.constant 2 : i32
    %mul3A_0 = arith.muli %arg1, %mul3A : i32
    %add3A = arith.addi %mul3A_0, %arg0 : i32
    %mul3A_1 = arith.constant 32 : i32
    %mul3A_2 = arith.muli %add3A, %mul3A_1 : i32
    %add3A_3 = arith.constant 0 : i32
    %add3A_4 = arith.addi %mul3A_2, %add3A_3 : i32
    "tpu.region"() ({
      %run_scoped3A = tpu.sem_alloc : memref<!tpu.dma_semaphore, #tpu.memory_space<semaphore_mem>>
      %dma_start3A_31 = tpu.memref_slice %arg3[%add3A_4] : memref<1024xi32, #tpu.memory_space<hbm>> -> memref<32xi32, #tpu.memory_space<hbm>>
      %dma_start3A_32 = tpu.memref_slice %arg3[%add3A_4] : memref<1024xi32, #tpu.memory_space<hbm>> -> memref<32xi32, #tpu.memory_space<hbm>>
      tpu.enqueue_dma source(%dma_start3A_32 : memref<32xi32, #tpu.memory_space<hbm>>) target(%arg7 : memref<32xi32, #tpu.memory_space<vmem>>) target_semaphore(%run_scoped3A : memref<!tpu.dma_semaphore, #tpu.memory_space<semaphore_mem>>)
      %dma_wait3A_33 = tpu.memref_slice %arg3[%add3A_4] : memref<1024xi32, #tpu.memory_space<hbm>> -> memref<32xi32, #tpu.memory_space<hbm>>
      %dma_wait3A_34 = tpu.memref_slice %arg3[%add3A_4] : memref<1024xi32, #tpu.memory_space<hbm>> -> memref<32xi32, #tpu.memory_space<hbm>>
      tpu.wait_dma2 semaphore(%run_scoped3A : memref<!tpu.dma_semaphore, #tpu.memory_space<semaphore_mem>>) src(%dma_wait3A_34 : memref<32xi32, #tpu.memory_space<hbm>>) dst(%arg7 : memref<32xi32, #tpu.memory_space<vmem>>)
      tpu.yield
    }) : () -> ()
    "tpu.region"() ({
      %run_scoped3A = tpu.sem_alloc : memref<!tpu.dma_semaphore, #tpu.memory_space<semaphore_mem>>
      %dma_start3A_31 = tpu.memref_slice %arg4[%add3A_4] : memref<1024xi32, #tpu.memory_space<hbm>> -> memref<32xi32, #tpu.memory_space<hbm>>
      %dma_start3A_32 = tpu.memref_slice %arg4[%add3A_4] : memref<1024xi32, #tpu.memory_space<hbm>> -> memref<32xi32, #tpu.memory_space<hbm>>
      tpu.enqueue_dma source(%dma_start3A_32 : memref<32xi32, #tpu.memory_space<hbm>>) target(%arg8 : memref<32xi32, #tpu.memory_space<vmem>>) target_semaphore(%run_scoped3A : memref<!tpu.dma_semaphore, #tpu.memory_space<semaphore_mem>>)
      %dma_wait3A_33 = tpu.memref_slice %arg4[%add3A_4] : memref<1024xi32, #tpu.memory_space<hbm>> -> memref<32xi32, #tpu.memory_space<hbm>>
      %dma_wait3A_34 = tpu.memref_slice %arg4[%add3A_4] : memref<1024xi32, #tpu.memory_space<hbm>> -> memref<32xi32, #tpu.memory_space<hbm>>
      tpu.wait_dma2 semaphore(%run_scoped3A : memref<!tpu.dma_semaphore, #tpu.memory_space<semaphore_mem>>) src(%dma_wait3A_34 : memref<32xi32, #tpu.memory_space<hbm>>) dst(%arg8 : memref<32xi32, #tpu.memory_space<vmem>>)
      tpu.yield
    }) : () -> ()
    %dma_start3A = arith.constant 0 : i32
    %dma_start3A_5 = arith.constant 0 : i32
    %dma_start3A_6 = tpu.memref_slice %arg2[%dma_start3A, %dma_start3A_5] : memref<256x512xf32, #tpu.memory_space<hbm>> -> memref<256x512xf32, #tpu.memory_space<hbm>>
    tpu.enqueue_indirect_dma source(%dma_start3A_6 : memref<256x512xf32, #tpu.memory_space<hbm>>) target(%arg9 : memref<32x512xf32, #tpu.memory_space<vmem>>) offsets(%arg7 : memref<32xi32, #tpu.memory_space<vmem>>) semaphore(%arg11 : memref<!tpu.dma_semaphore, #tpu.memory_space<semaphore_mem>>)
    %dma_start3A_7 = arith.constant 0 : i32
    %dma_start3A_8 = arith.constant 0 : i32
    %dma_start3A_9 = tpu.memref_slice %arg2[%dma_start3A_7, %dma_start3A_8] : memref<256x512xf32, #tpu.memory_space<hbm>> -> memref<256x512xf32, #tpu.memory_space<hbm>>
    tpu.enqueue_indirect_dma source(%dma_start3A_9 : memref<256x512xf32, #tpu.memory_space<hbm>>) target(%arg10 : memref<32x512xf32, #tpu.memory_space<vmem>>) offsets(%arg8 : memref<32xi32, #tpu.memory_space<vmem>>) semaphore(%arg12 : memref<!tpu.dma_semaphore, #tpu.memory_space<semaphore_mem>>)
    %dma_wait3A = arith.constant 0 : i32
    %dma_wait3A_10 = arith.constant 0 : i32
    %dma_wait3A_11 = tpu.memref_slice %arg2[%dma_wait3A, %dma_wait3A_10] : memref<256x512xf32, #tpu.memory_space<hbm>> -> memref<256x512xf32, #tpu.memory_space<hbm>>
    tpu.wait_indirect_dma semaphore(%arg11 : memref<!tpu.dma_semaphore, #tpu.memory_space<semaphore_mem>>) src(%dma_wait3A_11 : memref<256x512xf32, #tpu.memory_space<hbm>>) dst(%arg9 : memref<32x512xf32, #tpu.memory_space<vmem>>)
    %dma_start3A_12 = arith.constant 0 : i32
    %dma_start3A_13 = tpu.memref_slice %arg5[%add3A_4, %dma_start3A_12] : memref<1024x512xf32, #tpu.memory_space<hbm>> -> memref<32x512xf32, #tpu.memory_space<hbm>>
    %dma_start3A_14 = arith.constant 0 : i32
    %dma_start3A_15 = tpu.memref_slice %arg5[%add3A_4, %dma_start3A_14] : memref<1024x512xf32, #tpu.memory_space<hbm>> -> memref<32x512xf32, #tpu.memory_space<hbm>>
    tpu.enqueue_dma source(%arg9 : memref<32x512xf32, #tpu.memory_space<vmem>>) target(%dma_start3A_15 : memref<32x512xf32, #tpu.memory_space<hbm>>) target_semaphore(%arg13 : memref<!tpu.dma_semaphore, #tpu.memory_space<semaphore_mem>>)
    %dma_wait3A_16 = arith.constant 0 : i32
    %dma_wait3A_17 = arith.constant 0 : i32
    %dma_wait3A_18 = tpu.memref_slice %arg2[%dma_wait3A_16, %dma_wait3A_17] : memref<256x512xf32, #tpu.memory_space<hbm>> -> memref<256x512xf32, #tpu.memory_space<hbm>>
    tpu.wait_indirect_dma semaphore(%arg12 : memref<!tpu.dma_semaphore, #tpu.memory_space<semaphore_mem>>) src(%dma_wait3A_18 : memref<256x512xf32, #tpu.memory_space<hbm>>) dst(%arg10 : memref<32x512xf32, #tpu.memory_space<vmem>>)
    %dma_start3A_19 = arith.constant 0 : i32
    %dma_start3A_20 = tpu.memref_slice %arg6[%add3A_4, %dma_start3A_19] : memref<1024x512xf32, #tpu.memory_space<hbm>> -> memref<32x512xf32, #tpu.memory_space<hbm>>
    %dma_start3A_21 = arith.constant 0 : i32
    %dma_start3A_22 = tpu.memref_slice %arg6[%add3A_4, %dma_start3A_21] : memref<1024x512xf32, #tpu.memory_space<hbm>> -> memref<32x512xf32, #tpu.memory_space<hbm>>
    tpu.enqueue_dma source(%arg10 : memref<32x512xf32, #tpu.memory_space<vmem>>) target(%dma_start3A_22 : memref<32x512xf32, #tpu.memory_space<hbm>>) target_semaphore(%arg14 : memref<!tpu.dma_semaphore, #tpu.memory_space<semaphore_mem>>)
    %dma_wait3A_23 = arith.constant 0 : i32
    %dma_wait3A_24 = tpu.memref_slice %arg5[%add3A_4, %dma_wait3A_23] : memref<1024x512xf32, #tpu.memory_space<hbm>> -> memref<32x512xf32, #tpu.memory_space<hbm>>
    %dma_wait3A_25 = arith.constant 0 : i32
    %dma_wait3A_26 = tpu.memref_slice %arg5[%add3A_4, %dma_wait3A_25] : memref<1024x512xf32, #tpu.memory_space<hbm>> -> memref<32x512xf32, #tpu.memory_space<hbm>>
    tpu.wait_dma2 semaphore(%arg13 : memref<!tpu.dma_semaphore, #tpu.memory_space<semaphore_mem>>) src(%arg9 : memref<32x512xf32, #tpu.memory_space<vmem>>) dst(%dma_wait3A_26 : memref<32x512xf32, #tpu.memory_space<hbm>>)
    %dma_wait3A_27 = arith.constant 0 : i32
    %dma_wait3A_28 = tpu.memref_slice %arg6[%add3A_4, %dma_wait3A_27] : memref<1024x512xf32, #tpu.memory_space<hbm>> -> memref<32x512xf32, #tpu.memory_space<hbm>>
    %dma_wait3A_29 = arith.constant 0 : i32
    %dma_wait3A_30 = tpu.memref_slice %arg6[%add3A_4, %dma_wait3A_29] : memref<1024x512xf32, #tpu.memory_space<hbm>> -> memref<32x512xf32, #tpu.memory_space<hbm>>
    tpu.wait_dma2 semaphore(%arg14 : memref<!tpu.dma_semaphore, #tpu.memory_space<semaphore_mem>>) src(%arg10 : memref<32x512xf32, #tpu.memory_space<vmem>>) dst(%dma_wait3A_30 : memref<32x512xf32, #tpu.memory_space<hbm>>)
    return
  }
}

#map = affine_map<(d0, d1) -> (0, 0)>
#map1 = affine_map<(d0, d1) -> (0)>
module attributes {stable_mosaic.version = 14 : i64} {
  func.func @gk(%arg0: i32, %arg1: i32, %arg2: memref<1024x256xf32, #tpu.memory_space<hbm>>, %arg3: memref<4096xi32, #tpu.memory_space<hbm>>, %arg4: memref<4096xi32, #tpu.memory_space<hbm>>, %arg5: memref<4096x256xf32, #tpu.memory_space<hbm>>, %arg6: memref<4096x256xf32, #tpu.memory_space<hbm>>, %arg7: memref<128xi32, #tpu.memory_space<vmem>>, %arg8: memref<128xi32, #tpu.memory_space<vmem>>, %arg9: memref<128x256xf32, #tpu.memory_space<vmem>>, %arg10: memref<128x256xf32, #tpu.memory_space<vmem>>, %arg11: memref<!tpu.dma_semaphore, #tpu.memory_space<semaphore_mem>>, %arg12: memref<!tpu.dma_semaphore, #tpu.memory_space<semaphore_mem>>, %arg13: memref<!tpu.dma_semaphore, #tpu.memory_space<semaphore_mem>>, %arg14: memref<!tpu.dma_semaphore, #tpu.memory_space<semaphore_mem>>) attributes {dimension_semantics = [#tpu.dimension_semantics<core_parallel>, #tpu.dimension_semantics<subcore_parallel>], iteration_bounds = array<i64: 2, 16>, scalar_prefetch = 0 : i64, scratch_operands = 8 : i64, tpu.core_type = #tpu.core_type<sc_vector_subcore>, window_params = [{transform_indices = #map}, {transform_indices = #map1}, {transform_indices = #map1}, {transform_indices = #map}, {transform_indices = #map}]} {
    %mul3A = arith.constant 2 : i32
    %mul3A_0 = arith.muli %arg1, %mul3A : i32
    %add3A = arith.addi %mul3A_0, %arg0 : i32
    %mul3A_1 = arith.constant 128 : i32
    %mul3A_2 = arith.muli %add3A, %mul3A_1 : i32
    %add3A_3 = arith.constant 0 : i32
    %add3A_4 = arith.addi %mul3A_2, %add3A_3 : i32
    "tpu.region"() ({
      %run_scoped3A = tpu.sem_alloc : memref<!tpu.dma_semaphore, #tpu.memory_space<semaphore_mem>>
      %dma_start3A_31 = tpu.memref_slice %arg3[%add3A_4] : memref<4096xi32, #tpu.memory_space<hbm>> -> memref<128xi32, #tpu.memory_space<hbm>>
      %dma_start3A_32 = tpu.memref_slice %arg3[%add3A_4] : memref<4096xi32, #tpu.memory_space<hbm>> -> memref<128xi32, #tpu.memory_space<hbm>>
      tpu.enqueue_dma source(%dma_start3A_32 : memref<128xi32, #tpu.memory_space<hbm>>) target(%arg7 : memref<128xi32, #tpu.memory_space<vmem>>) target_semaphore(%run_scoped3A : memref<!tpu.dma_semaphore, #tpu.memory_space<semaphore_mem>>)
      %dma_wait3A_33 = tpu.memref_slice %arg3[%add3A_4] : memref<4096xi32, #tpu.memory_space<hbm>> -> memref<128xi32, #tpu.memory_space<hbm>>
      %dma_wait3A_34 = tpu.memref_slice %arg3[%add3A_4] : memref<4096xi32, #tpu.memory_space<hbm>> -> memref<128xi32, #tpu.memory_space<hbm>>
      tpu.wait_dma2 semaphore(%run_scoped3A : memref<!tpu.dma_semaphore, #tpu.memory_space<semaphore_mem>>) src(%dma_wait3A_34 : memref<128xi32, #tpu.memory_space<hbm>>) dst(%arg7 : memref<128xi32, #tpu.memory_space<vmem>>)
      tpu.yield
    }) : () -> ()
    "tpu.region"() ({
      %run_scoped3A = tpu.sem_alloc : memref<!tpu.dma_semaphore, #tpu.memory_space<semaphore_mem>>
      %dma_start3A_31 = tpu.memref_slice %arg4[%add3A_4] : memref<4096xi32, #tpu.memory_space<hbm>> -> memref<128xi32, #tpu.memory_space<hbm>>
      %dma_start3A_32 = tpu.memref_slice %arg4[%add3A_4] : memref<4096xi32, #tpu.memory_space<hbm>> -> memref<128xi32, #tpu.memory_space<hbm>>
      tpu.enqueue_dma source(%dma_start3A_32 : memref<128xi32, #tpu.memory_space<hbm>>) target(%arg8 : memref<128xi32, #tpu.memory_space<vmem>>) target_semaphore(%run_scoped3A : memref<!tpu.dma_semaphore, #tpu.memory_space<semaphore_mem>>)
      %dma_wait3A_33 = tpu.memref_slice %arg4[%add3A_4] : memref<4096xi32, #tpu.memory_space<hbm>> -> memref<128xi32, #tpu.memory_space<hbm>>
      %dma_wait3A_34 = tpu.memref_slice %arg4[%add3A_4] : memref<4096xi32, #tpu.memory_space<hbm>> -> memref<128xi32, #tpu.memory_space<hbm>>
      tpu.wait_dma2 semaphore(%run_scoped3A : memref<!tpu.dma_semaphore, #tpu.memory_space<semaphore_mem>>) src(%dma_wait3A_34 : memref<128xi32, #tpu.memory_space<hbm>>) dst(%arg8 : memref<128xi32, #tpu.memory_space<vmem>>)
      tpu.yield
    }) : () -> ()
    %dma_start3A = arith.constant 0 : i32
    %dma_start3A_5 = arith.constant 0 : i32
    %dma_start3A_6 = tpu.memref_slice %arg2[%dma_start3A, %dma_start3A_5] : memref<1024x256xf32, #tpu.memory_space<hbm>> -> memref<1024x256xf32, #tpu.memory_space<hbm>>
    tpu.enqueue_indirect_dma source(%dma_start3A_6 : memref<1024x256xf32, #tpu.memory_space<hbm>>) target(%arg9 : memref<128x256xf32, #tpu.memory_space<vmem>>) offsets(%arg7 : memref<128xi32, #tpu.memory_space<vmem>>) semaphore(%arg11 : memref<!tpu.dma_semaphore, #tpu.memory_space<semaphore_mem>>)
    %dma_start3A_7 = arith.constant 0 : i32
    %dma_start3A_8 = arith.constant 0 : i32
    %dma_start3A_9 = tpu.memref_slice %arg2[%dma_start3A_7, %dma_start3A_8] : memref<1024x256xf32, #tpu.memory_space<hbm>> -> memref<1024x256xf32, #tpu.memory_space<hbm>>
    tpu.enqueue_indirect_dma source(%dma_start3A_9 : memref<1024x256xf32, #tpu.memory_space<hbm>>) target(%arg10 : memref<128x256xf32, #tpu.memory_space<vmem>>) offsets(%arg8 : memref<128xi32, #tpu.memory_space<vmem>>) semaphore(%arg12 : memref<!tpu.dma_semaphore, #tpu.memory_space<semaphore_mem>>)
    %dma_wait3A = arith.constant 0 : i32
    %dma_wait3A_10 = arith.constant 0 : i32
    %dma_wait3A_11 = tpu.memref_slice %arg2[%dma_wait3A, %dma_wait3A_10] : memref<1024x256xf32, #tpu.memory_space<hbm>> -> memref<1024x256xf32, #tpu.memory_space<hbm>>
    tpu.wait_indirect_dma semaphore(%arg11 : memref<!tpu.dma_semaphore, #tpu.memory_space<semaphore_mem>>) src(%dma_wait3A_11 : memref<1024x256xf32, #tpu.memory_space<hbm>>) dst(%arg9 : memref<128x256xf32, #tpu.memory_space<vmem>>)
    %dma_start3A_12 = arith.constant 0 : i32
    %dma_start3A_13 = tpu.memref_slice %arg5[%add3A_4, %dma_start3A_12] : memref<4096x256xf32, #tpu.memory_space<hbm>> -> memref<128x256xf32, #tpu.memory_space<hbm>>
    %dma_start3A_14 = arith.constant 0 : i32
    %dma_start3A_15 = tpu.memref_slice %arg5[%add3A_4, %dma_start3A_14] : memref<4096x256xf32, #tpu.memory_space<hbm>> -> memref<128x256xf32, #tpu.memory_space<hbm>>
    tpu.enqueue_dma source(%arg9 : memref<128x256xf32, #tpu.memory_space<vmem>>) target(%dma_start3A_15 : memref<128x256xf32, #tpu.memory_space<hbm>>) target_semaphore(%arg13 : memref<!tpu.dma_semaphore, #tpu.memory_space<semaphore_mem>>)
    %dma_wait3A_16 = arith.constant 0 : i32
    %dma_wait3A_17 = arith.constant 0 : i32
    %dma_wait3A_18 = tpu.memref_slice %arg2[%dma_wait3A_16, %dma_wait3A_17] : memref<1024x256xf32, #tpu.memory_space<hbm>> -> memref<1024x256xf32, #tpu.memory_space<hbm>>
    tpu.wait_indirect_dma semaphore(%arg12 : memref<!tpu.dma_semaphore, #tpu.memory_space<semaphore_mem>>) src(%dma_wait3A_18 : memref<1024x256xf32, #tpu.memory_space<hbm>>) dst(%arg10 : memref<128x256xf32, #tpu.memory_space<vmem>>)
    %dma_start3A_19 = arith.constant 0 : i32
    %dma_start3A_20 = tpu.memref_slice %arg6[%add3A_4, %dma_start3A_19] : memref<4096x256xf32, #tpu.memory_space<hbm>> -> memref<128x256xf32, #tpu.memory_space<hbm>>
    %dma_start3A_21 = arith.constant 0 : i32
    %dma_start3A_22 = tpu.memref_slice %arg6[%add3A_4, %dma_start3A_21] : memref<4096x256xf32, #tpu.memory_space<hbm>> -> memref<128x256xf32, #tpu.memory_space<hbm>>
    tpu.enqueue_dma source(%arg10 : memref<128x256xf32, #tpu.memory_space<vmem>>) target(%dma_start3A_22 : memref<128x256xf32, #tpu.memory_space<hbm>>) target_semaphore(%arg14 : memref<!tpu.dma_semaphore, #tpu.memory_space<semaphore_mem>>)
    %dma_wait3A_23 = arith.constant 0 : i32
    %dma_wait3A_24 = tpu.memref_slice %arg5[%add3A_4, %dma_wait3A_23] : memref<4096x256xf32, #tpu.memory_space<hbm>> -> memref<128x256xf32, #tpu.memory_space<hbm>>
    %dma_wait3A_25 = arith.constant 0 : i32
    %dma_wait3A_26 = tpu.memref_slice %arg5[%add3A_4, %dma_wait3A_25] : memref<4096x256xf32, #tpu.memory_space<hbm>> -> memref<128x256xf32, #tpu.memory_space<hbm>>
    tpu.wait_dma2 semaphore(%arg13 : memref<!tpu.dma_semaphore, #tpu.memory_space<semaphore_mem>>) src(%arg9 : memref<128x256xf32, #tpu.memory_space<vmem>>) dst(%dma_wait3A_26 : memref<128x256xf32, #tpu.memory_space<hbm>>)
    %dma_wait3A_27 = arith.constant 0 : i32
    %dma_wait3A_28 = tpu.memref_slice %arg6[%add3A_4, %dma_wait3A_27] : memref<4096x256xf32, #tpu.memory_space<hbm>> -> memref<128x256xf32, #tpu.memory_space<hbm>>
    %dma_wait3A_29 = arith.constant 0 : i32
    %dma_wait3A_30 = tpu.memref_slice %arg6[%add3A_4, %dma_wait3A_29] : memref<4096x256xf32, #tpu.memory_space<hbm>> -> memref<128x256xf32, #tpu.memory_space<hbm>>
    tpu.wait_dma2 semaphore(%arg14 : memref<!tpu.dma_semaphore, #tpu.memory_space<semaphore_mem>>) src(%arg10 : memref<128x256xf32, #tpu.memory_space<vmem>>) dst(%dma_wait3A_30 : memref<128x256xf32, #tpu.memory_space<hbm>>)
    return
  }
}

module attributes {stable_mosaic.version = 14 : i64} {
  func.func @_knn_body(%arg0: i32, %arg1: memref<1024x8xf32, #tpu.memory_space<vmem>>, %arg2: memref<2x8x128xf32, #tpu.memory_space<vmem>>, %arg3: memref<1x2xf32, #tpu.memory_space<vmem>>, %arg4: memref<1x2xf32, #tpu.memory_space<vmem>>, %arg5: memref<1024x1xi32, #tpu.memory_space<vmem>>, %arg6: memref<1024x1xi32, #tpu.memory_space<vmem>>, %arg7: memref<1024x1xf32, #tpu.memory_space<vmem>>, %arg8: memref<1024x1xf32, #tpu.memory_space<vmem>>) attributes {dimension_semantics = [#tpu.dimension_semantics<arbitrary>], iteration_bounds = array<i64: 1>, scalar_prefetch = 0 : i64, scratch_operands = 0 : i64, tpu.core_type = #tpu.core_type<tc>, window_params = [{transform_indices = @transform_0, window_bounds = array<i64: 1024, 8>}, {pipeline_mode = #tpu.pipeline_mode<synchronous>, transform_indices = @transform_1, window_bounds = array<i64: 2, 8, 128>}, {pipeline_mode = #tpu.pipeline_mode<synchronous>, transform_indices = @transform_2, window_bounds = array<i64: 1, 2>}, {pipeline_mode = #tpu.pipeline_mode<synchronous>, transform_indices = @transform_3, window_bounds = array<i64: 1, 2>}, {transform_indices = @transform_4, window_bounds = array<i64: 1024, 1>}, {transform_indices = @transform_5, window_bounds = array<i64: 1024, 1>}, {transform_indices = @transform_6, window_bounds = array<i64: 1024, 1>}, {transform_indices = @transform_7, window_bounds = array<i64: 1024, 1>}]} {
    %get3A = arith.constant 0 : index
    %get3A_0 = arith.constant 6 : index
    %get3A_1 = vector.load %arg1[%get3A, %get3A_0] : memref<1024x8xf32, #tpu.memory_space<vmem>>, vector<1x1xf32>
    %get3A_2 = vector.extract %get3A_1[0, 0] : f32 from vector<1x1xf32>
    %get3A_3 = arith.constant 1023 : index
    %get3A_4 = arith.constant 6 : index
    %get3A_5 = vector.load %arg1[%get3A_3, %get3A_4] : memref<1024x8xf32, #tpu.memory_space<vmem>>, vector<1x1xf32>
    %get3A_6 = vector.extract %get3A_5[0, 0] : f32 from vector<1x1xf32>
    %get3A_7 = arith.constant 0 : index
    %get3A_8 = arith.constant 0 : index
    %get3A_9 = vector.load %arg3[%get3A_7, %get3A_8] : memref<1x2xf32, #tpu.memory_space<vmem>>, vector<1x1xf32>
    %get3A_10 = vector.extract %get3A_9[0, 0] : f32 from vector<1x1xf32>
    %le3A = arith.cmpf ole, %get3A_10, %get3A_6 : f32
    %get3A_11 = arith.constant 0 : index
    %get3A_12 = arith.constant 0 : index
    %get3A_13 = vector.load %arg4[%get3A_11, %get3A_12] : memref<1x2xf32, #tpu.memory_space<vmem>>, vector<1x1xf32>
    %get3A_14 = vector.extract %get3A_13[0, 0] : f32 from vector<1x1xf32>
    %ge3A = arith.cmpf oge, %get3A_14, %get3A_2 : f32
    %and3A = arith.andi %le3A, %ge3A : i1
    %eq3A = arith.constant 2 : i32
    %eq3A_15 = arith.constant 2 : i32
    %eq3A_16 = arith.cmpi eq, %eq3A, %eq3A_15 : i32
    %and3A_17 = arith.andi %and3A, %eq3A_16 : i1
    %jit3A = arith.constant 0 : i32
    %jit3A_18 = arith.constant 2 : i32
    %select_n3A = arith.select %and3A_17, %jit3A, %jit3A_18 : i32
    %jit3A_19 = arith.constant 1 : i32
    %jit3A_20 = arith.constant 0 : i32
    %select_n3A_21 = arith.select %and3A, %jit3A_19, %jit3A_20 : i32
    %get3A_22 = arith.constant 0 : index
    %get3A_23 = arith.constant 1 : index
    %get3A_24 = vector.load %arg3[%get3A_22, %get3A_23] : memref<1x2xf32, #tpu.memory_space<vmem>>, vector<1x1xf32>
    %get3A_25 = vector.extract %get3A_24[0, 0] : f32 from vector<1x1xf32>
    %le3A_26 = arith.cmpf ole, %get3A_25, %get3A_6 : f32
    %get3A_27 = arith.constant 0 : index
    %get3A_28 = arith.constant 1 : index
    %get3A_29 = vector.load %arg4[%get3A_27, %get3A_28] : memref<1x2xf32, #tpu.memory_space<vmem>>, vector<1x1xf32>
    %get3A_30 = vector.extract %get3A_29[0, 0] : f32 from vector<1x1xf32>
    %ge3A_31 = arith.cmpf oge, %get3A_30, %get3A_2 : f32
    %and3A_32 = arith.andi %le3A_26, %ge3A_31 : i1
    %eq3A_33 = arith.constant 2 : i32
    %eq3A_34 = arith.cmpi eq, %select_n3A, %eq3A_33 : i32
    %and3A_35 = arith.andi %and3A_32, %eq3A_34 : i1
    %jit3A_36 = arith.constant 1 : i32
    %select_n3A_37 = arith.select %and3A_35, %jit3A_36, %select_n3A : i32
    %jit3A_38 = arith.constant 2 : i32
    %select_n3A_39 = arith.select %and3A_32, %jit3A_38, %select_n3A_21 : i32
    %get3A_40 = arith.constant 0 : index
    %get3A_41 = arith.constant 0 : index
    %get3A_42 = vector.load %arg1[%get3A_40, %get3A_41] : memref<1024x8xf32, #tpu.memory_space<vmem>>, vector<1024x8xf32>
    %get3A_43 = arith.constant 0 : index
    %get3A_44 = arith.constant 6 : index
    %get3A_45 = vector.load %arg1[%get3A_43, %get3A_44] : memref<1024x8xf32, #tpu.memory_space<vmem>>, vector<1024x1xf32>
    %broadcast_in_dim3A = arith.constant 2147483647 : i32
    %broadcast_in_dim3A_46 = vector.broadcast %broadcast_in_dim3A : i32 to vector<1024x1xi32>
    %broadcast_in_dim3A_47 = arith.constant 2147483647 : i32
    %broadcast_in_dim3A_48 = vector.broadcast %broadcast_in_dim3A_47 : i32 to vector<1024x1xi32>
    %while3A = arith.constant 0x7F800000 : f32
    %while3A_49 = arith.constant 2147483647 : i32
    %while3A_50 = arith.subi %select_n3A_39, %select_n3A_37 : i32
    %while3A_51 = arith.addi %select_n3A_37, %while3A_50 : i32
    %while3A_52 = arith.constant 1 : i32
    %while3A_53 = arith.divsi %while3A_50, %while3A_52 : i32
    %while3A_54 = arith.muli %while3A_53, %while3A_52 : i32
    %while3A_55 = arith.addi %select_n3A_37, %while3A_54 : i32
    %while3A_56 = arith.constant 1 : i32
    %while3A_57:2 = scf.for %while3A_99 = %select_n3A_37 to %while3A_55 step %while3A_56 iter_args(%while3A_100 = %broadcast_in_dim3A_46, %while3A_101 = %broadcast_in_dim3A_48) -> (vector<1024x1xi32>, vector<1024x1xi32>)  : i32 {
      %get3A_102 = arith.index_cast %while3A_99 : i32 to index
      %get3A_103 = arith.constant 0 : index
      %get3A_104 = arith.constant 0 : index
      %get3A_105 = vector.load %arg2[%get3A_102, %get3A_103, %get3A_104] : memref<2x8x128xf32, #tpu.memory_space<vmem>>, vector<1x8x128xf32>
      %get3A_106 = vector.shape_cast %get3A_105 : vector<1x8x128xf32> to vector<8x128xf32>
      %dot_general3A = arith.constant dense<0.000000e+00> : vector<1024x128xf32>
      %dot_general3A_107 = tpu.matmul %get3A_42, %get3A_106, %dot_general3A {dimension_numbers = #tpu.dot_dimension_numbers<[1], [0], [0], [1], [0, 0, 1, 1], [], []>, precision = #tpu.contract_precision<fp32>, transpose_lhs_hint = false} : vector<1024x8xf32>, vector<8x128xf32>, vector<1024x128xf32> -> vector<1024x128xf32>
      %max3A_108 = arith.constant 0.000000e+00 : f32
      %max3A_109 = vector.broadcast %max3A_108 : f32 to vector<1024x128xf32>
      %max3A_110 = arith.maximumf %dot_general3A_107, %max3A_109 : vector<1024x128xf32>
      %get3A_111 = arith.index_cast %while3A_99 : i32 to index
      %get3A_112 = arith.constant 5 : index
      %get3A_113 = arith.constant 0 : index
      %get3A_114 = vector.load %arg2[%get3A_111, %get3A_112, %get3A_113] : memref<2x8x128xf32, #tpu.memory_space<vmem>>, vector<1x1x128xf32>
      %get3A_115 = vector.shape_cast %get3A_114 : vector<1x1x128xf32> to vector<1x128xf32>
      %ne3A = vector.broadcast %get3A_45 : vector<1024x1xf32> to vector<1024x128xf32>
      %ne3A_116 = vector.broadcast %get3A_115 : vector<1x128xf32> to vector<1024x128xf32>
      %ne3A_117 = arith.cmpf one, %ne3A, %ne3A_116 : vector<1024x128xf32>
      %broadcast_in_dim3A_118 = vector.broadcast %while3A : f32 to vector<1024x128xf32>
      %select_n3A_119 = arith.select %ne3A_117, %broadcast_in_dim3A_118, %max3A_110 : vector<1024x128xi1>, vector<1024x128xf32>
      %iota3A = tpu.iota {dimensions = array<i32: 1>} : vector<1x128xi32>
      %mul3A = arith.constant 128 : i32
      %mul3A_120 = arith.muli %while3A_99, %mul3A : i32
      %add3A = vector.broadcast %mul3A_120 : i32 to vector<1x128xi32>
      %add3A_121 = arith.addi %iota3A, %add3A : vector<1x128xi32>
      %bitcast_convert_type3A_122 = tpu.bitcast %select_n3A_119 : vector<1024x128xf32> -> vector<1024x128xi32>
      %and3A_123 = arith.constant -4096 : i32
      %and3A_124 = vector.broadcast %and3A_123 : i32 to vector<1024x128xi32>
      %and3A_125 = arith.andi %bitcast_convert_type3A_122, %and3A_124 : vector<1024x128xi32>
      %or3A = vector.broadcast %add3A_121 : vector<1x128xi32> to vector<1024x128xi32>
      %or3A_126 = arith.ori %and3A_125, %or3A : vector<1024x128xi32>
      %reduce_min3A = arith.constant dense<2147483647> : vector<1024xi32>
      %reduce_min3A_127 = vector.multi_reduction <minsi>, %or3A_126, %reduce_min3A [1] : vector<1024x128xi32> to vector<1024xi32>
      %broadcast_in_dim3A_128 = vector.shape_cast %reduce_min3A_127 : vector<1024xi32> to vector<1024x1xi32>
      %eq3A_129 = vector.broadcast %broadcast_in_dim3A_128 : vector<1024x1xi32> to vector<1024x128xi32>
      %eq3A_130 = arith.cmpi eq, %or3A_126, %eq3A_129 : vector<1024x128xi32>
      %broadcast_in_dim3A_131 = vector.broadcast %while3A_49 : i32 to vector<1024x128xi32>
      %select_n3A_132 = arith.select %eq3A_130, %broadcast_in_dim3A_131, %or3A_126 : vector<1024x128xi1>, vector<1024x128xi32>
      %reduce_min3A_133 = arith.constant dense<2147483647> : vector<1024xi32>
      %reduce_min3A_134 = vector.multi_reduction <minsi>, %select_n3A_132, %reduce_min3A_133 [1] : vector<1024x128xi32> to vector<1024xi32>
      %broadcast_in_dim3A_135 = vector.shape_cast %reduce_min3A_134 : vector<1024xi32> to vector<1024x1xi32>
      %min3A_136 = arith.minsi %broadcast_in_dim3A_128, %while3A_100 : vector<1024x1xi32>
      %max3A_137 = arith.maxsi %broadcast_in_dim3A_128, %while3A_100 : vector<1024x1xi32>
      %min3A_138 = arith.minsi %broadcast_in_dim3A_135, %while3A_101 : vector<1024x1xi32>
      %min3A_139 = arith.minsi %max3A_137, %min3A_138 : vector<1024x1xi32>
      scf.yield %min3A_136, %min3A_139 : vector<1024x1xi32>, vector<1024x1xi32>
    }
    %while3A_58 = arith.constant 1 : i32
    %while3A_59:2 = scf.for %while3A_99 = %while3A_55 to %while3A_51 step %while3A_58 iter_args(%while3A_100 = %while3A_57#0, %while3A_101 = %while3A_57#1) -> (vector<1024x1xi32>, vector<1024x1xi32>)  : i32 {
      %get3A_102 = arith.index_cast %while3A_99 : i32 to index
      %get3A_103 = arith.constant 0 : index
      %get3A_104 = arith.constant 0 : index
      %get3A_105 = vector.load %arg2[%get3A_102, %get3A_103, %get3A_104] : memref<2x8x128xf32, #tpu.memory_space<vmem>>, vector<1x8x128xf32>
      %get3A_106 = vector.shape_cast %get3A_105 : vector<1x8x128xf32> to vector<8x128xf32>
      %dot_general3A = arith.constant dense<0.000000e+00> : vector<1024x128xf32>
      %dot_general3A_107 = tpu.matmul %get3A_42, %get3A_106, %dot_general3A {dimension_numbers = #tpu.dot_dimension_numbers<[1], [0], [0], [1], [0, 0, 1, 1], [], []>, precision = #tpu.contract_precision<fp32>, transpose_lhs_hint = false} : vector<1024x8xf32>, vector<8x128xf32>, vector<1024x128xf32> -> vector<1024x128xf32>
      %max3A_108 = arith.constant 0.000000e+00 : f32
      %max3A_109 = vector.broadcast %max3A_108 : f32 to vector<1024x128xf32>
      %max3A_110 = arith.maximumf %dot_general3A_107, %max3A_109 : vector<1024x128xf32>
      %get3A_111 = arith.index_cast %while3A_99 : i32 to index
      %get3A_112 = arith.constant 5 : index
      %get3A_113 = arith.constant 0 : index
      %get3A_114 = vector.load %arg2[%get3A_111, %get3A_112, %get3A_113] : memref<2x8x128xf32, #tpu.memory_space<vmem>>, vector<1x1x128xf32>
      %get3A_115 = vector.shape_cast %get3A_114 : vector<1x1x128xf32> to vector<1x128xf32>
      %ne3A = vector.broadcast %get3A_45 : vector<1024x1xf32> to vector<1024x128xf32>
      %ne3A_116 = vector.broadcast %get3A_115 : vector<1x128xf32> to vector<1024x128xf32>
      %ne3A_117 = arith.cmpf one, %ne3A, %ne3A_116 : vector<1024x128xf32>
      %broadcast_in_dim3A_118 = vector.broadcast %while3A : f32 to vector<1024x128xf32>
      %select_n3A_119 = arith.select %ne3A_117, %broadcast_in_dim3A_118, %max3A_110 : vector<1024x128xi1>, vector<1024x128xf32>
      %iota3A = tpu.iota {dimensions = array<i32: 1>} : vector<1x128xi32>
      %mul3A = arith.constant 128 : i32
      %mul3A_120 = arith.muli %while3A_99, %mul3A : i32
      %add3A = vector.broadcast %mul3A_120 : i32 to vector<1x128xi32>
      %add3A_121 = arith.addi %iota3A, %add3A : vector<1x128xi32>
      %bitcast_convert_type3A_122 = tpu.bitcast %select_n3A_119 : vector<1024x128xf32> -> vector<1024x128xi32>
      %and3A_123 = arith.constant -4096 : i32
      %and3A_124 = vector.broadcast %and3A_123 : i32 to vector<1024x128xi32>
      %and3A_125 = arith.andi %bitcast_convert_type3A_122, %and3A_124 : vector<1024x128xi32>
      %or3A = vector.broadcast %add3A_121 : vector<1x128xi32> to vector<1024x128xi32>
      %or3A_126 = arith.ori %and3A_125, %or3A : vector<1024x128xi32>
      %reduce_min3A = arith.constant dense<2147483647> : vector<1024xi32>
      %reduce_min3A_127 = vector.multi_reduction <minsi>, %or3A_126, %reduce_min3A [1] : vector<1024x128xi32> to vector<1024xi32>
      %broadcast_in_dim3A_128 = vector.shape_cast %reduce_min3A_127 : vector<1024xi32> to vector<1024x1xi32>
      %eq3A_129 = vector.broadcast %broadcast_in_dim3A_128 : vector<1024x1xi32> to vector<1024x128xi32>
      %eq3A_130 = arith.cmpi eq, %or3A_126, %eq3A_129 : vector<1024x128xi32>
      %broadcast_in_dim3A_131 = vector.broadcast %while3A_49 : i32 to vector<1024x128xi32>
      %select_n3A_132 = arith.select %eq3A_130, %broadcast_in_dim3A_131, %or3A_126 : vector<1024x128xi1>, vector<1024x128xi32>
      %reduce_min3A_133 = arith.constant dense<2147483647> : vector<1024xi32>
      %reduce_min3A_134 = vector.multi_reduction <minsi>, %select_n3A_132, %reduce_min3A_133 [1] : vector<1024x128xi32> to vector<1024xi32>
      %broadcast_in_dim3A_135 = vector.shape_cast %reduce_min3A_134 : vector<1024xi32> to vector<1024x1xi32>
      %min3A_136 = arith.minsi %broadcast_in_dim3A_128, %while3A_100 : vector<1024x1xi32>
      %max3A_137 = arith.maxsi %broadcast_in_dim3A_128, %while3A_100 : vector<1024x1xi32>
      %min3A_138 = arith.minsi %broadcast_in_dim3A_135, %while3A_101 : vector<1024x1xi32>
      %min3A_139 = arith.minsi %max3A_137, %min3A_138 : vector<1024x1xi32>
      scf.yield %min3A_136, %min3A_139 : vector<1024x1xi32>, vector<1024x1xi32>
    }
    %and3A_60 = arith.constant 4095 : i32
    %and3A_61 = vector.broadcast %and3A_60 : i32 to vector<1024x1xi32>
    %and3A_62 = arith.andi %while3A_59#0, %and3A_61 : vector<1024x1xi32>
    %min3A = arith.constant 255 : i32
    %min3A_63 = vector.broadcast %min3A : i32 to vector<1024x1xi32>
    %min3A_64 = arith.minsi %and3A_62, %min3A_63 : vector<1024x1xi32>
    %swap3A = arith.constant 0 : index
    %swap3A_65 = arith.constant 0 : index
    %swap3A_66 = vector.load %arg5[%swap3A, %swap3A_65] : memref<1024x1xi32, #tpu.memory_space<vmem>>, vector<1024x1xi32>
    tpu.vector_store %arg5[%swap3A, %swap3A_65], %min3A_64 {strides = array<i32>} : memref<1024x1xi32, #tpu.memory_space<vmem>>, vector<1024x1xi32>,
    %and3A_67 = arith.constant 4095 : i32
    %and3A_68 = vector.broadcast %and3A_67 : i32 to vector<1024x1xi32>
    %and3A_69 = arith.andi %while3A_59#1, %and3A_68 : vector<1024x1xi32>
    %min3A_70 = arith.constant 255 : i32
    %min3A_71 = vector.broadcast %min3A_70 : i32 to vector<1024x1xi32>
    %min3A_72 = arith.minsi %and3A_69, %min3A_71 : vector<1024x1xi32>
    %swap3A_73 = arith.constant 0 : index
    %swap3A_74 = arith.constant 0 : index
    %swap3A_75 = vector.load %arg6[%swap3A_73, %swap3A_74] : memref<1024x1xi32, #tpu.memory_space<vmem>>, vector<1024x1xi32>
    tpu.vector_store %arg6[%swap3A_73, %swap3A_74], %min3A_72 {strides = array<i32>} : memref<1024x1xi32, #tpu.memory_space<vmem>>, vector<1024x1xi32>,
    %and3A_76 = arith.constant -4096 : i32
    %and3A_77 = vector.broadcast %and3A_76 : i32 to vector<1024x1xi32>
    %and3A_78 = arith.andi %while3A_59#0, %and3A_77 : vector<1024x1xi32>
    %bitcast_convert_type3A = tpu.bitcast %and3A_78 : vector<1024x1xi32> -> vector<1024x1xf32>
    %and3A_79 = arith.constant -4096 : i32
    %and3A_80 = vector.broadcast %and3A_79 : i32 to vector<1024x1xi32>
    %and3A_81 = arith.andi %while3A_59#1, %and3A_80 : vector<1024x1xi32>
    %bitcast_convert_type3A_82 = tpu.bitcast %and3A_81 : vector<1024x1xi32> -> vector<1024x1xf32>
    %max3A = arith.constant 1.000000e-16 : f32
    %max3A_83 = vector.broadcast %max3A : f32 to vector<1024x1xf32>
    %max3A_84 = arith.maximumf %bitcast_convert_type3A, %max3A_83 : vector<1024x1xf32>
    %div3A = arith.constant 1.000000e+00 : f32
    %div3A_85 = vector.broadcast %div3A : f32 to vector<1024x1xf32>
    %div3A_86 = arith.divf %div3A_85, %max3A_84 : vector<1024x1xf32>
    %swap3A_87 = arith.constant 0 : index
    %swap3A_88 = arith.constant 0 : index
    %swap3A_89 = vector.load %arg7[%swap3A_87, %swap3A_88] : memref<1024x1xf32, #tpu.memory_space<vmem>>, vector<1024x1xf32>
    tpu.vector_store %arg7[%swap3A_87, %swap3A_88], %div3A_86 {strides = array<i32>} : memref<1024x1xf32, #tpu.memory_space<vmem>>, vector<1024x1xf32>,
    %max3A_90 = arith.constant 1.000000e-16 : f32
    %max3A_91 = vector.broadcast %max3A_90 : f32 to vector<1024x1xf32>
    %max3A_92 = arith.maximumf %bitcast_convert_type3A_82, %max3A_91 : vector<1024x1xf32>
    %div3A_93 = arith.constant 1.000000e+00 : f32
    %div3A_94 = vector.broadcast %div3A_93 : f32 to vector<1024x1xf32>
    %div3A_95 = arith.divf %div3A_94, %max3A_92 : vector<1024x1xf32>
    %swap3A_96 = arith.constant 0 : index
    %swap3A_97 = arith.constant 0 : index
    %swap3A_98 = vector.load %arg8[%swap3A_96, %swap3A_97] : memref<1024x1xf32, #tpu.memory_space<vmem>>, vector<1024x1xf32>
    tpu.vector_store %arg8[%swap3A_96, %swap3A_97], %div3A_95 {strides = array<i32>} : memref<1024x1xf32, #tpu.memory_space<vmem>>, vector<1024x1xf32>,
    return
  }
  func.func @transform_0(%arg0: i32) -> (i32, i32) {
    %c0_i32 = arith.constant 0 : i32
    %c0_i32_0 = arith.constant 0 : i32
    return %arg0, %c0_i32 : i32, i32
  }
  func.func @transform_1(%arg0: i32) -> (i32, i32, i32) {
    %c0_i32 = arith.constant 0 : i32
    %c0_i32_0 = arith.constant 0 : i32
    %c0_i32_1 = arith.constant 0 : i32
    %c0_i32_2 = arith.constant 0 : i32
    return %c0_i32, %c0_i32_0, %c0_i32_1 : i32, i32, i32
  }
  func.func @transform_2(%arg0: i32) -> (i32, i32) {
    %c0_i32 = arith.constant 0 : i32
    %c0_i32_0 = arith.constant 0 : i32
    %c0_i32_1 = arith.constant 0 : i32
    return %c0_i32, %c0_i32_0 : i32, i32
  }
  func.func @transform_3(%arg0: i32) -> (i32, i32) {
    %c0_i32 = arith.constant 0 : i32
    %c0_i32_0 = arith.constant 0 : i32
    %c0_i32_1 = arith.constant 0 : i32
    return %c0_i32, %c0_i32_0 : i32, i32
  }
  func.func @transform_4(%arg0: i32) -> (i32, i32) {
    %c0_i32 = arith.constant 0 : i32
    %c0_i32_0 = arith.constant 0 : i32
    return %arg0, %c0_i32 : i32, i32
  }
  func.func @transform_5(%arg0: i32) -> (i32, i32) {
    %c0_i32 = arith.constant 0 : i32
    %c0_i32_0 = arith.constant 0 : i32
    return %arg0, %c0_i32 : i32, i32
  }
  func.func @transform_6(%arg0: i32) -> (i32, i32) {
    %c0_i32 = arith.constant 0 : i32
    %c0_i32_0 = arith.constant 0 : i32
    return %arg0, %c0_i32 : i32, i32
  }
  func.func @transform_7(%arg0: i32) -> (i32, i32) {
    %c0_i32 = arith.constant 0 : i32
    %c0_i32_0 = arith.constant 0 : i32
    return %arg0, %c0_i32 : i32, i32
  }
}

module attributes {stable_mosaic.version = 14 : i64} {
  func.func @_knn_body(%arg0: i32, %arg1: memref<1024x8xf32, #tpu.memory_space<vmem>>, %arg2: memref<4x8x256xf32, #tpu.memory_space<vmem>>, %arg3: memref<1x4xf32, #tpu.memory_space<vmem>>, %arg4: memref<1x4xf32, #tpu.memory_space<vmem>>, %arg5: memref<1024x1xi32, #tpu.memory_space<vmem>>, %arg6: memref<1024x1xi32, #tpu.memory_space<vmem>>, %arg7: memref<1024x1xf32, #tpu.memory_space<vmem>>, %arg8: memref<1024x1xf32, #tpu.memory_space<vmem>>) attributes {dimension_semantics = [#tpu.dimension_semantics<arbitrary>], iteration_bounds = array<i64: 4>, scalar_prefetch = 0 : i64, scratch_operands = 0 : i64, tpu.core_type = #tpu.core_type<tc>, window_params = [{transform_indices = @transform_0, window_bounds = array<i64: 1024, 8>}, {pipeline_mode = #tpu.pipeline_mode<synchronous>, transform_indices = @transform_1, window_bounds = array<i64: 4, 8, 256>}, {pipeline_mode = #tpu.pipeline_mode<synchronous>, transform_indices = @transform_2, window_bounds = array<i64: 1, 4>}, {pipeline_mode = #tpu.pipeline_mode<synchronous>, transform_indices = @transform_3, window_bounds = array<i64: 1, 4>}, {transform_indices = @transform_4, window_bounds = array<i64: 1024, 1>}, {transform_indices = @transform_5, window_bounds = array<i64: 1024, 1>}, {transform_indices = @transform_6, window_bounds = array<i64: 1024, 1>}, {transform_indices = @transform_7, window_bounds = array<i64: 1024, 1>}]} {
    %get3A = arith.constant 0 : index
    %get3A_0 = arith.constant 6 : index
    %get3A_1 = vector.load %arg1[%get3A, %get3A_0] : memref<1024x8xf32, #tpu.memory_space<vmem>>, vector<1x1xf32>
    %get3A_2 = vector.extract %get3A_1[0, 0] : f32 from vector<1x1xf32>
    %get3A_3 = arith.constant 1023 : index
    %get3A_4 = arith.constant 6 : index
    %get3A_5 = vector.load %arg1[%get3A_3, %get3A_4] : memref<1024x8xf32, #tpu.memory_space<vmem>>, vector<1x1xf32>
    %get3A_6 = vector.extract %get3A_5[0, 0] : f32 from vector<1x1xf32>
    %get3A_7 = arith.constant 0 : index
    %get3A_8 = arith.constant 0 : index
    %get3A_9 = vector.load %arg3[%get3A_7, %get3A_8] : memref<1x4xf32, #tpu.memory_space<vmem>>, vector<1x1xf32>
    %get3A_10 = vector.extract %get3A_9[0, 0] : f32 from vector<1x1xf32>
    %le3A = arith.cmpf ole, %get3A_10, %get3A_6 : f32
    %get3A_11 = arith.constant 0 : index
    %get3A_12 = arith.constant 0 : index
    %get3A_13 = vector.load %arg4[%get3A_11, %get3A_12] : memref<1x4xf32, #tpu.memory_space<vmem>>, vector<1x1xf32>
    %get3A_14 = vector.extract %get3A_13[0, 0] : f32 from vector<1x1xf32>
    %ge3A = arith.cmpf oge, %get3A_14, %get3A_2 : f32
    %and3A = arith.andi %le3A, %ge3A : i1
    %eq3A = arith.constant 4 : i32
    %eq3A_15 = arith.constant 4 : i32
    %eq3A_16 = arith.cmpi eq, %eq3A, %eq3A_15 : i32
    %and3A_17 = arith.andi %and3A, %eq3A_16 : i1
    %jit3A = arith.constant 0 : i32
    %jit3A_18 = arith.constant 4 : i32
    %select_n3A = arith.select %and3A_17, %jit3A, %jit3A_18 : i32
    %jit3A_19 = arith.constant 1 : i32
    %jit3A_20 = arith.constant 0 : i32
    %select_n3A_21 = arith.select %and3A, %jit3A_19, %jit3A_20 : i32
    %get3A_22 = arith.constant 0 : index
    %get3A_23 = arith.constant 1 : index
    %get3A_24 = vector.load %arg3[%get3A_22, %get3A_23] : memref<1x4xf32, #tpu.memory_space<vmem>>, vector<1x1xf32>
    %get3A_25 = vector.extract %get3A_24[0, 0] : f32 from vector<1x1xf32>
    %le3A_26 = arith.cmpf ole, %get3A_25, %get3A_6 : f32
    %get3A_27 = arith.constant 0 : index
    %get3A_28 = arith.constant 1 : index
    %get3A_29 = vector.load %arg4[%get3A_27, %get3A_28] : memref<1x4xf32, #tpu.memory_space<vmem>>, vector<1x1xf32>
    %get3A_30 = vector.extract %get3A_29[0, 0] : f32 from vector<1x1xf32>
    %ge3A_31 = arith.cmpf oge, %get3A_30, %get3A_2 : f32
    %and3A_32 = arith.andi %le3A_26, %ge3A_31 : i1
    %eq3A_33 = arith.constant 4 : i32
    %eq3A_34 = arith.cmpi eq, %select_n3A, %eq3A_33 : i32
    %and3A_35 = arith.andi %and3A_32, %eq3A_34 : i1
    %jit3A_36 = arith.constant 1 : i32
    %select_n3A_37 = arith.select %and3A_35, %jit3A_36, %select_n3A : i32
    %jit3A_38 = arith.constant 2 : i32
    %select_n3A_39 = arith.select %and3A_32, %jit3A_38, %select_n3A_21 : i32
    %get3A_40 = arith.constant 0 : index
    %get3A_41 = arith.constant 2 : index
    %get3A_42 = vector.load %arg3[%get3A_40, %get3A_41] : memref<1x4xf32, #tpu.memory_space<vmem>>, vector<1x1xf32>
    %get3A_43 = vector.extract %get3A_42[0, 0] : f32 from vector<1x1xf32>
    %le3A_44 = arith.cmpf ole, %get3A_43, %get3A_6 : f32
    %get3A_45 = arith.constant 0 : index
    %get3A_46 = arith.constant 2 : index
    %get3A_47 = vector.load %arg4[%get3A_45, %get3A_46] : memref<1x4xf32, #tpu.memory_space<vmem>>, vector<1x1xf32>
    %get3A_48 = vector.extract %get3A_47[0, 0] : f32 from vector<1x1xf32>
    %ge3A_49 = arith.cmpf oge, %get3A_48, %get3A_2 : f32
    %and3A_50 = arith.andi %le3A_44, %ge3A_49 : i1
    %eq3A_51 = arith.constant 4 : i32
    %eq3A_52 = arith.cmpi eq, %select_n3A_37, %eq3A_51 : i32
    %and3A_53 = arith.andi %and3A_50, %eq3A_52 : i1
    %jit3A_54 = arith.constant 2 : i32
    %select_n3A_55 = arith.select %and3A_53, %jit3A_54, %select_n3A_37 : i32
    %jit3A_56 = arith.constant 3 : i32
    %select_n3A_57 = arith.select %and3A_50, %jit3A_56, %select_n3A_39 : i32
    %get3A_58 = arith.constant 0 : index
    %get3A_59 = arith.constant 3 : index
    %get3A_60 = vector.load %arg3[%get3A_58, %get3A_59] : memref<1x4xf32, #tpu.memory_space<vmem>>, vector<1x1xf32>
    %get3A_61 = vector.extract %get3A_60[0, 0] : f32 from vector<1x1xf32>
    %le3A_62 = arith.cmpf ole, %get3A_61, %get3A_6 : f32
    %get3A_63 = arith.constant 0 : index
    %get3A_64 = arith.constant 3 : index
    %get3A_65 = vector.load %arg4[%get3A_63, %get3A_64] : memref<1x4xf32, #tpu.memory_space<vmem>>, vector<1x1xf32>
    %get3A_66 = vector.extract %get3A_65[0, 0] : f32 from vector<1x1xf32>
    %ge3A_67 = arith.cmpf oge, %get3A_66, %get3A_2 : f32
    %and3A_68 = arith.andi %le3A_62, %ge3A_67 : i1
    %eq3A_69 = arith.constant 4 : i32
    %eq3A_70 = arith.cmpi eq, %select_n3A_55, %eq3A_69 : i32
    %and3A_71 = arith.andi %and3A_68, %eq3A_70 : i1
    %jit3A_72 = arith.constant 3 : i32
    %select_n3A_73 = arith.select %and3A_71, %jit3A_72, %select_n3A_55 : i32
    %jit3A_74 = arith.constant 4 : i32
    %select_n3A_75 = arith.select %and3A_68, %jit3A_74, %select_n3A_57 : i32
    %get3A_76 = arith.constant 0 : index
    %get3A_77 = arith.constant 0 : index
    %get3A_78 = vector.load %arg1[%get3A_76, %get3A_77] : memref<1024x8xf32, #tpu.memory_space<vmem>>, vector<1024x8xf32>
    %get3A_79 = arith.constant 0 : index
    %get3A_80 = arith.constant 6 : index
    %get3A_81 = vector.load %arg1[%get3A_79, %get3A_80] : memref<1024x8xf32, #tpu.memory_space<vmem>>, vector<1024x1xf32>
    %broadcast_in_dim3A = arith.constant 2147483647 : i32
    %broadcast_in_dim3A_82 = vector.broadcast %broadcast_in_dim3A : i32 to vector<1024x1xi32>
    %broadcast_in_dim3A_83 = arith.constant 2147483647 : i32
    %broadcast_in_dim3A_84 = vector.broadcast %broadcast_in_dim3A_83 : i32 to vector<1024x1xi32>
    %while3A = arith.constant 0x7F800000 : f32
    %while3A_85 = arith.constant 2147483647 : i32
    %while3A_86 = arith.subi %select_n3A_75, %select_n3A_73 : i32
    %while3A_87 = arith.addi %select_n3A_73, %while3A_86 : i32
    %while3A_88 = arith.constant 1 : i32
    %while3A_89 = arith.divsi %while3A_86, %while3A_88 : i32
    %while3A_90 = arith.muli %while3A_89, %while3A_88 : i32
    %while3A_91 = arith.addi %select_n3A_73, %while3A_90 : i32
    %while3A_92 = arith.constant 1 : i32
    %while3A_93:2 = scf.for %while3A_135 = %select_n3A_73 to %while3A_91 step %while3A_92 iter_args(%while3A_136 = %broadcast_in_dim3A_82, %while3A_137 = %broadcast_in_dim3A_84) -> (vector<1024x1xi32>, vector<1024x1xi32>)  : i32 {
      %get3A_138 = arith.index_cast %while3A_135 : i32 to index
      %get3A_139 = arith.constant 0 : index
      %get3A_140 = arith.constant 0 : index
      %get3A_141 = vector.load %arg2[%get3A_138, %get3A_139, %get3A_140] : memref<4x8x256xf32, #tpu.memory_space<vmem>>, vector<1x8x256xf32>
      %get3A_142 = vector.shape_cast %get3A_141 : vector<1x8x256xf32> to vector<8x256xf32>
      %dot_general3A = arith.constant dense<0.000000e+00> : vector<1024x256xf32>
      %dot_general3A_143 = tpu.matmul %get3A_78, %get3A_142, %dot_general3A {dimension_numbers = #tpu.dot_dimension_numbers<[1], [0], [0], [1], [0, 0, 1, 1], [], []>, precision = #tpu.contract_precision<fp32>, transpose_lhs_hint = false} : vector<1024x8xf32>, vector<8x256xf32>, vector<1024x256xf32> -> vector<1024x256xf32>
      %max3A_144 = arith.constant 0.000000e+00 : f32
      %max3A_145 = vector.broadcast %max3A_144 : f32 to vector<1024x256xf32>
      %max3A_146 = arith.maximumf %dot_general3A_143, %max3A_145 : vector<1024x256xf32>
      %get3A_147 = arith.index_cast %while3A_135 : i32 to index
      %get3A_148 = arith.constant 5 : index
      %get3A_149 = arith.constant 0 : index
      %get3A_150 = vector.load %arg2[%get3A_147, %get3A_148, %get3A_149] : memref<4x8x256xf32, #tpu.memory_space<vmem>>, vector<1x1x256xf32>
      %get3A_151 = vector.shape_cast %get3A_150 : vector<1x1x256xf32> to vector<1x256xf32>
      %ne3A = vector.broadcast %get3A_81 : vector<1024x1xf32> to vector<1024x256xf32>
      %ne3A_152 = vector.broadcast %get3A_151 : vector<1x256xf32> to vector<1024x256xf32>
      %ne3A_153 = arith.cmpf one, %ne3A, %ne3A_152 : vector<1024x256xf32>
      %broadcast_in_dim3A_154 = vector.broadcast %while3A : f32 to vector<1024x256xf32>
      %select_n3A_155 = arith.select %ne3A_153, %broadcast_in_dim3A_154, %max3A_146 : vector<1024x256xi1>, vector<1024x256xf32>
      %iota3A = tpu.iota {dimensions = array<i32: 1>} : vector<1x256xi32>
      %mul3A = arith.constant 256 : i32
      %mul3A_156 = arith.muli %while3A_135, %mul3A : i32
      %add3A = vector.broadcast %mul3A_156 : i32 to vector<1x256xi32>
      %add3A_157 = arith.addi %iota3A, %add3A : vector<1x256xi32>
      %bitcast_convert_type3A_158 = tpu.bitcast %select_n3A_155 : vector<1024x256xf32> -> vector<1024x256xi32>
      %and3A_159 = arith.constant -4096 : i32
      %and3A_160 = vector.broadcast %and3A_159 : i32 to vector<1024x256xi32>
      %and3A_161 = arith.andi %bitcast_convert_type3A_158, %and3A_160 : vector<1024x256xi32>
      %or3A = vector.broadcast %add3A_157 : vector<1x256xi32> to vector<1024x256xi32>
      %or3A_162 = arith.ori %and3A_161, %or3A : vector<1024x256xi32>
      %reduce_min3A = arith.constant dense<2147483647> : vector<1024xi32>
      %reduce_min3A_163 = vector.multi_reduction <minsi>, %or3A_162, %reduce_min3A [1] : vector<1024x256xi32> to vector<1024xi32>
      %broadcast_in_dim3A_164 = vector.shape_cast %reduce_min3A_163 : vector<1024xi32> to vector<1024x1xi32>
      %eq3A_165 = vector.broadcast %broadcast_in_dim3A_164 : vector<1024x1xi32> to vector<1024x256xi32>
      %eq3A_166 = arith.cmpi eq, %or3A_162, %eq3A_165 : vector<1024x256xi32>
      %broadcast_in_dim3A_167 = vector.broadcast %while3A_85 : i32 to vector<1024x256xi32>
      %select_n3A_168 = arith.select %eq3A_166, %broadcast_in_dim3A_167, %or3A_162 : vector<1024x256xi1>, vector<1024x256xi32>
      %reduce_min3A_169 = arith.constant dense<2147483647> : vector<1024xi32>
      %reduce_min3A_170 = vector.multi_reduction <minsi>, %select_n3A_168, %reduce_min3A_169 [1] : vector<1024x256xi32> to vector<1024xi32>
      %broadcast_in_dim3A_171 = vector.shape_cast %reduce_min3A_170 : vector<1024xi32> to vector<1024x1xi32>
      %min3A_172 = arith.minsi %broadcast_in_dim3A_164, %while3A_136 : vector<1024x1xi32>
      %max3A_173 = arith.maxsi %broadcast_in_dim3A_164, %while3A_136 : vector<1024x1xi32>
      %min3A_174 = arith.minsi %broadcast_in_dim3A_171, %while3A_137 : vector<1024x1xi32>
      %min3A_175 = arith.minsi %max3A_173, %min3A_174 : vector<1024x1xi32>
      scf.yield %min3A_172, %min3A_175 : vector<1024x1xi32>, vector<1024x1xi32>
    }
    %while3A_94 = arith.constant 1 : i32
    %while3A_95:2 = scf.for %while3A_135 = %while3A_91 to %while3A_87 step %while3A_94 iter_args(%while3A_136 = %while3A_93#0, %while3A_137 = %while3A_93#1) -> (vector<1024x1xi32>, vector<1024x1xi32>)  : i32 {
      %get3A_138 = arith.index_cast %while3A_135 : i32 to index
      %get3A_139 = arith.constant 0 : index
      %get3A_140 = arith.constant 0 : index
      %get3A_141 = vector.load %arg2[%get3A_138, %get3A_139, %get3A_140] : memref<4x8x256xf32, #tpu.memory_space<vmem>>, vector<1x8x256xf32>
      %get3A_142 = vector.shape_cast %get3A_141 : vector<1x8x256xf32> to vector<8x256xf32>
      %dot_general3A = arith.constant dense<0.000000e+00> : vector<1024x256xf32>
      %dot_general3A_143 = tpu.matmul %get3A_78, %get3A_142, %dot_general3A {dimension_numbers = #tpu.dot_dimension_numbers<[1], [0], [0], [1], [0, 0, 1, 1], [], []>, precision = #tpu.contract_precision<fp32>, transpose_lhs_hint = false} : vector<1024x8xf32>, vector<8x256xf32>, vector<1024x256xf32> -> vector<1024x256xf32>
      %max3A_144 = arith.constant 0.000000e+00 : f32
      %max3A_145 = vector.broadcast %max3A_144 : f32 to vector<1024x256xf32>
      %max3A_146 = arith.maximumf %dot_general3A_143, %max3A_145 : vector<1024x256xf32>
      %get3A_147 = arith.index_cast %while3A_135 : i32 to index
      %get3A_148 = arith.constant 5 : index
      %get3A_149 = arith.constant 0 : index
      %get3A_150 = vector.load %arg2[%get3A_147, %get3A_148, %get3A_149] : memref<4x8x256xf32, #tpu.memory_space<vmem>>, vector<1x1x256xf32>
      %get3A_151 = vector.shape_cast %get3A_150 : vector<1x1x256xf32> to vector<1x256xf32>
      %ne3A = vector.broadcast %get3A_81 : vector<1024x1xf32> to vector<1024x256xf32>
      %ne3A_152 = vector.broadcast %get3A_151 : vector<1x256xf32> to vector<1024x256xf32>
      %ne3A_153 = arith.cmpf one, %ne3A, %ne3A_152 : vector<1024x256xf32>
      %broadcast_in_dim3A_154 = vector.broadcast %while3A : f32 to vector<1024x256xf32>
      %select_n3A_155 = arith.select %ne3A_153, %broadcast_in_dim3A_154, %max3A_146 : vector<1024x256xi1>, vector<1024x256xf32>
      %iota3A = tpu.iota {dimensions = array<i32: 1>} : vector<1x256xi32>
      %mul3A = arith.constant 256 : i32
      %mul3A_156 = arith.muli %while3A_135, %mul3A : i32
      %add3A = vector.broadcast %mul3A_156 : i32 to vector<1x256xi32>
      %add3A_157 = arith.addi %iota3A, %add3A : vector<1x256xi32>
      %bitcast_convert_type3A_158 = tpu.bitcast %select_n3A_155 : vector<1024x256xf32> -> vector<1024x256xi32>
      %and3A_159 = arith.constant -4096 : i32
      %and3A_160 = vector.broadcast %and3A_159 : i32 to vector<1024x256xi32>
      %and3A_161 = arith.andi %bitcast_convert_type3A_158, %and3A_160 : vector<1024x256xi32>
      %or3A = vector.broadcast %add3A_157 : vector<1x256xi32> to vector<1024x256xi32>
      %or3A_162 = arith.ori %and3A_161, %or3A : vector<1024x256xi32>
      %reduce_min3A = arith.constant dense<2147483647> : vector<1024xi32>
      %reduce_min3A_163 = vector.multi_reduction <minsi>, %or3A_162, %reduce_min3A [1] : vector<1024x256xi32> to vector<1024xi32>
      %broadcast_in_dim3A_164 = vector.shape_cast %reduce_min3A_163 : vector<1024xi32> to vector<1024x1xi32>
      %eq3A_165 = vector.broadcast %broadcast_in_dim3A_164 : vector<1024x1xi32> to vector<1024x256xi32>
      %eq3A_166 = arith.cmpi eq, %or3A_162, %eq3A_165 : vector<1024x256xi32>
      %broadcast_in_dim3A_167 = vector.broadcast %while3A_85 : i32 to vector<1024x256xi32>
      %select_n3A_168 = arith.select %eq3A_166, %broadcast_in_dim3A_167, %or3A_162 : vector<1024x256xi1>, vector<1024x256xi32>
      %reduce_min3A_169 = arith.constant dense<2147483647> : vector<1024xi32>
      %reduce_min3A_170 = vector.multi_reduction <minsi>, %select_n3A_168, %reduce_min3A_169 [1] : vector<1024x256xi32> to vector<1024xi32>
      %broadcast_in_dim3A_171 = vector.shape_cast %reduce_min3A_170 : vector<1024xi32> to vector<1024x1xi32>
      %min3A_172 = arith.minsi %broadcast_in_dim3A_164, %while3A_136 : vector<1024x1xi32>
      %max3A_173 = arith.maxsi %broadcast_in_dim3A_164, %while3A_136 : vector<1024x1xi32>
      %min3A_174 = arith.minsi %broadcast_in_dim3A_171, %while3A_137 : vector<1024x1xi32>
      %min3A_175 = arith.minsi %max3A_173, %min3A_174 : vector<1024x1xi32>
      scf.yield %min3A_172, %min3A_175 : vector<1024x1xi32>, vector<1024x1xi32>
    }
    %and3A_96 = arith.constant 4095 : i32
    %and3A_97 = vector.broadcast %and3A_96 : i32 to vector<1024x1xi32>
    %and3A_98 = arith.andi %while3A_95#0, %and3A_97 : vector<1024x1xi32>
    %min3A = arith.constant 1023 : i32
    %min3A_99 = vector.broadcast %min3A : i32 to vector<1024x1xi32>
    %min3A_100 = arith.minsi %and3A_98, %min3A_99 : vector<1024x1xi32>
    %swap3A = arith.constant 0 : index
    %swap3A_101 = arith.constant 0 : index
    %swap3A_102 = vector.load %arg5[%swap3A, %swap3A_101] : memref<1024x1xi32, #tpu.memory_space<vmem>>, vector<1024x1xi32>
    tpu.vector_store %arg5[%swap3A, %swap3A_101], %min3A_100 {strides = array<i32>} : memref<1024x1xi32, #tpu.memory_space<vmem>>, vector<1024x1xi32>,
    %and3A_103 = arith.constant 4095 : i32
    %and3A_104 = vector.broadcast %and3A_103 : i32 to vector<1024x1xi32>
    %and3A_105 = arith.andi %while3A_95#1, %and3A_104 : vector<1024x1xi32>
    %min3A_106 = arith.constant 1023 : i32
    %min3A_107 = vector.broadcast %min3A_106 : i32 to vector<1024x1xi32>
    %min3A_108 = arith.minsi %and3A_105, %min3A_107 : vector<1024x1xi32>
    %swap3A_109 = arith.constant 0 : index
    %swap3A_110 = arith.constant 0 : index
    %swap3A_111 = vector.load %arg6[%swap3A_109, %swap3A_110] : memref<1024x1xi32, #tpu.memory_space<vmem>>, vector<1024x1xi32>
    tpu.vector_store %arg6[%swap3A_109, %swap3A_110], %min3A_108 {strides = array<i32>} : memref<1024x1xi32, #tpu.memory_space<vmem>>, vector<1024x1xi32>,
    %and3A_112 = arith.constant -4096 : i32
    %and3A_113 = vector.broadcast %and3A_112 : i32 to vector<1024x1xi32>
    %and3A_114 = arith.andi %while3A_95#0, %and3A_113 : vector<1024x1xi32>
    %bitcast_convert_type3A = tpu.bitcast %and3A_114 : vector<1024x1xi32> -> vector<1024x1xf32>
    %and3A_115 = arith.constant -4096 : i32
    %and3A_116 = vector.broadcast %and3A_115 : i32 to vector<1024x1xi32>
    %and3A_117 = arith.andi %while3A_95#1, %and3A_116 : vector<1024x1xi32>
    %bitcast_convert_type3A_118 = tpu.bitcast %and3A_117 : vector<1024x1xi32> -> vector<1024x1xf32>
    %max3A = arith.constant 1.000000e-16 : f32
    %max3A_119 = vector.broadcast %max3A : f32 to vector<1024x1xf32>
    %max3A_120 = arith.maximumf %bitcast_convert_type3A, %max3A_119 : vector<1024x1xf32>
    %div3A = arith.constant 1.000000e+00 : f32
    %div3A_121 = vector.broadcast %div3A : f32 to vector<1024x1xf32>
    %div3A_122 = arith.divf %div3A_121, %max3A_120 : vector<1024x1xf32>
    %swap3A_123 = arith.constant 0 : index
    %swap3A_124 = arith.constant 0 : index
    %swap3A_125 = vector.load %arg7[%swap3A_123, %swap3A_124] : memref<1024x1xf32, #tpu.memory_space<vmem>>, vector<1024x1xf32>
    tpu.vector_store %arg7[%swap3A_123, %swap3A_124], %div3A_122 {strides = array<i32>} : memref<1024x1xf32, #tpu.memory_space<vmem>>, vector<1024x1xf32>,
    %max3A_126 = arith.constant 1.000000e-16 : f32
    %max3A_127 = vector.broadcast %max3A_126 : f32 to vector<1024x1xf32>
    %max3A_128 = arith.maximumf %bitcast_convert_type3A_118, %max3A_127 : vector<1024x1xf32>
    %div3A_129 = arith.constant 1.000000e+00 : f32
    %div3A_130 = vector.broadcast %div3A_129 : f32 to vector<1024x1xf32>
    %div3A_131 = arith.divf %div3A_130, %max3A_128 : vector<1024x1xf32>
    %swap3A_132 = arith.constant 0 : index
    %swap3A_133 = arith.constant 0 : index
    %swap3A_134 = vector.load %arg8[%swap3A_132, %swap3A_133] : memref<1024x1xf32, #tpu.memory_space<vmem>>, vector<1024x1xf32>
    tpu.vector_store %arg8[%swap3A_132, %swap3A_133], %div3A_131 {strides = array<i32>} : memref<1024x1xf32, #tpu.memory_space<vmem>>, vector<1024x1xf32>,
    return
  }
  func.func @transform_0(%arg0: i32) -> (i32, i32) {
    %c0_i32 = arith.constant 0 : i32
    %c0_i32_0 = arith.constant 0 : i32
    return %arg0, %c0_i32 : i32, i32
  }
  func.func @transform_1(%arg0: i32) -> (i32, i32, i32) {
    %c0_i32 = arith.constant 0 : i32
    %c0_i32_0 = arith.constant 0 : i32
    %c0_i32_1 = arith.constant 0 : i32
    %c0_i32_2 = arith.constant 0 : i32
    return %c0_i32, %c0_i32_0, %c0_i32_1 : i32, i32, i32
  }
  func.func @transform_2(%arg0: i32) -> (i32, i32) {
    %c0_i32 = arith.constant 0 : i32
    %c0_i32_0 = arith.constant 0 : i32
    %c0_i32_1 = arith.constant 0 : i32
    return %c0_i32, %c0_i32_0 : i32, i32
  }
  func.func @transform_3(%arg0: i32) -> (i32, i32) {
    %c0_i32 = arith.constant 0 : i32
    %c0_i32_0 = arith.constant 0 : i32
    %c0_i32_1 = arith.constant 0 : i32
    return %c0_i32, %c0_i32_0 : i32, i32
  }
  func.func @transform_4(%arg0: i32) -> (i32, i32) {
    %c0_i32 = arith.constant 0 : i32
    %c0_i32_0 = arith.constant 0 : i32
    return %arg0, %c0_i32 : i32, i32
  }
  func.func @transform_5(%arg0: i32) -> (i32, i32) {
    %c0_i32 = arith.constant 0 : i32
    %c0_i32_0 = arith.constant 0 : i32
    return %arg0, %c0_i32 : i32, i32
  }
  func.func @transform_6(%arg0: i32) -> (i32, i32) {
    %c0_i32 = arith.constant 0 : i32
    %c0_i32_0 = arith.constant 0 : i32
    return %arg0, %c0_i32 : i32, i32
  }
  func.func @transform_7(%arg0: i32) -> (i32, i32) {
    %c0_i32 = arith.constant 0 : i32
    %c0_i32_0 = arith.constant 0 : i32
    return %arg0, %c0_i32 : i32, i32
  }
}

module attributes {stable_mosaic.version = 14 : i64} {
  func.func @_mlp_body(%arg0: i32, %arg1: memref<1024x256xf32, #tpu.memory_space<vmem>>, %arg2: memref<1024x512xf32, #tpu.memory_space<vmem>>, %arg3: memref<1024x512xf32, #tpu.memory_space<vmem>>, %arg4: memref<1024x1xf32, #tpu.memory_space<vmem>>, %arg5: memref<1024x1xf32, #tpu.memory_space<vmem>>, %arg6: memref<256x256xf32, #tpu.memory_space<vmem>>, %arg7: memref<256x512xf32, #tpu.memory_space<vmem>>, %arg8: memref<1x256xf32, #tpu.memory_space<vmem>>, %arg9: memref<1x256xf32, #tpu.memory_space<vmem>>, %arg10: memref<1x256xf32, #tpu.memory_space<vmem>>, %arg11: memref<256x256xf32, #tpu.memory_space<vmem>>, %arg12: memref<1x256xf32, #tpu.memory_space<vmem>>, %arg13: memref<1x256xf32, #tpu.memory_space<vmem>>, %arg14: memref<1x256xf32, #tpu.memory_space<vmem>>, %arg15: memref<1024x256xf32, #tpu.memory_space<vmem>>) attributes {dimension_semantics = [#tpu.dimension_semantics<arbitrary>], iteration_bounds = array<i64: 1>, scalar_prefetch = 0 : i64, scratch_operands = 0 : i64, tpu.core_type = #tpu.core_type<tc>, window_params = [{transform_indices = @transform_0, window_bounds = array<i64: 1024, 256>}, {transform_indices = @transform_1, window_bounds = array<i64: 1024, 512>}, {transform_indices = @transform_2, window_bounds = array<i64: 1024, 512>}, {transform_indices = @transform_3, window_bounds = array<i64: 1024, 1>}, {transform_indices = @transform_4, window_bounds = array<i64: 1024, 1>}, {pipeline_mode = #tpu.pipeline_mode<synchronous>, transform_indices = @transform_5, window_bounds = array<i64: 256, 256>}, {pipeline_mode = #tpu.pipeline_mode<synchronous>, transform_indices = @transform_6, window_bounds = array<i64: 256, 512>}, {pipeline_mode = #tpu.pipeline_mode<synchronous>, transform_indices = @transform_7, window_bounds = array<i64: 1, 256>}, {pipeline_mode = #tpu.pipeline_mode<synchronous>, transform_indices = @transform_8, window_bounds = array<i64: 1, 256>}, {pipeline_mode = #tpu.pipeline_mode<synchronous>, transform_indices = @transform_9, window_bounds = array<i64: 1, 256>}, {pipeline_mode = #tpu.pipeline_mode<synchronous>, transform_indices = @transform_10, window_bounds = array<i64: 256, 256>}, {pipeline_mode = #tpu.pipeline_mode<synchronous>, transform_indices = @transform_11, window_bounds = array<i64: 1, 256>}, {pipeline_mode = #tpu.pipeline_mode<synchronous>, transform_indices = @transform_12, window_bounds = array<i64: 1, 256>}, {pipeline_mode = #tpu.pipeline_mode<synchronous>, transform_indices = @transform_13, window_bounds = array<i64: 1, 256>}, {transform_indices = @transform_14, window_bounds = array<i64: 1024, 256>}]} {
    %get3A = arith.constant 0 : index
    %get3A_0 = arith.constant 0 : index
    %get3A_1 = vector.load %arg4[%get3A, %get3A_0] : memref<1024x1xf32, #tpu.memory_space<vmem>>, vector<1024x1xf32>
    %get3A_2 = arith.constant 0 : index
    %get3A_3 = arith.constant 0 : index
    %get3A_4 = vector.load %arg5[%get3A_2, %get3A_3] : memref<1024x1xf32, #tpu.memory_space<vmem>>, vector<1024x1xf32>
    %get3A_5 = arith.constant 0 : index
    %get3A_6 = arith.constant 0 : index
    %get3A_7 = vector.load %arg2[%get3A_5, %get3A_6] : memref<1024x512xf32, #tpu.memory_space<vmem>>, vector<1024x512xf32>
    %mul3A = vector.broadcast %get3A_1 : vector<1024x1xf32> to vector<1024x512xf32>
    %mul3A_8 = arith.mulf %get3A_7, %mul3A : vector<1024x512xf32>
    %get3A_9 = arith.constant 0 : index
    %get3A_10 = arith.constant 0 : index
    %get3A_11 = vector.load %arg3[%get3A_9, %get3A_10] : memref<1024x512xf32, #tpu.memory_space<vmem>>, vector<1024x512xf32>
    %mul3A_12 = vector.broadcast %get3A_4 : vector<1024x1xf32> to vector<1024x512xf32>
    %mul3A_13 = arith.mulf %get3A_11, %mul3A_12 : vector<1024x512xf32>
    %add3A = arith.addf %mul3A_8, %mul3A_13 : vector<1024x512xf32>
    %add3A_14 = arith.addf %get3A_1, %get3A_4 : vector<1024x1xf32>
    %div3A = arith.constant 1.000000e+00 : f32
    %div3A_15 = vector.broadcast %div3A : f32 to vector<1024x1xf32>
    %div3A_16 = arith.divf %div3A_15, %add3A_14 : vector<1024x1xf32>
    %mul3A_17 = vector.broadcast %div3A_16 : vector<1024x1xf32> to vector<1024x512xf32>
    %mul3A_18 = arith.mulf %add3A, %mul3A_17 : vector<1024x512xf32>
    %get3A_19 = arith.constant 0 : index
    %get3A_20 = arith.constant 0 : index
    %get3A_21 = vector.load %arg1[%get3A_19, %get3A_20] : memref<1024x256xf32, #tpu.memory_space<vmem>>, vector<1024x256xf32>
    %get3A_22 = arith.constant 0 : index
    %get3A_23 = arith.constant 0 : index
    %get3A_24 = vector.load %arg6[%get3A_22, %get3A_23] : memref<256x256xf32, #tpu.memory_space<vmem>>, vector<256x256xf32>
    %dot_general3A = arith.constant dense<0.000000e+00> : vector<1024x256xf32>
    %dot_general3A_25 = tpu.matmul %get3A_21, %get3A_24, %dot_general3A {dimension_numbers = #tpu.dot_dimension_numbers<[1], [1], [0], [0], [0, 0, 1, 0], [], []>, transpose_lhs_hint = false} : vector<1024x256xf32>, vector<256x256xf32>, vector<1024x256xf32> -> vector<1024x256xf32>
    %get3A_26 = arith.constant 0 : index
    %get3A_27 = arith.constant 0 : index
    %get3A_28 = vector.load %arg7[%get3A_26, %get3A_27] : memref<256x512xf32, #tpu.memory_space<vmem>>, vector<256x512xf32>
    %dot_general3A_29 = arith.constant dense<0.000000e+00> : vector<1024x256xf32>
    %dot_general3A_30 = tpu.matmul %mul3A_18, %get3A_28, %dot_general3A_29 {dimension_numbers = #tpu.dot_dimension_numbers<[1], [1], [0], [0], [0, 0, 1, 0], [], []>, transpose_lhs_hint = false} : vector<1024x512xf32>, vector<256x512xf32>, vector<1024x256xf32> -> vector<1024x256xf32>
    %get3A_31 = arith.constant 0 : index
    %get3A_32 = arith.constant 0 : index
    %get3A_33 = vector.load %arg9[%get3A_31, %get3A_32] : memref<1x256xf32, #tpu.memory_space<vmem>>, vector<1x256xf32>
    %mul3A_34 = arith.constant 0.999994993 : f32
    %mul3A_35 = vector.broadcast %mul3A_34 : f32 to vector<1x256xf32>
    %mul3A_36 = arith.mulf %get3A_33, %mul3A_35 : vector<1x256xf32>
    %get3A_37 = arith.constant 0 : index
    %get3A_38 = arith.constant 0 : index
    %get3A_39 = vector.load %arg8[%get3A_37, %get3A_38] : memref<1x256xf32, #tpu.memory_space<vmem>>, vector<1x256xf32>
    %mul3A_40 = arith.mulf %get3A_39, %mul3A_36 : vector<1x256xf32>
    %get3A_41 = arith.constant 0 : index
    %get3A_42 = arith.constant 0 : index
    %get3A_43 = vector.load %arg10[%get3A_41, %get3A_42] : memref<1x256xf32, #tpu.memory_space<vmem>>, vector<1x256xf32>
    %add3A_44 = arith.addf %mul3A_40, %get3A_43 : vector<1x256xf32>
    %add3A_45 = arith.addf %dot_general3A_25, %dot_general3A_30 : vector<1024x256xf32>
    %mul3A_46 = vector.broadcast %mul3A_36 : vector<1x256xf32> to vector<1024x256xf32>
    %mul3A_47 = arith.mulf %add3A_45, %mul3A_46 : vector<1024x256xf32>
    %add3A_48 = vector.broadcast %add3A_44 : vector<1x256xf32> to vector<1024x256xf32>
    %add3A_49 = arith.addf %mul3A_47, %add3A_48 : vector<1024x256xf32>
    %max3A = arith.constant 0.000000e+00 : f32
    %max3A_50 = vector.broadcast %max3A : f32 to vector<1024x256xf32>
    %max3A_51 = arith.maximumf %add3A_49, %max3A_50 : vector<1024x256xf32>
    %get3A_52 = arith.constant 0 : index
    %get3A_53 = arith.constant 0 : index
    %get3A_54 = vector.load %arg11[%get3A_52, %get3A_53] : memref<256x256xf32, #tpu.memory_space<vmem>>, vector<256x256xf32>
    %dot_general3A_55 = arith.constant dense<0.000000e+00> : vector<1024x256xf32>
    %dot_general3A_56 = tpu.matmul %max3A_51, %get3A_54, %dot_general3A_55 {dimension_numbers = #tpu.dot_dimension_numbers<[1], [1], [0], [0], [0, 0, 1, 0], [], []>, transpose_lhs_hint = false} : vector<1024x256xf32>, vector<256x256xf32>, vector<1024x256xf32> -> vector<1024x256xf32>
    %get3A_57 = arith.constant 0 : index
    %get3A_58 = arith.constant 0 : index
    %get3A_59 = vector.load %arg13[%get3A_57, %get3A_58] : memref<1x256xf32, #tpu.memory_space<vmem>>, vector<1x256xf32>
    %mul3A_60 = arith.constant 0.999994993 : f32
    %mul3A_61 = vector.broadcast %mul3A_60 : f32 to vector<1x256xf32>
    %mul3A_62 = arith.mulf %get3A_59, %mul3A_61 : vector<1x256xf32>
    %get3A_63 = arith.constant 0 : index
    %get3A_64 = arith.constant 0 : index
    %get3A_65 = vector.load %arg12[%get3A_63, %get3A_64] : memref<1x256xf32, #tpu.memory_space<vmem>>, vector<1x256xf32>
    %mul3A_66 = arith.mulf %get3A_65, %mul3A_62 : vector<1x256xf32>
    %get3A_67 = arith.constant 0 : index
    %get3A_68 = arith.constant 0 : index
    %get3A_69 = vector.load %arg14[%get3A_67, %get3A_68] : memref<1x256xf32, #tpu.memory_space<vmem>>, vector<1x256xf32>
    %add3A_70 = arith.addf %mul3A_66, %get3A_69 : vector<1x256xf32>
    %mul3A_71 = vector.broadcast %mul3A_62 : vector<1x256xf32> to vector<1024x256xf32>
    %mul3A_72 = arith.mulf %dot_general3A_56, %mul3A_71 : vector<1024x256xf32>
    %add3A_73 = vector.broadcast %add3A_70 : vector<1x256xf32> to vector<1024x256xf32>
    %add3A_74 = arith.addf %mul3A_72, %add3A_73 : vector<1024x256xf32>
    %max3A_75 = arith.constant 0.000000e+00 : f32
    %max3A_76 = vector.broadcast %max3A_75 : f32 to vector<1024x256xf32>
    %max3A_77 = arith.maximumf %add3A_74, %max3A_76 : vector<1024x256xf32>
    %swap3A = arith.constant 0 : index
    %swap3A_78 = arith.constant 0 : index
    %swap3A_79 = vector.load %arg15[%swap3A, %swap3A_78] : memref<1024x256xf32, #tpu.memory_space<vmem>>, vector<1024x256xf32>
    tpu.vector_store %arg15[%swap3A, %swap3A_78], %max3A_77 {strides = array<i32>} : memref<1024x256xf32, #tpu.memory_space<vmem>>, vector<1024x256xf32>,
    return
  }
  func.func @transform_0(%arg0: i32) -> (i32, i32) {
    %c0_i32 = arith.constant 0 : i32
    %c0_i32_0 = arith.constant 0 : i32
    return %arg0, %c0_i32 : i32, i32
  }
  func.func @transform_1(%arg0: i32) -> (i32, i32) {
    %c0_i32 = arith.constant 0 : i32
    %c0_i32_0 = arith.constant 0 : i32
    return %arg0, %c0_i32 : i32, i32
  }
  func.func @transform_2(%arg0: i32) -> (i32, i32) {
    %c0_i32 = arith.constant 0 : i32
    %c0_i32_0 = arith.constant 0 : i32
    return %arg0, %c0_i32 : i32, i32
  }
  func.func @transform_3(%arg0: i32) -> (i32, i32) {
    %c0_i32 = arith.constant 0 : i32
    %c0_i32_0 = arith.constant 0 : i32
    return %arg0, %c0_i32 : i32, i32
  }
  func.func @transform_4(%arg0: i32) -> (i32, i32) {
    %c0_i32 = arith.constant 0 : i32
    %c0_i32_0 = arith.constant 0 : i32
    return %arg0, %c0_i32 : i32, i32
  }
  func.func @transform_5(%arg0: i32) -> (i32, i32) {
    %c0_i32 = arith.constant 0 : i32
    %c0_i32_0 = arith.constant 0 : i32
    %c0_i32_1 = arith.constant 0 : i32
    return %c0_i32, %c0_i32_0 : i32, i32
  }
  func.func @transform_6(%arg0: i32) -> (i32, i32) {
    %c0_i32 = arith.constant 0 : i32
    %c0_i32_0 = arith.constant 0 : i32
    %c0_i32_1 = arith.constant 0 : i32
    return %c0_i32, %c0_i32_0 : i32, i32
  }
  func.func @transform_7(%arg0: i32) -> (i32, i32) {
    %c0_i32 = arith.constant 0 : i32
    %c0_i32_0 = arith.constant 0 : i32
    %c0_i32_1 = arith.constant 0 : i32
    return %c0_i32, %c0_i32_0 : i32, i32
  }
  func.func @transform_8(%arg0: i32) -> (i32, i32) {
    %c0_i32 = arith.constant 0 : i32
    %c0_i32_0 = arith.constant 0 : i32
    %c0_i32_1 = arith.constant 0 : i32
    return %c0_i32, %c0_i32_0 : i32, i32
  }
  func.func @transform_9(%arg0: i32) -> (i32, i32) {
    %c0_i32 = arith.constant 0 : i32
    %c0_i32_0 = arith.constant 0 : i32
    %c0_i32_1 = arith.constant 0 : i32
    return %c0_i32, %c0_i32_0 : i32, i32
  }
  func.func @transform_10(%arg0: i32) -> (i32, i32) {
    %c0_i32 = arith.constant 0 : i32
    %c0_i32_0 = arith.constant 0 : i32
    %c0_i32_1 = arith.constant 0 : i32
    return %c0_i32, %c0_i32_0 : i32, i32
  }
  func.func @transform_11(%arg0: i32) -> (i32, i32) {
    %c0_i32 = arith.constant 0 : i32
    %c0_i32_0 = arith.constant 0 : i32
    %c0_i32_1 = arith.constant 0 : i32
    return %c0_i32, %c0_i32_0 : i32, i32
  }
  func.func @transform_12(%arg0: i32) -> (i32, i32) {
    %c0_i32 = arith.constant 0 : i32
    %c0_i32_0 = arith.constant 0 : i32
    %c0_i32_1 = arith.constant 0 : i32
    return %c0_i32, %c0_i32_0 : i32, i32
  }
  func.func @transform_13(%arg0: i32) -> (i32, i32) {
    %c0_i32 = arith.constant 0 : i32
    %c0_i32_0 = arith.constant 0 : i32
    %c0_i32_1 = arith.constant 0 : i32
    return %c0_i32, %c0_i32_0 : i32, i32
  }
  func.func @transform_14(%arg0: i32) -> (i32, i32) {
    %c0_i32 = arith.constant 0 : i32
    %c0_i32_0 = arith.constant 0 : i32
    return %arg0, %c0_i32 : i32, i32
  }
}

module attributes {stable_mosaic.version = 14 : i64} {
  func.func @_knn_body(%arg0: i32, %arg1: memref<1024x8xf32, #tpu.memory_space<vmem>>, %arg2: memref<4x8x1024xf32, #tpu.memory_space<vmem>>, %arg3: memref<1x4xf32, #tpu.memory_space<vmem>>, %arg4: memref<1x4xf32, #tpu.memory_space<vmem>>, %arg5: memref<1024x1xi32, #tpu.memory_space<vmem>>, %arg6: memref<1024x1xi32, #tpu.memory_space<vmem>>, %arg7: memref<1024x1xf32, #tpu.memory_space<vmem>>, %arg8: memref<1024x1xf32, #tpu.memory_space<vmem>>) attributes {dimension_semantics = [#tpu.dimension_semantics<arbitrary>], iteration_bounds = array<i64: 16>, scalar_prefetch = 0 : i64, scratch_operands = 0 : i64, tpu.core_type = #tpu.core_type<tc>, window_params = [{transform_indices = @transform_0, window_bounds = array<i64: 1024, 8>}, {pipeline_mode = #tpu.pipeline_mode<synchronous>, transform_indices = @transform_1, window_bounds = array<i64: 4, 8, 1024>}, {pipeline_mode = #tpu.pipeline_mode<synchronous>, transform_indices = @transform_2, window_bounds = array<i64: 1, 4>}, {pipeline_mode = #tpu.pipeline_mode<synchronous>, transform_indices = @transform_3, window_bounds = array<i64: 1, 4>}, {transform_indices = @transform_4, window_bounds = array<i64: 1024, 1>}, {transform_indices = @transform_5, window_bounds = array<i64: 1024, 1>}, {transform_indices = @transform_6, window_bounds = array<i64: 1024, 1>}, {transform_indices = @transform_7, window_bounds = array<i64: 1024, 1>}]} {
    %get3A = arith.constant 0 : index
    %get3A_0 = arith.constant 6 : index
    %get3A_1 = vector.load %arg1[%get3A, %get3A_0] : memref<1024x8xf32, #tpu.memory_space<vmem>>, vector<1x1xf32>
    %get3A_2 = vector.extract %get3A_1[0, 0] : f32 from vector<1x1xf32>
    %get3A_3 = arith.constant 1023 : index
    %get3A_4 = arith.constant 6 : index
    %get3A_5 = vector.load %arg1[%get3A_3, %get3A_4] : memref<1024x8xf32, #tpu.memory_space<vmem>>, vector<1x1xf32>
    %get3A_6 = vector.extract %get3A_5[0, 0] : f32 from vector<1x1xf32>
    %get3A_7 = arith.constant 0 : index
    %get3A_8 = arith.constant 0 : index
    %get3A_9 = vector.load %arg3[%get3A_7, %get3A_8] : memref<1x4xf32, #tpu.memory_space<vmem>>, vector<1x1xf32>
    %get3A_10 = vector.extract %get3A_9[0, 0] : f32 from vector<1x1xf32>
    %le3A = arith.cmpf ole, %get3A_10, %get3A_6 : f32
    %get3A_11 = arith.constant 0 : index
    %get3A_12 = arith.constant 0 : index
    %get3A_13 = vector.load %arg4[%get3A_11, %get3A_12] : memref<1x4xf32, #tpu.memory_space<vmem>>, vector<1x1xf32>
    %get3A_14 = vector.extract %get3A_13[0, 0] : f32 from vector<1x1xf32>
    %ge3A = arith.cmpf oge, %get3A_14, %get3A_2 : f32
    %and3A = arith.andi %le3A, %ge3A : i1
    %eq3A = arith.constant 4 : i32
    %eq3A_15 = arith.constant 4 : i32
    %eq3A_16 = arith.cmpi eq, %eq3A, %eq3A_15 : i32
    %and3A_17 = arith.andi %and3A, %eq3A_16 : i1
    %jit3A = arith.constant 0 : i32
    %jit3A_18 = arith.constant 4 : i32
    %select_n3A = arith.select %and3A_17, %jit3A, %jit3A_18 : i32
    %jit3A_19 = arith.constant 1 : i32
    %jit3A_20 = arith.constant 0 : i32
    %select_n3A_21 = arith.select %and3A, %jit3A_19, %jit3A_20 : i32
    %get3A_22 = arith.constant 0 : index
    %get3A_23 = arith.constant 1 : index
    %get3A_24 = vector.load %arg3[%get3A_22, %get3A_23] : memref<1x4xf32, #tpu.memory_space<vmem>>, vector<1x1xf32>
    %get3A_25 = vector.extract %get3A_24[0, 0] : f32 from vector<1x1xf32>
    %le3A_26 = arith.cmpf ole, %get3A_25, %get3A_6 : f32
    %get3A_27 = arith.constant 0 : index
    %get3A_28 = arith.constant 1 : index
    %get3A_29 = vector.load %arg4[%get3A_27, %get3A_28] : memref<1x4xf32, #tpu.memory_space<vmem>>, vector<1x1xf32>
    %get3A_30 = vector.extract %get3A_29[0, 0] : f32 from vector<1x1xf32>
    %ge3A_31 = arith.cmpf oge, %get3A_30, %get3A_2 : f32
    %and3A_32 = arith.andi %le3A_26, %ge3A_31 : i1
    %eq3A_33 = arith.constant 4 : i32
    %eq3A_34 = arith.cmpi eq, %select_n3A, %eq3A_33 : i32
    %and3A_35 = arith.andi %and3A_32, %eq3A_34 : i1
    %jit3A_36 = arith.constant 1 : i32
    %select_n3A_37 = arith.select %and3A_35, %jit3A_36, %select_n3A : i32
    %jit3A_38 = arith.constant 2 : i32
    %select_n3A_39 = arith.select %and3A_32, %jit3A_38, %select_n3A_21 : i32
    %get3A_40 = arith.constant 0 : index
    %get3A_41 = arith.constant 2 : index
    %get3A_42 = vector.load %arg3[%get3A_40, %get3A_41] : memref<1x4xf32, #tpu.memory_space<vmem>>, vector<1x1xf32>
    %get3A_43 = vector.extract %get3A_42[0, 0] : f32 from vector<1x1xf32>
    %le3A_44 = arith.cmpf ole, %get3A_43, %get3A_6 : f32
    %get3A_45 = arith.constant 0 : index
    %get3A_46 = arith.constant 2 : index
    %get3A_47 = vector.load %arg4[%get3A_45, %get3A_46] : memref<1x4xf32, #tpu.memory_space<vmem>>, vector<1x1xf32>
    %get3A_48 = vector.extract %get3A_47[0, 0] : f32 from vector<1x1xf32>
    %ge3A_49 = arith.cmpf oge, %get3A_48, %get3A_2 : f32
    %and3A_50 = arith.andi %le3A_44, %ge3A_49 : i1
    %eq3A_51 = arith.constant 4 : i32
    %eq3A_52 = arith.cmpi eq, %select_n3A_37, %eq3A_51 : i32
    %and3A_53 = arith.andi %and3A_50, %eq3A_52 : i1
    %jit3A_54 = arith.constant 2 : i32
    %select_n3A_55 = arith.select %and3A_53, %jit3A_54, %select_n3A_37 : i32
    %jit3A_56 = arith.constant 3 : i32
    %select_n3A_57 = arith.select %and3A_50, %jit3A_56, %select_n3A_39 : i32
    %get3A_58 = arith.constant 0 : index
    %get3A_59 = arith.constant 3 : index
    %get3A_60 = vector.load %arg3[%get3A_58, %get3A_59] : memref<1x4xf32, #tpu.memory_space<vmem>>, vector<1x1xf32>
    %get3A_61 = vector.extract %get3A_60[0, 0] : f32 from vector<1x1xf32>
    %le3A_62 = arith.cmpf ole, %get3A_61, %get3A_6 : f32
    %get3A_63 = arith.constant 0 : index
    %get3A_64 = arith.constant 3 : index
    %get3A_65 = vector.load %arg4[%get3A_63, %get3A_64] : memref<1x4xf32, #tpu.memory_space<vmem>>, vector<1x1xf32>
    %get3A_66 = vector.extract %get3A_65[0, 0] : f32 from vector<1x1xf32>
    %ge3A_67 = arith.cmpf oge, %get3A_66, %get3A_2 : f32
    %and3A_68 = arith.andi %le3A_62, %ge3A_67 : i1
    %eq3A_69 = arith.constant 4 : i32
    %eq3A_70 = arith.cmpi eq, %select_n3A_55, %eq3A_69 : i32
    %and3A_71 = arith.andi %and3A_68, %eq3A_70 : i1
    %jit3A_72 = arith.constant 3 : i32
    %select_n3A_73 = arith.select %and3A_71, %jit3A_72, %select_n3A_55 : i32
    %jit3A_74 = arith.constant 4 : i32
    %select_n3A_75 = arith.select %and3A_68, %jit3A_74, %select_n3A_57 : i32
    %get3A_76 = arith.constant 0 : index
    %get3A_77 = arith.constant 0 : index
    %get3A_78 = vector.load %arg1[%get3A_76, %get3A_77] : memref<1024x8xf32, #tpu.memory_space<vmem>>, vector<1024x8xf32>
    %get3A_79 = arith.constant 0 : index
    %get3A_80 = arith.constant 6 : index
    %get3A_81 = vector.load %arg1[%get3A_79, %get3A_80] : memref<1024x8xf32, #tpu.memory_space<vmem>>, vector<1024x1xf32>
    %broadcast_in_dim3A = arith.constant 2147483647 : i32
    %broadcast_in_dim3A_82 = vector.broadcast %broadcast_in_dim3A : i32 to vector<1024x1xi32>
    %broadcast_in_dim3A_83 = arith.constant 2147483647 : i32
    %broadcast_in_dim3A_84 = vector.broadcast %broadcast_in_dim3A_83 : i32 to vector<1024x1xi32>
    %while3A = arith.constant 0x7F800000 : f32
    %while3A_85 = arith.constant 2147483647 : i32
    %while3A_86 = arith.subi %select_n3A_75, %select_n3A_73 : i32
    %while3A_87 = arith.addi %select_n3A_73, %while3A_86 : i32
    %while3A_88 = arith.constant 1 : i32
    %while3A_89 = arith.divsi %while3A_86, %while3A_88 : i32
    %while3A_90 = arith.muli %while3A_89, %while3A_88 : i32
    %while3A_91 = arith.addi %select_n3A_73, %while3A_90 : i32
    %while3A_92 = arith.constant 1 : i32
    %while3A_93:2 = scf.for %while3A_135 = %select_n3A_73 to %while3A_91 step %while3A_92 iter_args(%while3A_136 = %broadcast_in_dim3A_82, %while3A_137 = %broadcast_in_dim3A_84) -> (vector<1024x1xi32>, vector<1024x1xi32>)  : i32 {
      %get3A_138 = arith.index_cast %while3A_135 : i32 to index
      %get3A_139 = arith.constant 0 : index
      %get3A_140 = arith.constant 0 : index
      %get3A_141 = vector.load %arg2[%get3A_138, %get3A_139, %get3A_140] : memref<4x8x1024xf32, #tpu.memory_space<vmem>>, vector<1x8x1024xf32>
      %get3A_142 = vector.shape_cast %get3A_141 : vector<1x8x1024xf32> to vector<8x1024xf32>
      %dot_general3A = arith.constant dense<0.000000e+00> : vector<1024x1024xf32>
      %dot_general3A_143 = tpu.matmul %get3A_78, %get3A_142, %dot_general3A {dimension_numbers = #tpu.dot_dimension_numbers<[1], [0], [0], [1], [0, 0, 1, 1], [], []>, precision = #tpu.contract_precision<fp32>, transpose_lhs_hint = false} : vector<1024x8xf32>, vector<8x1024xf32>, vector<1024x1024xf32> -> vector<1024x1024xf32>
      %max3A_144 = arith.constant 0.000000e+00 : f32
      %max3A_145 = vector.broadcast %max3A_144 : f32 to vector<1024x1024xf32>
      %max3A_146 = arith.maximumf %dot_general3A_143, %max3A_145 : vector<1024x1024xf32>
      %get3A_147 = arith.index_cast %while3A_135 : i32 to index
      %get3A_148 = arith.constant 5 : index
      %get3A_149 = arith.constant 0 : index
      %get3A_150 = vector.load %arg2[%get3A_147, %get3A_148, %get3A_149] : memref<4x8x1024xf32, #tpu.memory_space<vmem>>, vector<1x1x1024xf32>
      %get3A_151 = vector.shape_cast %get3A_150 : vector<1x1x1024xf32> to vector<1x1024xf32>
      %ne3A = vector.broadcast %get3A_81 : vector<1024x1xf32> to vector<1024x1024xf32>
      %ne3A_152 = vector.broadcast %get3A_151 : vector<1x1024xf32> to vector<1024x1024xf32>
      %ne3A_153 = arith.cmpf one, %ne3A, %ne3A_152 : vector<1024x1024xf32>
      %broadcast_in_dim3A_154 = vector.broadcast %while3A : f32 to vector<1024x1024xf32>
      %select_n3A_155 = arith.select %ne3A_153, %broadcast_in_dim3A_154, %max3A_146 : vector<1024x1024xi1>, vector<1024x1024xf32>
      %iota3A = tpu.iota {dimensions = array<i32: 1>} : vector<1x1024xi32>
      %mul3A = arith.constant 1024 : i32
      %mul3A_156 = arith.muli %while3A_135, %mul3A : i32
      %add3A = vector.broadcast %mul3A_156 : i32 to vector<1x1024xi32>
      %add3A_157 = arith.addi %iota3A, %add3A : vector<1x1024xi32>
      %bitcast_convert_type3A_158 = tpu.bitcast %select_n3A_155 : vector<1024x1024xf32> -> vector<1024x1024xi32>
      %and3A_159 = arith.constant -4096 : i32
      %and3A_160 = vector.broadcast %and3A_159 : i32 to vector<1024x1024xi32>
      %and3A_161 = arith.andi %bitcast_convert_type3A_158, %and3A_160 : vector<1024x1024xi32>
      %or3A = vector.broadcast %add3A_157 : vector<1x1024xi32> to vector<1024x1024xi32>
      %or3A_162 = arith.ori %and3A_161, %or3A : vector<1024x1024xi32>
      %reduce_min3A = arith.constant dense<2147483647> : vector<1024xi32>
      %reduce_min3A_163 = vector.multi_reduction <minsi>, %or3A_162, %reduce_min3A [1] : vector<1024x1024xi32> to vector<1024xi32>
      %broadcast_in_dim3A_164 = vector.shape_cast %reduce_min3A_163 : vector<1024xi32> to vector<1024x1xi32>
      %eq3A_165 = vector.broadcast %broadcast_in_dim3A_164 : vector<1024x1xi32> to vector<1024x1024xi32>
      %eq3A_166 = arith.cmpi eq, %or3A_162, %eq3A_165 : vector<1024x1024xi32>
      %broadcast_in_dim3A_167 = vector.broadcast %while3A_85 : i32 to vector<1024x1024xi32>
      %select_n3A_168 = arith.select %eq3A_166, %broadcast_in_dim3A_167, %or3A_162 : vector<1024x1024xi1>, vector<1024x1024xi32>
      %reduce_min3A_169 = arith.constant dense<2147483647> : vector<1024xi32>
      %reduce_min3A_170 = vector.multi_reduction <minsi>, %select_n3A_168, %reduce_min3A_169 [1] : vector<1024x1024xi32> to vector<1024xi32>
      %broadcast_in_dim3A_171 = vector.shape_cast %reduce_min3A_170 : vector<1024xi32> to vector<1024x1xi32>
      %min3A_172 = arith.minsi %broadcast_in_dim3A_164, %while3A_136 : vector<1024x1xi32>
      %max3A_173 = arith.maxsi %broadcast_in_dim3A_164, %while3A_136 : vector<1024x1xi32>
      %min3A_174 = arith.minsi %broadcast_in_dim3A_171, %while3A_137 : vector<1024x1xi32>
      %min3A_175 = arith.minsi %max3A_173, %min3A_174 : vector<1024x1xi32>
      scf.yield %min3A_172, %min3A_175 : vector<1024x1xi32>, vector<1024x1xi32>
    }
    %while3A_94 = arith.constant 1 : i32
    %while3A_95:2 = scf.for %while3A_135 = %while3A_91 to %while3A_87 step %while3A_94 iter_args(%while3A_136 = %while3A_93#0, %while3A_137 = %while3A_93#1) -> (vector<1024x1xi32>, vector<1024x1xi32>)  : i32 {
      %get3A_138 = arith.index_cast %while3A_135 : i32 to index
      %get3A_139 = arith.constant 0 : index
      %get3A_140 = arith.constant 0 : index
      %get3A_141 = vector.load %arg2[%get3A_138, %get3A_139, %get3A_140] : memref<4x8x1024xf32, #tpu.memory_space<vmem>>, vector<1x8x1024xf32>
      %get3A_142 = vector.shape_cast %get3A_141 : vector<1x8x1024xf32> to vector<8x1024xf32>
      %dot_general3A = arith.constant dense<0.000000e+00> : vector<1024x1024xf32>
      %dot_general3A_143 = tpu.matmul %get3A_78, %get3A_142, %dot_general3A {dimension_numbers = #tpu.dot_dimension_numbers<[1], [0], [0], [1], [0, 0, 1, 1], [], []>, precision = #tpu.contract_precision<fp32>, transpose_lhs_hint = false} : vector<1024x8xf32>, vector<8x1024xf32>, vector<1024x1024xf32> -> vector<1024x1024xf32>
      %max3A_144 = arith.constant 0.000000e+00 : f32
      %max3A_145 = vector.broadcast %max3A_144 : f32 to vector<1024x1024xf32>
      %max3A_146 = arith.maximumf %dot_general3A_143, %max3A_145 : vector<1024x1024xf32>
      %get3A_147 = arith.index_cast %while3A_135 : i32 to index
      %get3A_148 = arith.constant 5 : index
      %get3A_149 = arith.constant 0 : index
      %get3A_150 = vector.load %arg2[%get3A_147, %get3A_148, %get3A_149] : memref<4x8x1024xf32, #tpu.memory_space<vmem>>, vector<1x1x1024xf32>
      %get3A_151 = vector.shape_cast %get3A_150 : vector<1x1x1024xf32> to vector<1x1024xf32>
      %ne3A = vector.broadcast %get3A_81 : vector<1024x1xf32> to vector<1024x1024xf32>
      %ne3A_152 = vector.broadcast %get3A_151 : vector<1x1024xf32> to vector<1024x1024xf32>
      %ne3A_153 = arith.cmpf one, %ne3A, %ne3A_152 : vector<1024x1024xf32>
      %broadcast_in_dim3A_154 = vector.broadcast %while3A : f32 to vector<1024x1024xf32>
      %select_n3A_155 = arith.select %ne3A_153, %broadcast_in_dim3A_154, %max3A_146 : vector<1024x1024xi1>, vector<1024x1024xf32>
      %iota3A = tpu.iota {dimensions = array<i32: 1>} : vector<1x1024xi32>
      %mul3A = arith.constant 1024 : i32
      %mul3A_156 = arith.muli %while3A_135, %mul3A : i32
      %add3A = vector.broadcast %mul3A_156 : i32 to vector<1x1024xi32>
      %add3A_157 = arith.addi %iota3A, %add3A : vector<1x1024xi32>
      %bitcast_convert_type3A_158 = tpu.bitcast %select_n3A_155 : vector<1024x1024xf32> -> vector<1024x1024xi32>
      %and3A_159 = arith.constant -4096 : i32
      %and3A_160 = vector.broadcast %and3A_159 : i32 to vector<1024x1024xi32>
      %and3A_161 = arith.andi %bitcast_convert_type3A_158, %and3A_160 : vector<1024x1024xi32>
      %or3A = vector.broadcast %add3A_157 : vector<1x1024xi32> to vector<1024x1024xi32>
      %or3A_162 = arith.ori %and3A_161, %or3A : vector<1024x1024xi32>
      %reduce_min3A = arith.constant dense<2147483647> : vector<1024xi32>
      %reduce_min3A_163 = vector.multi_reduction <minsi>, %or3A_162, %reduce_min3A [1] : vector<1024x1024xi32> to vector<1024xi32>
      %broadcast_in_dim3A_164 = vector.shape_cast %reduce_min3A_163 : vector<1024xi32> to vector<1024x1xi32>
      %eq3A_165 = vector.broadcast %broadcast_in_dim3A_164 : vector<1024x1xi32> to vector<1024x1024xi32>
      %eq3A_166 = arith.cmpi eq, %or3A_162, %eq3A_165 : vector<1024x1024xi32>
      %broadcast_in_dim3A_167 = vector.broadcast %while3A_85 : i32 to vector<1024x1024xi32>
      %select_n3A_168 = arith.select %eq3A_166, %broadcast_in_dim3A_167, %or3A_162 : vector<1024x1024xi1>, vector<1024x1024xi32>
      %reduce_min3A_169 = arith.constant dense<2147483647> : vector<1024xi32>
      %reduce_min3A_170 = vector.multi_reduction <minsi>, %select_n3A_168, %reduce_min3A_169 [1] : vector<1024x1024xi32> to vector<1024xi32>
      %broadcast_in_dim3A_171 = vector.shape_cast %reduce_min3A_170 : vector<1024xi32> to vector<1024x1xi32>
      %min3A_172 = arith.minsi %broadcast_in_dim3A_164, %while3A_136 : vector<1024x1xi32>
      %max3A_173 = arith.maxsi %broadcast_in_dim3A_164, %while3A_136 : vector<1024x1xi32>
      %min3A_174 = arith.minsi %broadcast_in_dim3A_171, %while3A_137 : vector<1024x1xi32>
      %min3A_175 = arith.minsi %max3A_173, %min3A_174 : vector<1024x1xi32>
      scf.yield %min3A_172, %min3A_175 : vector<1024x1xi32>, vector<1024x1xi32>
    }
    %and3A_96 = arith.constant 4095 : i32
    %and3A_97 = vector.broadcast %and3A_96 : i32 to vector<1024x1xi32>
    %and3A_98 = arith.andi %while3A_95#0, %and3A_97 : vector<1024x1xi32>
    %min3A = arith.constant 4095 : i32
    %min3A_99 = vector.broadcast %min3A : i32 to vector<1024x1xi32>
    %min3A_100 = arith.minsi %and3A_98, %min3A_99 : vector<1024x1xi32>
    %swap3A = arith.constant 0 : index
    %swap3A_101 = arith.constant 0 : index
    %swap3A_102 = vector.load %arg5[%swap3A, %swap3A_101] : memref<1024x1xi32, #tpu.memory_space<vmem>>, vector<1024x1xi32>
    tpu.vector_store %arg5[%swap3A, %swap3A_101], %min3A_100 {strides = array<i32>} : memref<1024x1xi32, #tpu.memory_space<vmem>>, vector<1024x1xi32>,
    %and3A_103 = arith.constant 4095 : i32
    %and3A_104 = vector.broadcast %and3A_103 : i32 to vector<1024x1xi32>
    %and3A_105 = arith.andi %while3A_95#1, %and3A_104 : vector<1024x1xi32>
    %min3A_106 = arith.constant 4095 : i32
    %min3A_107 = vector.broadcast %min3A_106 : i32 to vector<1024x1xi32>
    %min3A_108 = arith.minsi %and3A_105, %min3A_107 : vector<1024x1xi32>
    %swap3A_109 = arith.constant 0 : index
    %swap3A_110 = arith.constant 0 : index
    %swap3A_111 = vector.load %arg6[%swap3A_109, %swap3A_110] : memref<1024x1xi32, #tpu.memory_space<vmem>>, vector<1024x1xi32>
    tpu.vector_store %arg6[%swap3A_109, %swap3A_110], %min3A_108 {strides = array<i32>} : memref<1024x1xi32, #tpu.memory_space<vmem>>, vector<1024x1xi32>,
    %and3A_112 = arith.constant -4096 : i32
    %and3A_113 = vector.broadcast %and3A_112 : i32 to vector<1024x1xi32>
    %and3A_114 = arith.andi %while3A_95#0, %and3A_113 : vector<1024x1xi32>
    %bitcast_convert_type3A = tpu.bitcast %and3A_114 : vector<1024x1xi32> -> vector<1024x1xf32>
    %and3A_115 = arith.constant -4096 : i32
    %and3A_116 = vector.broadcast %and3A_115 : i32 to vector<1024x1xi32>
    %and3A_117 = arith.andi %while3A_95#1, %and3A_116 : vector<1024x1xi32>
    %bitcast_convert_type3A_118 = tpu.bitcast %and3A_117 : vector<1024x1xi32> -> vector<1024x1xf32>
    %max3A = arith.constant 1.000000e-16 : f32
    %max3A_119 = vector.broadcast %max3A : f32 to vector<1024x1xf32>
    %max3A_120 = arith.maximumf %bitcast_convert_type3A, %max3A_119 : vector<1024x1xf32>
    %div3A = arith.constant 1.000000e+00 : f32
    %div3A_121 = vector.broadcast %div3A : f32 to vector<1024x1xf32>
    %div3A_122 = arith.divf %div3A_121, %max3A_120 : vector<1024x1xf32>
    %swap3A_123 = arith.constant 0 : index
    %swap3A_124 = arith.constant 0 : index
    %swap3A_125 = vector.load %arg7[%swap3A_123, %swap3A_124] : memref<1024x1xf32, #tpu.memory_space<vmem>>, vector<1024x1xf32>
    tpu.vector_store %arg7[%swap3A_123, %swap3A_124], %div3A_122 {strides = array<i32>} : memref<1024x1xf32, #tpu.memory_space<vmem>>, vector<1024x1xf32>,
    %max3A_126 = arith.constant 1.000000e-16 : f32
    %max3A_127 = vector.broadcast %max3A_126 : f32 to vector<1024x1xf32>
    %max3A_128 = arith.maximumf %bitcast_convert_type3A_118, %max3A_127 : vector<1024x1xf32>
    %div3A_129 = arith.constant 1.000000e+00 : f32
    %div3A_130 = vector.broadcast %div3A_129 : f32 to vector<1024x1xf32>
    %div3A_131 = arith.divf %div3A_130, %max3A_128 : vector<1024x1xf32>
    %swap3A_132 = arith.constant 0 : index
    %swap3A_133 = arith.constant 0 : index
    %swap3A_134 = vector.load %arg8[%swap3A_132, %swap3A_133] : memref<1024x1xf32, #tpu.memory_space<vmem>>, vector<1024x1xf32>
    tpu.vector_store %arg8[%swap3A_132, %swap3A_133], %div3A_131 {strides = array<i32>} : memref<1024x1xf32, #tpu.memory_space<vmem>>, vector<1024x1xf32>,
    return
  }
  func.func @transform_0(%arg0: i32) -> (i32, i32) {
    %c0_i32 = arith.constant 0 : i32
    %c0_i32_0 = arith.constant 0 : i32
    return %arg0, %c0_i32 : i32, i32
  }
  func.func @transform_1(%arg0: i32) -> (i32, i32, i32) {
    %c0_i32 = arith.constant 0 : i32
    %c0_i32_0 = arith.constant 0 : i32
    %c0_i32_1 = arith.constant 0 : i32
    %c0_i32_2 = arith.constant 0 : i32
    return %c0_i32, %c0_i32_0, %c0_i32_1 : i32, i32, i32
  }
  func.func @transform_2(%arg0: i32) -> (i32, i32) {
    %c0_i32 = arith.constant 0 : i32
    %c0_i32_0 = arith.constant 0 : i32
    %c0_i32_1 = arith.constant 0 : i32
    return %c0_i32, %c0_i32_0 : i32, i32
  }
  func.func @transform_3(%arg0: i32) -> (i32, i32) {
    %c0_i32 = arith.constant 0 : i32
    %c0_i32_0 = arith.constant 0 : i32
    %c0_i32_1 = arith.constant 0 : i32
    return %c0_i32, %c0_i32_0 : i32, i32
  }
  func.func @transform_4(%arg0: i32) -> (i32, i32) {
    %c0_i32 = arith.constant 0 : i32
    %c0_i32_0 = arith.constant 0 : i32
    return %arg0, %c0_i32 : i32, i32
  }
  func.func @transform_5(%arg0: i32) -> (i32, i32) {
    %c0_i32 = arith.constant 0 : i32
    %c0_i32_0 = arith.constant 0 : i32
    return %arg0, %c0_i32 : i32, i32
  }
  func.func @transform_6(%arg0: i32) -> (i32, i32) {
    %c0_i32 = arith.constant 0 : i32
    %c0_i32_0 = arith.constant 0 : i32
    return %arg0, %c0_i32 : i32, i32
  }
  func.func @transform_7(%arg0: i32) -> (i32, i32) {
    %c0_i32 = arith.constant 0 : i32
    %c0_i32_0 = arith.constant 0 : i32
    return %arg0, %c0_i32 : i32, i32
  }
}

module attributes {stable_mosaic.version = 14 : i64} {
  func.func @_mlp_body(%arg0: i32, %arg1: memref<1024x128xf32, #tpu.memory_space<vmem>>, %arg2: memref<1024x256xf32, #tpu.memory_space<vmem>>, %arg3: memref<1024x256xf32, #tpu.memory_space<vmem>>, %arg4: memref<1024x1xf32, #tpu.memory_space<vmem>>, %arg5: memref<1024x1xf32, #tpu.memory_space<vmem>>, %arg6: memref<256x128xf32, #tpu.memory_space<vmem>>, %arg7: memref<256x256xf32, #tpu.memory_space<vmem>>, %arg8: memref<1x256xf32, #tpu.memory_space<vmem>>, %arg9: memref<1x256xf32, #tpu.memory_space<vmem>>, %arg10: memref<1x256xf32, #tpu.memory_space<vmem>>, %arg11: memref<256x256xf32, #tpu.memory_space<vmem>>, %arg12: memref<1x256xf32, #tpu.memory_space<vmem>>, %arg13: memref<1x256xf32, #tpu.memory_space<vmem>>, %arg14: memref<1x256xf32, #tpu.memory_space<vmem>>, %arg15: memref<1024x256xf32, #tpu.memory_space<vmem>>) attributes {dimension_semantics = [#tpu.dimension_semantics<arbitrary>], iteration_bounds = array<i64: 4>, scalar_prefetch = 0 : i64, scratch_operands = 0 : i64, tpu.core_type = #tpu.core_type<tc>, window_params = [{transform_indices = @transform_0, window_bounds = array<i64: 1024, 128>}, {transform_indices = @transform_1, window_bounds = array<i64: 1024, 256>}, {transform_indices = @transform_2, window_bounds = array<i64: 1024, 256>}, {transform_indices = @transform_3, window_bounds = array<i64: 1024, 1>}, {transform_indices = @transform_4, window_bounds = array<i64: 1024, 1>}, {pipeline_mode = #tpu.pipeline_mode<synchronous>, transform_indices = @transform_5, window_bounds = array<i64: 256, 128>}, {pipeline_mode = #tpu.pipeline_mode<synchronous>, transform_indices = @transform_6, window_bounds = array<i64: 256, 256>}, {pipeline_mode = #tpu.pipeline_mode<synchronous>, transform_indices = @transform_7, window_bounds = array<i64: 1, 256>}, {pipeline_mode = #tpu.pipeline_mode<synchronous>, transform_indices = @transform_8, window_bounds = array<i64: 1, 256>}, {pipeline_mode = #tpu.pipeline_mode<synchronous>, transform_indices = @transform_9, window_bounds = array<i64: 1, 256>}, {pipeline_mode = #tpu.pipeline_mode<synchronous>, transform_indices = @transform_10, window_bounds = array<i64: 256, 256>}, {pipeline_mode = #tpu.pipeline_mode<synchronous>, transform_indices = @transform_11, window_bounds = array<i64: 1, 256>}, {pipeline_mode = #tpu.pipeline_mode<synchronous>, transform_indices = @transform_12, window_bounds = array<i64: 1, 256>}, {pipeline_mode = #tpu.pipeline_mode<synchronous>, transform_indices = @transform_13, window_bounds = array<i64: 1, 256>}, {transform_indices = @transform_14, window_bounds = array<i64: 1024, 256>}]} {
    %get3A = arith.constant 0 : index
    %get3A_0 = arith.constant 0 : index
    %get3A_1 = vector.load %arg4[%get3A, %get3A_0] : memref<1024x1xf32, #tpu.memory_space<vmem>>, vector<1024x1xf32>
    %get3A_2 = arith.constant 0 : index
    %get3A_3 = arith.constant 0 : index
    %get3A_4 = vector.load %arg5[%get3A_2, %get3A_3] : memref<1024x1xf32, #tpu.memory_space<vmem>>, vector<1024x1xf32>
    %get3A_5 = arith.constant 0 : index
    %get3A_6 = arith.constant 0 : index
    %get3A_7 = vector.load %arg2[%get3A_5, %get3A_6] : memref<1024x256xf32, #tpu.memory_space<vmem>>, vector<1024x256xf32>
    %mul3A = vector.broadcast %get3A_1 : vector<1024x1xf32> to vector<1024x256xf32>
    %mul3A_8 = arith.mulf %get3A_7, %mul3A : vector<1024x256xf32>
    %get3A_9 = arith.constant 0 : index
    %get3A_10 = arith.constant 0 : index
    %get3A_11 = vector.load %arg3[%get3A_9, %get3A_10] : memref<1024x256xf32, #tpu.memory_space<vmem>>, vector<1024x256xf32>
    %mul3A_12 = vector.broadcast %get3A_4 : vector<1024x1xf32> to vector<1024x256xf32>
    %mul3A_13 = arith.mulf %get3A_11, %mul3A_12 : vector<1024x256xf32>
    %add3A = arith.addf %mul3A_8, %mul3A_13 : vector<1024x256xf32>
    %add3A_14 = arith.addf %get3A_1, %get3A_4 : vector<1024x1xf32>
    %div3A = arith.constant 1.000000e+00 : f32
    %div3A_15 = vector.broadcast %div3A : f32 to vector<1024x1xf32>
    %div3A_16 = arith.divf %div3A_15, %add3A_14 : vector<1024x1xf32>
    %mul3A_17 = vector.broadcast %div3A_16 : vector<1024x1xf32> to vector<1024x256xf32>
    %mul3A_18 = arith.mulf %add3A, %mul3A_17 : vector<1024x256xf32>
    %get3A_19 = arith.constant 0 : index
    %get3A_20 = arith.constant 0 : index
    %get3A_21 = vector.load %arg1[%get3A_19, %get3A_20] : memref<1024x128xf32, #tpu.memory_space<vmem>>, vector<1024x128xf32>
    %get3A_22 = arith.constant 0 : index
    %get3A_23 = arith.constant 0 : index
    %get3A_24 = vector.load %arg6[%get3A_22, %get3A_23] : memref<256x128xf32, #tpu.memory_space<vmem>>, vector<256x128xf32>
    %dot_general3A = arith.constant dense<0.000000e+00> : vector<1024x256xf32>
    %dot_general3A_25 = tpu.matmul %get3A_21, %get3A_24, %dot_general3A {dimension_numbers = #tpu.dot_dimension_numbers<[1], [1], [0], [0], [0, 0, 1, 0], [], []>, transpose_lhs_hint = false} : vector<1024x128xf32>, vector<256x128xf32>, vector<1024x256xf32> -> vector<1024x256xf32>
    %get3A_26 = arith.constant 0 : index
    %get3A_27 = arith.constant 0 : index
    %get3A_28 = vector.load %arg7[%get3A_26, %get3A_27] : memref<256x256xf32, #tpu.memory_space<vmem>>, vector<256x256xf32>
    %dot_general3A_29 = arith.constant dense<0.000000e+00> : vector<1024x256xf32>
    %dot_general3A_30 = tpu.matmul %mul3A_18, %get3A_28, %dot_general3A_29 {dimension_numbers = #tpu.dot_dimension_numbers<[1], [1], [0], [0], [0, 0, 1, 0], [], []>, transpose_lhs_hint = false} : vector<1024x256xf32>, vector<256x256xf32>, vector<1024x256xf32> -> vector<1024x256xf32>
    %get3A_31 = arith.constant 0 : index
    %get3A_32 = arith.constant 0 : index
    %get3A_33 = vector.load %arg9[%get3A_31, %get3A_32] : memref<1x256xf32, #tpu.memory_space<vmem>>, vector<1x256xf32>
    %mul3A_34 = arith.constant 0.999994993 : f32
    %mul3A_35 = vector.broadcast %mul3A_34 : f32 to vector<1x256xf32>
    %mul3A_36 = arith.mulf %get3A_33, %mul3A_35 : vector<1x256xf32>
    %get3A_37 = arith.constant 0 : index
    %get3A_38 = arith.constant 0 : index
    %get3A_39 = vector.load %arg8[%get3A_37, %get3A_38] : memref<1x256xf32, #tpu.memory_space<vmem>>, vector<1x256xf32>
    %mul3A_40 = arith.mulf %get3A_39, %mul3A_36 : vector<1x256xf32>
    %get3A_41 = arith.constant 0 : index
    %get3A_42 = arith.constant 0 : index
    %get3A_43 = vector.load %arg10[%get3A_41, %get3A_42] : memref<1x256xf32, #tpu.memory_space<vmem>>, vector<1x256xf32>
    %add3A_44 = arith.addf %mul3A_40, %get3A_43 : vector<1x256xf32>
    %add3A_45 = arith.addf %dot_general3A_25, %dot_general3A_30 : vector<1024x256xf32>
    %mul3A_46 = vector.broadcast %mul3A_36 : vector<1x256xf32> to vector<1024x256xf32>
    %mul3A_47 = arith.mulf %add3A_45, %mul3A_46 : vector<1024x256xf32>
    %add3A_48 = vector.broadcast %add3A_44 : vector<1x256xf32> to vector<1024x256xf32>
    %add3A_49 = arith.addf %mul3A_47, %add3A_48 : vector<1024x256xf32>
    %max3A = arith.constant 0.000000e+00 : f32
    %max3A_50 = vector.broadcast %max3A : f32 to vector<1024x256xf32>
    %max3A_51 = arith.maximumf %add3A_49, %max3A_50 : vector<1024x256xf32>
    %get3A_52 = arith.constant 0 : index
    %get3A_53 = arith.constant 0 : index
    %get3A_54 = vector.load %arg11[%get3A_52, %get3A_53] : memref<256x256xf32, #tpu.memory_space<vmem>>, vector<256x256xf32>
    %dot_general3A_55 = arith.constant dense<0.000000e+00> : vector<1024x256xf32>
    %dot_general3A_56 = tpu.matmul %max3A_51, %get3A_54, %dot_general3A_55 {dimension_numbers = #tpu.dot_dimension_numbers<[1], [1], [0], [0], [0, 0, 1, 0], [], []>, transpose_lhs_hint = false} : vector<1024x256xf32>, vector<256x256xf32>, vector<1024x256xf32> -> vector<1024x256xf32>
    %get3A_57 = arith.constant 0 : index
    %get3A_58 = arith.constant 0 : index
    %get3A_59 = vector.load %arg13[%get3A_57, %get3A_58] : memref<1x256xf32, #tpu.memory_space<vmem>>, vector<1x256xf32>
    %mul3A_60 = arith.constant 0.999994993 : f32
    %mul3A_61 = vector.broadcast %mul3A_60 : f32 to vector<1x256xf32>
    %mul3A_62 = arith.mulf %get3A_59, %mul3A_61 : vector<1x256xf32>
    %get3A_63 = arith.constant 0 : index
    %get3A_64 = arith.constant 0 : index
    %get3A_65 = vector.load %arg12[%get3A_63, %get3A_64] : memref<1x256xf32, #tpu.memory_space<vmem>>, vector<1x256xf32>
    %mul3A_66 = arith.mulf %get3A_65, %mul3A_62 : vector<1x256xf32>
    %get3A_67 = arith.constant 0 : index
    %get3A_68 = arith.constant 0 : index
    %get3A_69 = vector.load %arg14[%get3A_67, %get3A_68] : memref<1x256xf32, #tpu.memory_space<vmem>>, vector<1x256xf32>
    %add3A_70 = arith.addf %mul3A_66, %get3A_69 : vector<1x256xf32>
    %mul3A_71 = vector.broadcast %mul3A_62 : vector<1x256xf32> to vector<1024x256xf32>
    %mul3A_72 = arith.mulf %dot_general3A_56, %mul3A_71 : vector<1024x256xf32>
    %add3A_73 = vector.broadcast %add3A_70 : vector<1x256xf32> to vector<1024x256xf32>
    %add3A_74 = arith.addf %mul3A_72, %add3A_73 : vector<1024x256xf32>
    %max3A_75 = arith.constant 0.000000e+00 : f32
    %max3A_76 = vector.broadcast %max3A_75 : f32 to vector<1024x256xf32>
    %max3A_77 = arith.maximumf %add3A_74, %max3A_76 : vector<1024x256xf32>
    %swap3A = arith.constant 0 : index
    %swap3A_78 = arith.constant 0 : index
    %swap3A_79 = vector.load %arg15[%swap3A, %swap3A_78] : memref<1024x256xf32, #tpu.memory_space<vmem>>, vector<1024x256xf32>
    tpu.vector_store %arg15[%swap3A, %swap3A_78], %max3A_77 {strides = array<i32>} : memref<1024x256xf32, #tpu.memory_space<vmem>>, vector<1024x256xf32>,
    return
  }
  func.func @transform_0(%arg0: i32) -> (i32, i32) {
    %c0_i32 = arith.constant 0 : i32
    %c0_i32_0 = arith.constant 0 : i32
    return %arg0, %c0_i32 : i32, i32
  }
  func.func @transform_1(%arg0: i32) -> (i32, i32) {
    %c0_i32 = arith.constant 0 : i32
    %c0_i32_0 = arith.constant 0 : i32
    return %arg0, %c0_i32 : i32, i32
  }
  func.func @transform_2(%arg0: i32) -> (i32, i32) {
    %c0_i32 = arith.constant 0 : i32
    %c0_i32_0 = arith.constant 0 : i32
    return %arg0, %c0_i32 : i32, i32
  }
  func.func @transform_3(%arg0: i32) -> (i32, i32) {
    %c0_i32 = arith.constant 0 : i32
    %c0_i32_0 = arith.constant 0 : i32
    return %arg0, %c0_i32 : i32, i32
  }
  func.func @transform_4(%arg0: i32) -> (i32, i32) {
    %c0_i32 = arith.constant 0 : i32
    %c0_i32_0 = arith.constant 0 : i32
    return %arg0, %c0_i32 : i32, i32
  }
  func.func @transform_5(%arg0: i32) -> (i32, i32) {
    %c0_i32 = arith.constant 0 : i32
    %c0_i32_0 = arith.constant 0 : i32
    %c0_i32_1 = arith.constant 0 : i32
    return %c0_i32, %c0_i32_0 : i32, i32
  }
  func.func @transform_6(%arg0: i32) -> (i32, i32) {
    %c0_i32 = arith.constant 0 : i32
    %c0_i32_0 = arith.constant 0 : i32
    %c0_i32_1 = arith.constant 0 : i32
    return %c0_i32, %c0_i32_0 : i32, i32
  }
  func.func @transform_7(%arg0: i32) -> (i32, i32) {
    %c0_i32 = arith.constant 0 : i32
    %c0_i32_0 = arith.constant 0 : i32
    %c0_i32_1 = arith.constant 0 : i32
    return %c0_i32, %c0_i32_0 : i32, i32
  }
  func.func @transform_8(%arg0: i32) -> (i32, i32) {
    %c0_i32 = arith.constant 0 : i32
    %c0_i32_0 = arith.constant 0 : i32
    %c0_i32_1 = arith.constant 0 : i32
    return %c0_i32, %c0_i32_0 : i32, i32
  }
  func.func @transform_9(%arg0: i32) -> (i32, i32) {
    %c0_i32 = arith.constant 0 : i32
    %c0_i32_0 = arith.constant 0 : i32
    %c0_i32_1 = arith.constant 0 : i32
    return %c0_i32, %c0_i32_0 : i32, i32
  }
  func.func @transform_10(%arg0: i32) -> (i32, i32) {
    %c0_i32 = arith.constant 0 : i32
    %c0_i32_0 = arith.constant 0 : i32
    %c0_i32_1 = arith.constant 0 : i32
    return %c0_i32, %c0_i32_0 : i32, i32
  }
  func.func @transform_11(%arg0: i32) -> (i32, i32) {
    %c0_i32 = arith.constant 0 : i32
    %c0_i32_0 = arith.constant 0 : i32
    %c0_i32_1 = arith.constant 0 : i32
    return %c0_i32, %c0_i32_0 : i32, i32
  }
  func.func @transform_12(%arg0: i32) -> (i32, i32) {
    %c0_i32 = arith.constant 0 : i32
    %c0_i32_0 = arith.constant 0 : i32
    %c0_i32_1 = arith.constant 0 : i32
    return %c0_i32, %c0_i32_0 : i32, i32
  }
  func.func @transform_13(%arg0: i32) -> (i32, i32) {
    %c0_i32 = arith.constant 0 : i32
    %c0_i32_0 = arith.constant 0 : i32
    %c0_i32_1 = arith.constant 0 : i32
    return %c0_i32, %c0_i32_0 : i32, i32
  }
  func.func @transform_14(%arg0: i32) -> (i32, i32) {
    %c0_i32 = arith.constant 0 : i32
    %c0_i32_0 = arith.constant 0 : i32
    return %arg0, %c0_i32 : i32, i32
  }
}

module attributes {stable_mosaic.version = 14 : i64} {
  func.func @_mlp_body(%arg0: i32, %arg1: memref<1024x64xf32, #tpu.memory_space<vmem>>, %arg2: memref<1024x256xf32, #tpu.memory_space<vmem>>, %arg3: memref<1024x256xf32, #tpu.memory_space<vmem>>, %arg4: memref<1024x1xf32, #tpu.memory_space<vmem>>, %arg5: memref<1024x1xf32, #tpu.memory_space<vmem>>, %arg6: memref<128x64xf32, #tpu.memory_space<vmem>>, %arg7: memref<128x256xf32, #tpu.memory_space<vmem>>, %arg8: memref<1x128xf32, #tpu.memory_space<vmem>>, %arg9: memref<1x128xf32, #tpu.memory_space<vmem>>, %arg10: memref<1x128xf32, #tpu.memory_space<vmem>>, %arg11: memref<128x128xf32, #tpu.memory_space<vmem>>, %arg12: memref<1x128xf32, #tpu.memory_space<vmem>>, %arg13: memref<1x128xf32, #tpu.memory_space<vmem>>, %arg14: memref<1x128xf32, #tpu.memory_space<vmem>>, %arg15: memref<1024x128xf32, #tpu.memory_space<vmem>>) attributes {dimension_semantics = [#tpu.dimension_semantics<arbitrary>], iteration_bounds = array<i64: 16>, scalar_prefetch = 0 : i64, scratch_operands = 0 : i64, tpu.core_type = #tpu.core_type<tc>, window_params = [{transform_indices = @transform_0, window_bounds = array<i64: 1024, 64>}, {transform_indices = @transform_1, window_bounds = array<i64: 1024, 256>}, {transform_indices = @transform_2, window_bounds = array<i64: 1024, 256>}, {transform_indices = @transform_3, window_bounds = array<i64: 1024, 1>}, {transform_indices = @transform_4, window_bounds = array<i64: 1024, 1>}, {pipeline_mode = #tpu.pipeline_mode<synchronous>, transform_indices = @transform_5, window_bounds = array<i64: 128, 64>}, {pipeline_mode = #tpu.pipeline_mode<synchronous>, transform_indices = @transform_6, window_bounds = array<i64: 128, 256>}, {pipeline_mode = #tpu.pipeline_mode<synchronous>, transform_indices = @transform_7, window_bounds = array<i64: 1, 128>}, {pipeline_mode = #tpu.pipeline_mode<synchronous>, transform_indices = @transform_8, window_bounds = array<i64: 1, 128>}, {pipeline_mode = #tpu.pipeline_mode<synchronous>, transform_indices = @transform_9, window_bounds = array<i64: 1, 128>}, {pipeline_mode = #tpu.pipeline_mode<synchronous>, transform_indices = @transform_10, window_bounds = array<i64: 128, 128>}, {pipeline_mode = #tpu.pipeline_mode<synchronous>, transform_indices = @transform_11, window_bounds = array<i64: 1, 128>}, {pipeline_mode = #tpu.pipeline_mode<synchronous>, transform_indices = @transform_12, window_bounds = array<i64: 1, 128>}, {pipeline_mode = #tpu.pipeline_mode<synchronous>, transform_indices = @transform_13, window_bounds = array<i64: 1, 128>}, {transform_indices = @transform_14, window_bounds = array<i64: 1024, 128>}]} {
    %get3A = arith.constant 0 : index
    %get3A_0 = arith.constant 0 : index
    %get3A_1 = vector.load %arg4[%get3A, %get3A_0] : memref<1024x1xf32, #tpu.memory_space<vmem>>, vector<1024x1xf32>
    %get3A_2 = arith.constant 0 : index
    %get3A_3 = arith.constant 0 : index
    %get3A_4 = vector.load %arg5[%get3A_2, %get3A_3] : memref<1024x1xf32, #tpu.memory_space<vmem>>, vector<1024x1xf32>
    %get3A_5 = arith.constant 0 : index
    %get3A_6 = arith.constant 0 : index
    %get3A_7 = vector.load %arg2[%get3A_5, %get3A_6] : memref<1024x256xf32, #tpu.memory_space<vmem>>, vector<1024x256xf32>
    %mul3A = vector.broadcast %get3A_1 : vector<1024x1xf32> to vector<1024x256xf32>
    %mul3A_8 = arith.mulf %get3A_7, %mul3A : vector<1024x256xf32>
    %get3A_9 = arith.constant 0 : index
    %get3A_10 = arith.constant 0 : index
    %get3A_11 = vector.load %arg3[%get3A_9, %get3A_10] : memref<1024x256xf32, #tpu.memory_space<vmem>>, vector<1024x256xf32>
    %mul3A_12 = vector.broadcast %get3A_4 : vector<1024x1xf32> to vector<1024x256xf32>
    %mul3A_13 = arith.mulf %get3A_11, %mul3A_12 : vector<1024x256xf32>
    %add3A = arith.addf %mul3A_8, %mul3A_13 : vector<1024x256xf32>
    %add3A_14 = arith.addf %get3A_1, %get3A_4 : vector<1024x1xf32>
    %div3A = arith.constant 1.000000e+00 : f32
    %div3A_15 = vector.broadcast %div3A : f32 to vector<1024x1xf32>
    %div3A_16 = arith.divf %div3A_15, %add3A_14 : vector<1024x1xf32>
    %mul3A_17 = vector.broadcast %div3A_16 : vector<1024x1xf32> to vector<1024x256xf32>
    %mul3A_18 = arith.mulf %add3A, %mul3A_17 : vector<1024x256xf32>
    %get3A_19 = arith.constant 0 : index
    %get3A_20 = arith.constant 0 : index
    %get3A_21 = vector.load %arg1[%get3A_19, %get3A_20] : memref<1024x64xf32, #tpu.memory_space<vmem>>, vector<1024x64xf32>
    %get3A_22 = arith.constant 0 : index
    %get3A_23 = arith.constant 0 : index
    %get3A_24 = vector.load %arg6[%get3A_22, %get3A_23] : memref<128x64xf32, #tpu.memory_space<vmem>>, vector<128x64xf32>
    %dot_general3A = arith.constant dense<0.000000e+00> : vector<1024x128xf32>
    %dot_general3A_25 = tpu.matmul %get3A_21, %get3A_24, %dot_general3A {dimension_numbers = #tpu.dot_dimension_numbers<[1], [1], [0], [0], [0, 0, 1, 0], [], []>, transpose_lhs_hint = false} : vector<1024x64xf32>, vector<128x64xf32>, vector<1024x128xf32> -> vector<1024x128xf32>
    %get3A_26 = arith.constant 0 : index
    %get3A_27 = arith.constant 0 : index
    %get3A_28 = vector.load %arg7[%get3A_26, %get3A_27] : memref<128x256xf32, #tpu.memory_space<vmem>>, vector<128x256xf32>
    %dot_general3A_29 = arith.constant dense<0.000000e+00> : vector<1024x128xf32>
    %dot_general3A_30 = tpu.matmul %mul3A_18, %get3A_28, %dot_general3A_29 {dimension_numbers = #tpu.dot_dimension_numbers<[1], [1], [0], [0], [0, 0, 1, 0], [], []>, transpose_lhs_hint = false} : vector<1024x256xf32>, vector<128x256xf32>, vector<1024x128xf32> -> vector<1024x128xf32>
    %get3A_31 = arith.constant 0 : index
    %get3A_32 = arith.constant 0 : index
    %get3A_33 = vector.load %arg9[%get3A_31, %get3A_32] : memref<1x128xf32, #tpu.memory_space<vmem>>, vector<1x128xf32>
    %mul3A_34 = arith.constant 0.999994993 : f32
    %mul3A_35 = vector.broadcast %mul3A_34 : f32 to vector<1x128xf32>
    %mul3A_36 = arith.mulf %get3A_33, %mul3A_35 : vector<1x128xf32>
    %get3A_37 = arith.constant 0 : index
    %get3A_38 = arith.constant 0 : index
    %get3A_39 = vector.load %arg8[%get3A_37, %get3A_38] : memref<1x128xf32, #tpu.memory_space<vmem>>, vector<1x128xf32>
    %mul3A_40 = arith.mulf %get3A_39, %mul3A_36 : vector<1x128xf32>
    %get3A_41 = arith.constant 0 : index
    %get3A_42 = arith.constant 0 : index
    %get3A_43 = vector.load %arg10[%get3A_41, %get3A_42] : memref<1x128xf32, #tpu.memory_space<vmem>>, vector<1x128xf32>
    %add3A_44 = arith.addf %mul3A_40, %get3A_43 : vector<1x128xf32>
    %add3A_45 = arith.addf %dot_general3A_25, %dot_general3A_30 : vector<1024x128xf32>
    %mul3A_46 = vector.broadcast %mul3A_36 : vector<1x128xf32> to vector<1024x128xf32>
    %mul3A_47 = arith.mulf %add3A_45, %mul3A_46 : vector<1024x128xf32>
    %add3A_48 = vector.broadcast %add3A_44 : vector<1x128xf32> to vector<1024x128xf32>
    %add3A_49 = arith.addf %mul3A_47, %add3A_48 : vector<1024x128xf32>
    %max3A = arith.constant 0.000000e+00 : f32
    %max3A_50 = vector.broadcast %max3A : f32 to vector<1024x128xf32>
    %max3A_51 = arith.maximumf %add3A_49, %max3A_50 : vector<1024x128xf32>
    %get3A_52 = arith.constant 0 : index
    %get3A_53 = arith.constant 0 : index
    %get3A_54 = vector.load %arg11[%get3A_52, %get3A_53] : memref<128x128xf32, #tpu.memory_space<vmem>>, vector<128x128xf32>
    %dot_general3A_55 = arith.constant dense<0.000000e+00> : vector<1024x128xf32>
    %dot_general3A_56 = tpu.matmul %max3A_51, %get3A_54, %dot_general3A_55 {dimension_numbers = #tpu.dot_dimension_numbers<[1], [1], [0], [0], [0, 0, 1, 0], [], []>, transpose_lhs_hint = false} : vector<1024x128xf32>, vector<128x128xf32>, vector<1024x128xf32> -> vector<1024x128xf32>
    %get3A_57 = arith.constant 0 : index
    %get3A_58 = arith.constant 0 : index
    %get3A_59 = vector.load %arg13[%get3A_57, %get3A_58] : memref<1x128xf32, #tpu.memory_space<vmem>>, vector<1x128xf32>
    %mul3A_60 = arith.constant 0.999994993 : f32
    %mul3A_61 = vector.broadcast %mul3A_60 : f32 to vector<1x128xf32>
    %mul3A_62 = arith.mulf %get3A_59, %mul3A_61 : vector<1x128xf32>
    %get3A_63 = arith.constant 0 : index
    %get3A_64 = arith.constant 0 : index
    %get3A_65 = vector.load %arg12[%get3A_63, %get3A_64] : memref<1x128xf32, #tpu.memory_space<vmem>>, vector<1x128xf32>
    %mul3A_66 = arith.mulf %get3A_65, %mul3A_62 : vector<1x128xf32>
    %get3A_67 = arith.constant 0 : index
    %get3A_68 = arith.constant 0 : index
    %get3A_69 = vector.load %arg14[%get3A_67, %get3A_68] : memref<1x128xf32, #tpu.memory_space<vmem>>, vector<1x128xf32>
    %add3A_70 = arith.addf %mul3A_66, %get3A_69 : vector<1x128xf32>
    %mul3A_71 = vector.broadcast %mul3A_62 : vector<1x128xf32> to vector<1024x128xf32>
    %mul3A_72 = arith.mulf %dot_general3A_56, %mul3A_71 : vector<1024x128xf32>
    %add3A_73 = vector.broadcast %add3A_70 : vector<1x128xf32> to vector<1024x128xf32>
    %add3A_74 = arith.addf %mul3A_72, %add3A_73 : vector<1024x128xf32>
    %max3A_75 = arith.constant 0.000000e+00 : f32
    %max3A_76 = vector.broadcast %max3A_75 : f32 to vector<1024x128xf32>
    %max3A_77 = arith.maximumf %add3A_74, %max3A_76 : vector<1024x128xf32>
    %swap3A = arith.constant 0 : index
    %swap3A_78 = arith.constant 0 : index
    %swap3A_79 = vector.load %arg15[%swap3A, %swap3A_78] : memref<1024x128xf32, #tpu.memory_space<vmem>>, vector<1024x128xf32>
    tpu.vector_store %arg15[%swap3A, %swap3A_78], %max3A_77 {strides = array<i32>} : memref<1024x128xf32, #tpu.memory_space<vmem>>, vector<1024x128xf32>,
    return
  }
  func.func @transform_0(%arg0: i32) -> (i32, i32) {
    %c0_i32 = arith.constant 0 : i32
    %c0_i32_0 = arith.constant 0 : i32
    return %arg0, %c0_i32 : i32, i32
  }
  func.func @transform_1(%arg0: i32) -> (i32, i32) {
    %c0_i32 = arith.constant 0 : i32
    %c0_i32_0 = arith.constant 0 : i32
    return %arg0, %c0_i32 : i32, i32
  }
  func.func @transform_2(%arg0: i32) -> (i32, i32) {
    %c0_i32 = arith.constant 0 : i32
    %c0_i32_0 = arith.constant 0 : i32
    return %arg0, %c0_i32 : i32, i32
  }
  func.func @transform_3(%arg0: i32) -> (i32, i32) {
    %c0_i32 = arith.constant 0 : i32
    %c0_i32_0 = arith.constant 0 : i32
    return %arg0, %c0_i32 : i32, i32
  }
  func.func @transform_4(%arg0: i32) -> (i32, i32) {
    %c0_i32 = arith.constant 0 : i32
    %c0_i32_0 = arith.constant 0 : i32
    return %arg0, %c0_i32 : i32, i32
  }
  func.func @transform_5(%arg0: i32) -> (i32, i32) {
    %c0_i32 = arith.constant 0 : i32
    %c0_i32_0 = arith.constant 0 : i32
    %c0_i32_1 = arith.constant 0 : i32
    return %c0_i32, %c0_i32_0 : i32, i32
  }
  func.func @transform_6(%arg0: i32) -> (i32, i32) {
    %c0_i32 = arith.constant 0 : i32
    %c0_i32_0 = arith.constant 0 : i32
    %c0_i32_1 = arith.constant 0 : i32
    return %c0_i32, %c0_i32_0 : i32, i32
  }
  func.func @transform_7(%arg0: i32) -> (i32, i32) {
    %c0_i32 = arith.constant 0 : i32
    %c0_i32_0 = arith.constant 0 : i32
    %c0_i32_1 = arith.constant 0 : i32
    return %c0_i32, %c0_i32_0 : i32, i32
  }
  func.func @transform_8(%arg0: i32) -> (i32, i32) {
    %c0_i32 = arith.constant 0 : i32
    %c0_i32_0 = arith.constant 0 : i32
    %c0_i32_1 = arith.constant 0 : i32
    return %c0_i32, %c0_i32_0 : i32, i32
  }
  func.func @transform_9(%arg0: i32) -> (i32, i32) {
    %c0_i32 = arith.constant 0 : i32
    %c0_i32_0 = arith.constant 0 : i32
    %c0_i32_1 = arith.constant 0 : i32
    return %c0_i32, %c0_i32_0 : i32, i32
  }
  func.func @transform_10(%arg0: i32) -> (i32, i32) {
    %c0_i32 = arith.constant 0 : i32
    %c0_i32_0 = arith.constant 0 : i32
    %c0_i32_1 = arith.constant 0 : i32
    return %c0_i32, %c0_i32_0 : i32, i32
  }
  func.func @transform_11(%arg0: i32) -> (i32, i32) {
    %c0_i32 = arith.constant 0 : i32
    %c0_i32_0 = arith.constant 0 : i32
    %c0_i32_1 = arith.constant 0 : i32
    return %c0_i32, %c0_i32_0 : i32, i32
  }
  func.func @transform_12(%arg0: i32) -> (i32, i32) {
    %c0_i32 = arith.constant 0 : i32
    %c0_i32_0 = arith.constant 0 : i32
    %c0_i32_1 = arith.constant 0 : i32
    return %c0_i32, %c0_i32_0 : i32, i32
  }
  func.func @transform_13(%arg0: i32) -> (i32, i32) {
    %c0_i32 = arith.constant 0 : i32
    %c0_i32_0 = arith.constant 0 : i32
    %c0_i32_1 = arith.constant 0 : i32
    return %c0_i32, %c0_i32_0 : i32, i32
  }
  func.func @transform_14(%arg0: i32) -> (i32, i32) {
    %c0_i32 = arith.constant 0 : i32
    %c0_i32_0 = arith.constant 0 : i32
    return %arg0, %c0_i32 : i32, i32
  }
}

</mosaic_0001>

<sc_bundles>
// kernel: kernel.11.cloned.1.call-start
scs
__scs_entry_jumppad:
0x0: {  	(pc) =	sbr.rel $0x88, $3  }
0x1: {  	(tag) =	ssettag $0x0;
	lr =	simm.s32 $0x1  }
0x2: {  	[smem:$0x3F7D] =	sst lr;
	_ =	strace $0xD0000000  }
0x3: {  	_ = 	snop  }
0x4: {  	_ = 	snop  }
0x5: {  	_ = 	snop  }
0x6: {  	_ = 	snop  }
0x7: {  	_ = 	snop  }
__scs_overlays_trampoline_lowered:
0x8: {  	[smem:$0x3F8C] =	sst s0  }
0x9: {  	[smem:$0x3F8D] =	sst s1  }
0xa: {  	[smem:$0x3F8E] =	sst s2  }
0xb: {  	[smem:$0x3F8F] =	sst s3  }
0xc: {  	[smem:$0x3F90] =	sst s4  }
0xd: {  	[smem:$0x3F91] =	sst s5  }
0xe: {  	[smem:$0x3F92] =	sst s6  }
0xf: {  	[smem:$0x3F93] =	sst s7  }
0x10: {  	[smem:$0x3F94] =	sst s8  }
0x11: {  	[smem:$0x3F95] =	sst s9;
	s0 =	simm.s32 @!p0 $0x0  }
0x12: {  	s1 =	sld [smem:$0x3F7B];
	s0 =	simm.s32 @p0 $0x1  }
0x13: {  	[smem:$0x3F96] =	sst s0;
	s0 =	simm.s32 @!p1 $0x0  }
0x14: {  	s2 =	sld [smem:$0x3F7A];
	s0 =	simm.s32 @p1 $0x1  }
0x15: {  	[smem:$0x3F97] =	sst s0;
	s0 =	simm.s32 @!p2 $0x0  }
0x16: {  	s3 =	sld [smem:$0x3FDB];
	s0 =	simm.s32 @p2 $0x1  }
0x17: {  	s4 =	simm.s32 $0x1BF5;
	[smem:$0x3F99] =	sst s0  }
0x18: {  	s0 =	sld [smem:$0x3F7C];
	_ =	swait.ge [sflag:s4], $0x0  }
0x19: {  	s7 =	sld [smem:$0x3F7D]  }
0x1a: {  	s8 =	sadd.s32 $0xFFFFE003, lr  }
0x1b: {  	s9 =	sadd.s32 $0xFFFFFEF7, lr;
	s5 =	simm.s32 $0xFFFFFFFF;
	p2 =	slt.u32 s8, $0xFFFFF086  }
0x1c: {  	p1 =	slt.u32 s9, $0xF7A;
	s5 =	simm.s32 @!p2 $0x0  }
0x1d: {  	s5 =	simm.s32 @p1 $0x1;
	p0 =	seq.s32 s7, s2  }
0x1e: {  	s7 =	smul.u32 @!p0 $0xF7A, s2;
	p2 =	seq.s32 @!p0 s5, $0x0  }
0x1f: {  	s9 =	smul.u32 $0xF7A, s1;
	s8 =	simm.s32 @!p0 $0x1BF5;
	p2 =	por !p2, p0  }
0x20: {  	[sflag:s8] =	ssyncset.s32 @!p0 $0xFFFFF086;
	s6 =	sadd.s32 @!p0 s3, s7;
	s7 =	simm.s32 @!p0 $0x108  }
0x21: {  	s3 =	sadd.s32 s3, s9;
	s6 =	sadd.s32 @!p0 $0x88, s6;
	s7 =	simm.s32 @p2 $0x1082  }
0x22: {  	[simem:s7], [sflag:s8] =	dma.local @!p0 [hbm:s6], $0xF7A  }
0x23: {  	s9 =	sor.u32 $0xD0000000, s2;
	s6 =	simm.s32 $0x108;
	_ =	swait.ge @!p0 [sflag:s8], $0x0  }
0x24: {  	s3 =	sadd.s32 $0x88, s3;
	s6 =	simm.s32 @!p1 $0x1082;
	[sflag:s4] =	ssyncset.s32 $0xFFFFF086  }
0x25: {  	[simem:s6], [sflag:s4] =	dma.local [hbm:s3], $0xF7A  }
0x26: {  	[smem:$0x3F7D] =	sst s1;
	(tag) =	ssettag s2;
	_ =	strace s9  }
0x27: {  	s1 =	sld [smem:$0x3F8D]  }
0x28: {  	s2 =	sld [smem:$0x3F8E]  }
0x29: {  	s4 =	sld [smem:$0x3F90]  }
0x2a: {  	p0 =	seq.s32 s5, $0x0;
	s5 =	sld [smem:$0x3F91]  }
0x2b: {  	s6 =	sld [smem:$0x3F92]  }
0x2c: {  	s7 =	sld [smem:$0x3F93]  }
0x2d: {  	s3 =	simm.s32 $0x108;
	s8 =	sld [smem:$0x3F94]  }
0x2e: {  	s3 =	simm.s32 @!p0 $0x1082;
	s9 =	sld [smem:$0x3F95]  }
0x2f: {  	lr =	sadd.s32 s0, s3;
	s0 =	sld [smem:$0x3F8C]  }
0x30: {  	s3 =	sld [smem:$0x3F8F]  }
0x31: {  	[smem:$0x3F98] =	sst s10  }
0x32: {  	s10 =	sld [smem:$0x3F96];
	_ =	sdelay $0x3  }
0x33: {  	p0 =	seq.s32 s10, $0x1;
	s10 =	sld [smem:$0x3F98];
	_ =	sdelay $0x3  }
0x34: {  	[smem:$0x3F98] =	sst s10  }
0x35: {  	s10 =	sld [smem:$0x3F97];
	_ =	sdelay $0x3  }
0x36: {  	p1 =	seq.s32 s10, $0x1;
	s10 =	sld [smem:$0x3F98];
	_ =	sdelay $0x3  }
0x37: {  	[smem:$0x3F98] =	sst s10  }
0x38: {  	s10 =	sld [smem:$0x3F99]  }
0x39: {  	_ = 	snop;
	(pc) =	sbr.ind lr, $3  }
0x3a: {  	_ = 	snop  }
0x3b: {  	_ = 	snop  }
0x3c: {  	p2 =	seq.s32 s10, $0x1;
	s10 =	sld [smem:$0x3F98]  }
0x3d: {  	_ =	shalt  }
0x3e: {  	_ =	shalt  }
0x3f: {  	_ =	shalt  }
0x40: {  	_ =	shalt  }
0x41: {  	_ =	shalt  }
0x42: {  	_ =	shalt  }
0x43: {  	_ =	shalt  }
0x44: {  	_ =	shalt  }
0x45: {  	_ =	shalt  }
0x46: {  	_ =	shalt  }
0x47: {  	_ =	shalt  }
0x48: {  	_ =	shalt  }
0x49: {  	_ =	shalt  }
0x4a: {  	_ =	shalt  }
0x4b: {  	_ =	shalt  }
0x4c: {  	_ =	shalt  }
0x4d: {  	_ =	shalt  }
0x4e: {  	_ =	shalt  }
0x4f: {  	_ =	shalt  }
0x50: {  	_ =	shalt  }
0x51: {  	_ =	shalt  }
0x52: {  	_ =	shalt  }
0x53: {  	_ =	shalt  }
0x54: {  	_ =	shalt  }
0x55: {  	_ =	shalt  }
0x56: {  	_ =	shalt  }
0x57: {  	_ =	shalt  }
0x58: {  	_ =	shalt  }
0x59: {  	_ =	shalt  }
0x5a: {  	_ =	shalt  }
0x5b: {  	_ =	shalt  }
0x5c: {  	_ =	shalt  }
0x5d: {  	_ =	shalt  }
0x5e: {  	_ =	shalt  }
0x5f: {  	_ =	shalt  }
0x60: {  	_ =	shalt  }
0x61: {  	_ =	shalt  }
0x62: {  	_ =	shalt  }
0x63: {  	_ =	shalt  }
0x64: {  	_ =	shalt  }
0x65: {  	_ =	shalt  }
0x66: {  	_ =	shalt  }
0x67: {  	_ =	shalt  }
0x68: {  	_ =	shalt  }
0x69: {  	_ =	shalt  }
0x6a: {  	_ =	shalt  }
0x6b: {  	_ =	shalt  }
0x6c: {  	_ =	shalt  }
0x6d: {  	_ =	shalt  }
0x6e: {  	_ =	shalt  }
0x6f: {  	_ =	shalt  }
0x70: {  	_ =	shalt  }
0x71: {  	_ =	shalt  }
0x72: {  	_ =	shalt  }
0x73: {  	_ =	shalt  }
0x74: {  	_ =	shalt  }
0x75: {  	_ =	shalt  }
0x76: {  	_ =	shalt  }
0x77: {  	_ =	shalt  }
0x78: {  	_ =	shalt  }
0x79: {  	_ =	shalt  }
0x7a: {  	_ =	shalt  }
0x7b: {  	_ =	shalt  }
0x7c: {  	_ =	shalt  }
0x7d: {  	_ =	shalt  }
0x7e: {  	_ =	shalt  }
0x7f: {  	_ =	shalt  }
0x80: {  	_ =	shalt  }
0x81: {  	_ =	shalt  }
0x82: {  	_ =	shalt  }
0x83: {  	_ =	shalt  }
0x84: {  	_ =	shalt  }
0x85: {  	_ =	shalt  }
0x86: {  	_ =	shalt  }
0x87: {  	_ =	shalt  }
.Lfunc_end0:
.L_simem_size_0:
called_computation_lowered:
.L_overlay_start_0:
0x88: {  	s2 =	sld [smem:$0x3FD9]  }
0x89: {  	s3 =	sld [smem:$0x3FFE];
	_ =	sdelay $0x1  }
0x8a: {  	s1 =	srdreg.scid  }
0x8b: {  	s0 =	sand.u32 $0x1, s1  }
0x8c: {  	s17 =	sshll.u32 s0, $0xA;
	s2 =	sadd.s32 s3, s2  }
0x8d: {  	s2 =	sadd.s32 s2, s17  }
0x8e: {  	[smem:$0x3FA4] =	sst s2  }
0x8f: {  	_ = 	snop  }
0x90: {  	s2 =	sld [smem:$0x3FBF]  }
0x91: {  	s18 =	sld [smem:$0x3FD0];
	(tm) =	ssettm $0x1  }
0x92: {  	s4 =	sld [smem:$0x3FFB];
	_ =	sdelay $0x3  }
0x93: {  	_ =	strace s4  }
0x94: {  	s4 =	sld [smem:$0x3FFC];
	_ =	sdelay $0x3  }
0x95: {  	_ =	strace s4  }
0x96: {  	s4 =	sld [smem:$0x3FFD];
	_ =	sdelay $0x3  }
0x97: {  	_ =	strace s4  }
0x98: {  	_ =	strace $0x8FFFFFFF  }
0x99: {  	s19 =	sld [smem:$0x3FDB];
	_ =	sdelay $0x1  }
0x9a: {  	s5 =	simm.s32 $_scs_section_size  }
0x9b: {  	s6 =	simm.s32 $_size__tile_overlayer_lowered;
	s7 =	simm.s32 $_tile_overlayer_lowered  }
0x9c: {  	s22 =	simm.s32 $0x1BFF;
	s21 =	sshll.u32 s7, $0x1;
	s4 =	sadd.s32 s5, s19  }
0x9d: {  	s8 =	simm.s32 $0x0;
	s20 =	sshll.u32 s6, $0x1;
	s6 =	sadd.s32 s21, s4  }
0x9e: {  	[timem:s8], [sflag:s22] =	dma.local [hbm:s6], s20  }
0x9f: {  	_ =	swait.ge [sflag:s22], s20  }
0xa0: {  	s5 =	ssub.s32 $0x0, s20;
	[sflag:s22] =	ssyncset.done $0x0  }
0xa1: {  	[sflag:s22] =	ssyncadd.s32 s5;
	_ =	sdelay $0x1  }
0xa2: {  	s23 =	simm.s32 $0x1B8B  }
0xa3: {  	_ =	swait.ge [sflag:s23], $0x1  }
0xa4: {  	[sflag:s23] =	ssyncset.done $0x0  }
0xa5: {  	s25 =	simm.s32 $0x1B8E;
	s24 =	sld [smem:$0x3FFE];
	[sflag:s23] =	ssyncadd.s32 $0xFFFFFFFF  }
0xa6: {  	s26 =	simm.s32 $execute0_lowered;
	[smem:$0x3FD2] =	sst s25  }
0xa7: {  	s6 =	sshll.u32 s26, $0x1;
	_ =	strace $0x80000046;
	[dreg:$0x1] =	wrdreg $0xFFFFFFFF  }
0xa8: {  	s28 =	simm.s32 $_size_execute0_lowered;
	s4 =	sadd.s32 s4, s6;
	[dreg:$0x0] =	wrdreg $0x0  }
0xa9: {  	s6 =	sshll.u32 s28, $0x1;
	[dreg:$0x2] =	wrdreg s4  }
0xaa: {  	[dreg:$0x3] =	wrdreg s6  }
0xab: {  	[dreg:$0x4] =	wrdreg $0xC0  }
0xac: {  	_ =	task [dreg:s8], $0x5FFFF  }
0xad: {  	[dreg:$0x1] =	wrdreg $0xFFFFFFFF  }
0xae: {  	[dreg:$0x0] =	wrdreg $0x60  }
0xaf: {  	[dreg:$0x2] =	wrdreg s2  }
0xb0: {  	[dreg:$0x3] =	wrdreg s24  }
0xb1: {  	[dreg:$0x4] =	wrdreg s18  }
0xb2: {  	[dreg:$0x5] =	wrdreg $0x9  }
0xb3: {  	_ =	task.clear_ibuf [dreg:s8], $0x6FFFF;
	_ =	strace $0x90000046  }
0xb4: {  	s29 =	simm.s32 $0x9;
	_ =	strace $0x80000048  }
0xb5: {  	_ =	swait.ge [sflag:s29], $0x1  }
0xb6: {  	[sflag:s29] =	ssyncadd.s32 $0xFFFFFFFF  }
0xb7: {  	_ =	strace $0x90000048  }
0xb8: {  	_ =	sfence  }
0xb9: {  	s30 =	sld [smem:$0x0];
	_ =	sdelay $0x2  }
0xba: {  	s31 =	sshll.u32 s1, $0xD;
	s1 =	sshrl.u32 s1, $0x2  }
0xbb: {  	s3 =	sand.u32 $0x4000, s31;
	s1 =	sadd.s32 s1, s30  }
0xbc: {  	s0 =	sor.u32 s3, s0;
	s1 =	sshll.u32 s1, $0x11  }
0xbd: {  	s0 =	sor.u32 s1, s0  }
0xbe: {  	s0 =	sadd.s32 $0x8F2B, s0  }
0xbf: {  	[sflag:s0] =	ssyncadd.remote.s32 $0x1  }
0xc0: {  	_ =	sfence.sel $0xFFFF  }
0xc1: {  	[dreg:$0x0] =	wrdreg $0xFFFFFFFF;
	(pc) =	sbr.abs _section_cstart, $3  }
0xc2: {  	[dreg:$0x1] =	wrdreg $0xFFFFFFFF  }
0xc3: {  	_ =	task.clear_ibuf [dreg:s8], $0x2FFFF;
	_ =	strace $0x9FFFFFFF  }
0xc4: {  	(tm) =	ssettm $0x7FFFFFFF  }
0xc5: {  	_ =	shalt  }
tec
execute0_lowered:
.L_overlay_start_1:
0x0: {  	(tag) =	ssettag $0x1  }
0x1: {  	s1 =	rddreg [dreg:$0x0]  }
0x2: {  	s2 =	srdreg.scid;
	s4 =	rddreg [dreg:$0x1]  }
0x3: {  	s0 =	stileid.u32;
	s6 =	rddreg [dreg:$0x2];
	s3 =	simm.s32 $0x0  }
0x4: {  	s12 =	simm.s32 $0x900;
	s13 =	simm.s32 $0x1100;
	s14 =	simm.s32 $0x1900  }
0x5: {  	s15 =	simm.s32 $0x2100;
	s16 =	simm.s32 $0x2900;
	s17 =	simm.s32 $0x3100  }
0x6: {  	s18 =	simm.s32 $0x3900;
	s19 =	simm.s32 $0x4100;
	s20 =	simm.s32 $0x4900  }
0x7: {  	s21 =	simm.s32 $0x5100;
	s22 =	simm.s32 $0x5900;
	s23 =	simm.s32 $0x6100  }
0x8: {  	s24 =	simm.s32 $0x6900;
	s25 =	simm.s32 $0x7100;
	s26 =	simm.s32 $0x7900  }
0x9: {  	s28 =	simm.s32 $0x1;
	s29 =	simm.s32 $0x2;
	s30 =	simm.s32 $0x3  }
0xa: {  	s31 =	simm.s32 $0x4;
	s5 =	sand.u32 $0x1, s2;
	s7 =	sshll.u32 s0, $0x6  }
0xb: {  	[smem:$0x7FF] =	sst s3;
	s8 =	sshll.u32 s5, $0x5;
	s5 =	ssub.s32 $0x2, s5  }
0xc: {  	_ =	strace $0x80000047;
	s7 =	sor.u32 s8, s7;
	s9 =	sshrl.u32 s5, $0x1  }
0xd: {  	s8 =	sshrl.u32 s7, $0x3;
	s7 =	sshll.u32 s7, $0x6;
	s9 =	ssub.s32 s5, s9  }
0xe: {  	s5 =	sadd.s32 $0x100, s1;
	s8 =	sadd.s32 s8, s4;
	s11 =	sadd.s32 s7, s4  }
0xf: {  	v2 =	vlaneseq.u32;
	s6 =	sadd.s32 s6, s7;
	s10 =	sadd.s32 $0x4400, s8;
	s4 =	sadd.s32 $0x4600, s8  }
0x10: {  	vm0 =	vmmov $0xffff;
	v1 =	vshrl.u32 v2, $0x3;
	s7 =	sadd.s32 $0x4800, s11;
	s8 =	smax.u32 s9, $0x1;
	s9 =	simm.s32 $0x5  }
0x11: {  	v0 =	vand.u32 $0x7, v2;
	v2 =	vor.u32 $0x8, v2;
	v1 =	vmul.u32 $0x8, v1;
	s11 =	simm.s32 $0x100;
	[dreg:$0x4] =	wrdreg s10;
	s10 =	simm.s32 $0x80  }
.LBB2_1:
0x12: {  	s2 =	rddreg [dreg:$0x4]  }
0x13: {  	[tilespmem:s3], [sflag:$0x5] =	stream.linear.gather [hbm4b:s2+s3], $0x20, $0x38;
	[tilespmem:$0x8100] =	vst v63  }
0x14: {  	_ =	swait.ge [sflag:s9], $0x20  }
0x15: {  	[sflag:s9] =	ssyncset.done $0x0  }
0x16: {  	[sflag:s9] =	ssyncadd.s32 $0xFFFFFFE0  }
0x17: {  	[tilespmem:s10], [sflag:$0x5] =	stream.linear.gather [hbm4b:s4+s3], $0x20, $0x38;
	[tilespmem:$0x8100] =	vst v63  }
0x18: {  	_ =	swait.ge [sflag:s9], $0x20  }
0x19: {  	[sflag:s9] =	ssyncset.done $0x0  }
0x1a: {  	[sflag:s9] =	ssyncadd.s32 $0xFFFFFFE0  }
0x1b: {  	v3 =	vld [tilespmem:$0x0];
	_ =	sdelay $0x4  }
0x1c: {  	v4 =	vshll.u32 v3, $0x2  }
0x1d: {  	v3 =	vand.u32 $0x7, v3;
	v4 =	vand.u32 $0xFFFFFFE0, v4  }
0x1e: {  	v3 =	vor.u32 v3, v4  }
0x1f: {  	v4 =	vperm.xlane v3, v0;
	_ =	sdelay $0x1  }
0x20: {  	v4 =	vadd.s32 v1, v4;
	_ =	sdelay $0x1  }
0x21: {  	v3 =	vperm.xlane v3, v2;
	_ =	sdelay $0x1  }
0x22: {  	v3 =	vadd.s32 v1, v3  }
0x23: {  	[tilespmem:s11], [sflag:$0x1] =	stream.indirect_vreg.gather [hbm4b:s1+s3], $0x80, v4, vm0, $0xb8;
	[tilespmem:$0x8100] =	vst v63  }
0x24: {  	_ = 	snop  }
0x25: {  	[tilespmem:s12], [sflag:$0x1] =	stream.indirect_vreg.gather [hbm4b:s5+s3], $0x80, v4, vm0, $0xb8;
	[tilespmem:$0x8100] =	vst v63  }
0x26: {  	_ = 	snop  }
0x27: {  	[tilespmem:s13], [sflag:$0x1] =	stream.indirect_vreg.gather [hbm4b:s1+s3], $0x80, v3, vm0, $0xb8;
	[tilespmem:$0x8100] =	vst v63  }
0x28: {  	_ = 	snop  }
0x29: {  	[tilespmem:s14], [sflag:$0x1] =	stream.indirect_vreg.gather [hbm4b:s5+s3], $0x80, v3, vm0, $0xb8;
	[tilespmem:$0x8100] =	vst v63  }
0x2a: {  	v3 =	vld [tilespmem:$0x10];
	_ =	sdelay $0x4  }
0x2b: {  	v61 =	vshll.u32 v3, $0x2  }
0x2c: {  	v3 =	vand.u32 $0x7, v3;
	v4 =	vand.u32 $0xFFFFFFE0, v61  }
0x2d: {  	v3 =	vor.u32 v3, v4  }
0x2e: {  	v4 =	vperm.xlane v3, v0;
	_ =	sdelay $0x1  }
0x2f: {  	v4 =	vadd.s32 v1, v4;
	_ =	sdelay $0x1  }
0x30: {  	v3 =	vperm.xlane v3, v2;
	_ =	sdelay $0x1  }
0x31: {  	v3 =	vadd.s32 v1, v3  }
0x32: {  	[tilespmem:s15], [sflag:$0x1] =	stream.indirect_vreg.gather [hbm4b:s1+s3], $0x80, v4, vm0, $0xb8;
	[tilespmem:$0x8100] =	vst v63  }
0x33: {  	_ = 	snop  }
0x34: {  	[tilespmem:s16], [sflag:$0x1] =	stream.indirect_vreg.gather [hbm4b:s5+s3], $0x80, v4, vm0, $0xb8;
	[tilespmem:$0x8100] =	vst v63  }
0x35: {  	_ = 	snop  }
0x36: {  	[tilespmem:s17], [sflag:$0x1] =	stream.indirect_vreg.gather [hbm4b:s1+s3], $0x80, v3, vm0, $0xb8;
	[tilespmem:$0x8100] =	vst v63  }
0x37: {  	_ = 	snop  }
0x38: {  	[tilespmem:s18], [sflag:$0x1] =	stream.indirect_vreg.gather [hbm4b:s5+s3], $0x80, v3, vm0, $0xb8;
	[tilespmem:$0x8100] =	vst v63  }
0x39: {  	v3 =	vld [tilespmem:$0x80];
	_ =	sdelay $0x4  }
0x3a: {  	v62 =	vshll.u32 v3, $0x2  }
0x3b: {  	v3 =	vand.u32 $0x7, v3;
	v4 =	vand.u32 $0xFFFFFFE0, v62  }
0x3c: {  	v3 =	vor.u32 v3, v4  }
0x3d: {  	v4 =	vperm.xlane v3, v0;
	_ =	sdelay $0x1  }
0x3e: {  	v4 =	vadd.s32 v1, v4;
	_ =	sdelay $0x1  }
0x3f: {  	v3 =	vperm.xlane v3, v2;
	_ =	sdelay $0x1  }
0x40: {  	v3 =	vadd.s32 v1, v3  }
0x41: {  	[tilespmem:s19], [sflag:$0x2] =	stream.indirect_vreg.gather [hbm4b:s1+s3], $0x80, v4, vm0, $0xb8;
	[tilespmem:$0x8100] =	vst v63  }
0x42: {  	_ = 	snop  }
0x43: {  	[tilespmem:s20], [sflag:$0x2] =	stream.indirect_vreg.gather [hbm4b:s5+s3], $0x80, v4, vm0, $0xb8;
	[tilespmem:$0x8100] =	vst v63  }
0x44: {  	_ = 	snop  }
0x45: {  	[tilespmem:s21], [sflag:$0x2] =	stream.indirect_vreg.gather [hbm4b:s1+s3], $0x80, v3, vm0, $0xb8;
	[tilespmem:$0x8100] =	vst v63  }
0x46: {  	_ = 	snop  }
0x47: {  	[tilespmem:s22], [sflag:$0x2] =	stream.indirect_vreg.gather [hbm4b:s5+s3], $0x80, v3, vm0, $0xb8;
	[tilespmem:$0x8100] =	vst v63  }
0x48: {  	v3 =	vld [tilespmem:$0x90];
	_ =	sdelay $0x4  }
0x49: {  	v63 =	vshll.u32 v3, $0x2  }
0x4a: {  	v3 =	vand.u32 $0x7, v3;
	v4 =	vand.u32 $0xFFFFFFE0, v63  }
0x4b: {  	v3 =	vor.u32 v3, v4  }
0x4c: {  	v4 =	vperm.xlane v3, v0;
	_ =	sdelay $0x1  }
0x4d: {  	v4 =	vadd.s32 v1, v4;
	_ =	sdelay $0x1  }
0x4e: {  	v3 =	vperm.xlane v3, v2;
	_ =	sdelay $0x1  }
0x4f: {  	v3 =	vadd.s32 v1, v3  }
0x50: {  	[tilespmem:s23], [sflag:$0x2] =	stream.indirect_vreg.gather [hbm4b:s1+s3], $0x80, v4, vm0, $0xb8;
	[tilespmem:$0x8100] =	vst v63  }
0x51: {  	_ = 	snop  }
0x52: {  	[tilespmem:s24], [sflag:$0x2] =	stream.indirect_vreg.gather [hbm4b:s5+s3], $0x80, v4, vm0, $0xb8;
	[tilespmem:$0x8100] =	vst v63  }
0x53: {  	_ = 	snop  }
0x54: {  	[tilespmem:s25], [sflag:$0x2] =	stream.indirect_vreg.gather [hbm4b:s1+s3], $0x80, v3, vm0, $0xb8;
	[tilespmem:$0x8100] =	vst v63  }
0x55: {  	_ = 	snop  }
0x56: {  	[tilespmem:s26], [sflag:$0x2] =	stream.indirect_vreg.gather [hbm4b:s5+s3], $0x80, v3, vm0, $0xb8;
	[tilespmem:$0x8100] =	vst v63  }
0x57: {  	_ =	swait.ge [sflag:s28], $0x4000  }
0x58: {  	[sflag:s28] =	ssyncset.done $0x0  }
0x59: {  	[sflag:s28] =	ssyncadd.s32 $0xFFFFC000  }
0x5a: {  	[hbm4b:s6+s3] =	stream.linear.scatter [tilespmem:s11], [sflag:$0x3], $0x4000, $0x38;
	[tilespmem:$0x8100] =	vst v63  }
0x5b: {  	_ =	swait.ge [sflag:s29], $0x4000  }
0x5c: {  	[sflag:s29] =	ssyncset.done $0x0  }
0x5d: {  	[sflag:s29] =	ssyncadd.s32 $0xFFFFC000  }
0x5e: {  	[hbm4b:s7+s3] =	stream.linear.scatter [tilespmem:s19], [sflag:$0x4], $0x4000, $0x38;
	[tilespmem:$0x8100] =	vst v63  }
0x5f: {  	p0 =	sne.s32 s8, $0x1;
	_ =	swait.ge [sflag:s30], $0x4000  }
.Ltmp0:
0x60: {  	[sflag:s30] =	ssyncset.done $0x0;
	(pc) =	sbr.rel @p0 .LBB2_1-.Ltmp0, $4  }
0x61: {  	[sflag:s30] =	ssyncadd.s32 $0xFFFFC000  }
0x62: {  	_ =	swait.ge [sflag:s31], $0x4000  }
0x63: {  	[sflag:s31] =	ssyncset.done $0x0  }
0x64: {  	s8 =	sadd.s32 $0xFFFFFFFF, s8;
	[sflag:s31] =	ssyncadd.s32 $0xFFFFC000  }
0x65: {  	_ =	sfence.sel $0x180000  }
0x66: {  	[bflag:$0x0] =	sbarrier.arrive $0xFFFF  }
0x67: {  	_ =	strace $0x90000047  }
0x68: {  	[bflag:$0x2] =	sbarrier.arrive $0xFFFF  }
0x69: {  	p0 =	sne.s32 s0, $0x0;
	s0 =	rddreg [dreg:$0x3]  }
0x6a: {  	s0 =	sadd.s32 @!p0 $0x100000, s0  }
0x6b: {  	[sflag:s0] =	ssyncadd.tile.s32 @!p0 $0x1;
	_ =	shalt  }
.Lfunc_end2:
_tile_overlayer_lowered:
.L_overlay_start_2:
0x6c: {  	(tag) =	ssettag $0x2  }
0x6d: {  	s0 =	rddreg [dreg:$0x0];
	s2 =	stileid.u32  }
0x6e: {  	s1 =	rddreg [dreg:$0x1];
	p0 =	sne.s32 s2, $0x0  }
0x6f: {  	s3 =	rddreg [dreg:$0x2];
	[bflag:$0x3] =	sbarrier.arrive $0xFFFF;
	s2 =	simm.s32 @!p0 $0x1C05  }
0x70: {  	[timem:s3], [sflag:s2] =	dma.local @!p0 [hbm:s0], s1  }
0x71: {  	s0 =	simm.s32 @!p0 $0x5  }
0x72: {  	_ =	swait.ge @!p0 [sflag:s0], s1  }
0x73: {  	s1 =	ssub.s32 @!p0 $0x0, s1;
	[sflag:s0] =	ssyncset.done @!p0 $0x0  }
0x74: {  	[sflag:s0] =	ssyncadd.s32 @!p0 s1  }
0x75: {  	[bflag:$0x3] =	sbarrier.arrive $0xFFFF  }
0x76: {  	_ =	shalt  }

// kernel: kernel.14.cloned.1.call-start
scs
__scs_entry_jumppad:
0x0: {  	(pc) =	sbr.rel $0x88, $3  }
0x1: {  	(tag) =	ssettag $0x0;
	lr =	simm.s32 $0x1  }
0x2: {  	[smem:$0x3F7D] =	sst lr;
	_ =	strace $0xD0000000  }
0x3: {  	_ = 	snop  }
0x4: {  	_ = 	snop  }
0x5: {  	_ = 	snop  }
0x6: {  	_ = 	snop  }
0x7: {  	_ = 	snop  }
__scs_overlays_trampoline_lowered:
0x8: {  	[smem:$0x3F8C] =	sst s0  }
0x9: {  	[smem:$0x3F8D] =	sst s1  }
0xa: {  	[smem:$0x3F8E] =	sst s2  }
0xb: {  	[smem:$0x3F8F] =	sst s3  }
0xc: {  	[smem:$0x3F90] =	sst s4  }
0xd: {  	[smem:$0x3F91] =	sst s5  }
0xe: {  	[smem:$0x3F92] =	sst s6  }
0xf: {  	[smem:$0x3F93] =	sst s7  }
0x10: {  	[smem:$0x3F94] =	sst s8  }
0x11: {  	[smem:$0x3F95] =	sst s9;
	s0 =	simm.s32 @!p0 $0x0  }
0x12: {  	s1 =	sld [smem:$0x3F7B];
	s0 =	simm.s32 @p0 $0x1  }
0x13: {  	[smem:$0x3F96] =	sst s0;
	s0 =	simm.s32 @!p1 $0x0  }
0x14: {  	s2 =	sld [smem:$0x3F7A];
	s0 =	simm.s32 @p1 $0x1  }
0x15: {  	[smem:$0x3F97] =	sst s0;
	s0 =	simm.s32 @!p2 $0x0  }
0x16: {  	s3 =	sld [smem:$0x3FDB];
	s0 =	simm.s32 @p2 $0x1  }
0x17: {  	s4 =	simm.s32 $0x1BF5;
	[smem:$0x3F99] =	sst s0  }
0x18: {  	s0 =	sld [smem:$0x3F7C];
	_ =	swait.ge [sflag:s4], $0x0  }
0x19: {  	s7 =	sld [smem:$0x3F7D]  }
0x1a: {  	s8 =	sadd.s32 $0xFFFFE003, lr  }
0x1b: {  	s9 =	sadd.s32 $0xFFFFFEF7, lr;
	s5 =	simm.s32 $0xFFFFFFFF;
	p2 =	slt.u32 s8, $0xFFFFF086  }
0x1c: {  	p1 =	slt.u32 s9, $0xF7A;
	s5 =	simm.s32 @!p2 $0x0  }
0x1d: {  	s5 =	simm.s32 @p1 $0x1;
	p0 =	seq.s32 s7, s2  }
0x1e: {  	s7 =	smul.u32 @!p0 $0xF7A, s2;
	p2 =	seq.s32 @!p0 s5, $0x0  }
0x1f: {  	s9 =	smul.u32 $0xF7A, s1;
	s8 =	simm.s32 @!p0 $0x1BF5;
	p2 =	por !p2, p0  }
0x20: {  	[sflag:s8] =	ssyncset.s32 @!p0 $0xFFFFF086;
	s6 =	sadd.s32 @!p0 s3, s7;
	s7 =	simm.s32 @!p0 $0x108  }
0x21: {  	s3 =	sadd.s32 s3, s9;
	s6 =	sadd.s32 @!p0 $0x88, s6;
	s7 =	simm.s32 @p2 $0x1082  }
0x22: {  	[simem:s7], [sflag:s8] =	dma.local @!p0 [hbm:s6], $0xF7A  }
0x23: {  	s9 =	sor.u32 $0xD0000000, s2;
	s6 =	simm.s32 $0x108;
	_ =	swait.ge @!p0 [sflag:s8], $0x0  }
0x24: {  	s3 =	sadd.s32 $0x88, s3;
	s6 =	simm.s32 @!p1 $0x1082;
	[sflag:s4] =	ssyncset.s32 $0xFFFFF086  }
0x25: {  	[simem:s6], [sflag:s4] =	dma.local [hbm:s3], $0xF7A  }
0x26: {  	[smem:$0x3F7D] =	sst s1;
	(tag) =	ssettag s2;
	_ =	strace s9  }
0x27: {  	s1 =	sld [smem:$0x3F8D]  }
0x28: {  	s2 =	sld [smem:$0x3F8E]  }
0x29: {  	s4 =	sld [smem:$0x3F90]  }
0x2a: {  	p0 =	seq.s32 s5, $0x0;
	s5 =	sld [smem:$0x3F91]  }
0x2b: {  	s6 =	sld [smem:$0x3F92]  }
0x2c: {  	s7 =	sld [smem:$0x3F93]  }
0x2d: {  	s3 =	simm.s32 $0x108;
	s8 =	sld [smem:$0x3F94]  }
0x2e: {  	s3 =	simm.s32 @!p0 $0x1082;
	s9 =	sld [smem:$0x3F95]  }
0x2f: {  	lr =	sadd.s32 s0, s3;
	s0 =	sld [smem:$0x3F8C]  }
0x30: {  	s3 =	sld [smem:$0x3F8F]  }
0x31: {  	[smem:$0x3F98] =	sst s10  }
0x32: {  	s10 =	sld [smem:$0x3F96];
	_ =	sdelay $0x3  }
0x33: {  	p0 =	seq.s32 s10, $0x1;
	s10 =	sld [smem:$0x3F98];
	_ =	sdelay $0x3  }
0x34: {  	[smem:$0x3F98] =	sst s10  }
0x35: {  	s10 =	sld [smem:$0x3F97];
	_ =	sdelay $0x3  }
0x36: {  	p1 =	seq.s32 s10, $0x1;
	s10 =	sld [smem:$0x3F98];
	_ =	sdelay $0x3  }
0x37: {  	[smem:$0x3F98] =	sst s10  }
0x38: {  	s10 =	sld [smem:$0x3F99]  }
0x39: {  	_ = 	snop;
	(pc) =	sbr.ind lr, $3  }
0x3a: {  	_ = 	snop  }
0x3b: {  	_ = 	snop  }
0x3c: {  	p2 =	seq.s32 s10, $0x1;
	s10 =	sld [smem:$0x3F98]  }
0x3d: {  	_ =	shalt  }
0x3e: {  	_ =	shalt  }
0x3f: {  	_ =	shalt  }
0x40: {  	_ =	shalt  }
0x41: {  	_ =	shalt  }
0x42: {  	_ =	shalt  }
0x43: {  	_ =	shalt  }
0x44: {  	_ =	shalt  }
0x45: {  	_ =	shalt  }
0x46: {  	_ =	shalt  }
0x47: {  	_ =	shalt  }
0x48: {  	_ =	shalt  }
0x49: {  	_ =	shalt  }
0x4a: {  	_ =	shalt  }
0x4b: {  	_ =	shalt  }
0x4c: {  	_ =	shalt  }
0x4d: {  	_ =	shalt  }
0x4e: {  	_ =	shalt  }
0x4f: {  	_ =	shalt  }
0x50: {  	_ =	shalt  }
0x51: {  	_ =	shalt  }
0x52: {  	_ =	shalt  }
0x53: {  	_ =	shalt  }
0x54: {  	_ =	shalt  }
0x55: {  	_ =	shalt  }
0x56: {  	_ =	shalt  }
0x57: {  	_ =	shalt  }
0x58: {  	_ =	shalt  }
0x59: {  	_ =	shalt  }
0x5a: {  	_ =	shalt  }
0x5b: {  	_ =	shalt  }
0x5c: {  	_ =	shalt  }
0x5d: {  	_ =	shalt  }
0x5e: {  	_ =	shalt  }
0x5f: {  	_ =	shalt  }
0x60: {  	_ =	shalt  }
0x61: {  	_ =	shalt  }
0x62: {  	_ =	shalt  }
0x63: {  	_ =	shalt  }
0x64: {  	_ =	shalt  }
0x65: {  	_ =	shalt  }
0x66: {  	_ =	shalt  }
0x67: {  	_ =	shalt  }
0x68: {  	_ =	shalt  }
0x69: {  	_ =	shalt  }
0x6a: {  	_ =	shalt  }
0x6b: {  	_ =	shalt  }
0x6c: {  	_ =	shalt  }
0x6d: {  	_ =	shalt  }
0x6e: {  	_ =	shalt  }
0x6f: {  	_ =	shalt  }
0x70: {  	_ =	shalt  }
0x71: {  	_ =	shalt  }
0x72: {  	_ =	shalt  }
0x73: {  	_ =	shalt  }
0x74: {  	_ =	shalt  }
0x75: {  	_ =	shalt  }
0x76: {  	_ =	shalt  }
0x77: {  	_ =	shalt  }
0x78: {  	_ =	shalt  }
0x79: {  	_ =	shalt  }
0x7a: {  	_ =	shalt  }
0x7b: {  	_ =	shalt  }
0x7c: {  	_ =	shalt  }
0x7d: {  	_ =	shalt  }
0x7e: {  	_ =	shalt  }
0x7f: {  	_ =	shalt  }
0x80: {  	_ =	shalt  }
0x81: {  	_ =	shalt  }
0x82: {  	_ =	shalt  }
0x83: {  	_ =	shalt  }
0x84: {  	_ =	shalt  }
0x85: {  	_ =	shalt  }
0x86: {  	_ =	shalt  }
0x87: {  	_ =	shalt  }
.Lfunc_end0:
.L_simem_size_0:
called_computation.1_lowered:
.L_overlay_start_0:
0x88: {  	s2 =	sld [smem:$0x3FD9]  }
0x89: {  	s3 =	sld [smem:$0x3FFE];
	_ =	sdelay $0x1  }
0x8a: {  	s1 =	srdreg.scid  }
0x8b: {  	s0 =	sand.u32 $0x1, s1  }
0x8c: {  	s16 =	sshll.u32 s0, $0xA;
	s2 =	sadd.s32 s3, s2  }
0x8d: {  	s2 =	sadd.s32 s2, s16  }
0x8e: {  	[smem:$0x3FA4] =	sst s2  }
0x8f: {  	_ = 	snop  }
0x90: {  	(tm) =	ssettm $0x1  }
0x91: {  	s17 =	sld [smem:$0x3FFB];
	_ =	sdelay $0x3  }
0x92: {  	_ =	strace s17  }
0x93: {  	s2 =	sld [smem:$0x3FFC];
	_ =	sdelay $0x3  }
0x94: {  	_ =	strace s2  }
0x95: {  	s2 =	sld [smem:$0x3FFD];
	_ =	sdelay $0x3  }
0x96: {  	_ =	strace s2  }
0x97: {  	_ =	strace $0x8FFFFFFF  }
0x98: {  	s18 =	sld [smem:$0x3FDB];
	_ =	sdelay $0x1  }
0x99: {  	s19 =	simm.s32 $_scs_section_size  }
0x9a: {  	s4 =	simm.s32 $_size__tile_overlayer_lowered;
	s5 =	simm.s32 $_tile_overlayer_lowered  }
0x9b: {  	s22 =	simm.s32 $0x1BFF;
	s21 =	sshll.u32 s5, $0x1;
	s2 =	sadd.s32 s19, s18  }
0x9c: {  	s6 =	simm.s32 $0x0;
	s20 =	sshll.u32 s4, $0x1;
	s4 =	sadd.s32 s21, s2  }
0x9d: {  	[timem:s6], [sflag:s22] =	dma.local [hbm:s4], s20  }
0x9e: {  	_ =	swait.ge [sflag:s22], s20  }
0x9f: {  	s3 =	ssub.s32 $0x0, s20;
	[sflag:s22] =	ssyncset.done $0x0  }
0xa0: {  	[sflag:s22] =	ssyncadd.s32 s3;
	_ =	sdelay $0x1  }
0xa1: {  	s23 =	simm.s32 $0x1B8B  }
0xa2: {  	_ =	swait.ge [sflag:s23], $0x1  }
0xa3: {  	[sflag:s23] =	ssyncset.done $0x0  }
0xa4: {  	s25 =	simm.s32 $0x1B8E;
	s24 =	sld [smem:$0x3FFE];
	[sflag:s23] =	ssyncadd.s32 $0xFFFFFFFF  }
0xa5: {  	s26 =	simm.s32 $execute0_lowered;
	[smem:$0x3FD2] =	sst s25  }
0xa6: {  	s4 =	sshll.u32 s26, $0x1;
	_ =	strace $0x80000049;
	[dreg:$0x1] =	wrdreg $0xFFFFFFFF  }
0xa7: {  	s28 =	simm.s32 $_size_execute0_lowered;
	s2 =	sadd.s32 s2, s4;
	[dreg:$0x0] =	wrdreg $0x0  }
0xa8: {  	s4 =	sshll.u32 s28, $0x1;
	[dreg:$0x2] =	wrdreg s2  }
0xa9: {  	[dreg:$0x3] =	wrdreg s4  }
0xaa: {  	[dreg:$0x4] =	wrdreg $0xC0  }
0xab: {  	_ =	task [dreg:s6], $0x5FFFF  }
0xac: {  	[dreg:$0x1] =	wrdreg $0xFFFFFFFF  }
0xad: {  	[dreg:$0x0] =	wrdreg $0x60  }
0xae: {  	[dreg:$0x2] =	wrdreg s24  }
0xaf: {  	[dreg:$0x3] =	wrdreg $0x9  }
0xb0: {  	_ =	task.clear_ibuf [dreg:s6], $0x4FFFF;
	_ =	strace $0x90000049  }
0xb1: {  	s29 =	simm.s32 $0x9;
	_ =	strace $0x8000004B  }
0xb2: {  	_ =	swait.ge [sflag:s29], $0x1  }
0xb3: {  	[sflag:s29] =	ssyncadd.s32 $0xFFFFFFFF  }
0xb4: {  	_ =	strace $0x9000004B  }
0xb5: {  	_ =	sfence  }
0xb6: {  	s30 =	sld [smem:$0x0];
	_ =	sdelay $0x2  }
0xb7: {  	s31 =	sshll.u32 s1, $0xD;
	s1 =	sshrl.u32 s1, $0x2  }
0xb8: {  	s3 =	sand.u32 $0x4000, s31;
	s1 =	sadd.s32 s1, s30  }
0xb9: {  	s0 =	sor.u32 s3, s0;
	s1 =	sshll.u32 s1, $0x11  }
0xba: {  	s0 =	sor.u32 s1, s0  }
0xbb: {  	s0 =	sadd.s32 $0x8F2B, s0  }
0xbc: {  	[sflag:s0] =	ssyncadd.remote.s32 $0x1  }
0xbd: {  	_ =	sfence.sel $0xFFFF  }
0xbe: {  	[dreg:$0x0] =	wrdreg $0xFFFFFFFF;
	(pc) =	sbr.abs _section_cstart, $3  }
0xbf: {  	[dreg:$0x1] =	wrdreg $0xFFFFFFFF  }
0xc0: {  	_ =	task.clear_ibuf [dreg:s6], $0x2FFFF;
	_ =	strace $0x9FFFFFFF  }
0xc1: {  	(tm) =	ssettm $0x7FFFFFFF  }
tec
execute0_lowered:
.L_overlay_start_1:
0x0: {  	(tag) =	ssettag $0x1  }
0x1: {  	s1 =	srdreg.scid  }
0x2: {  	s0 =	stileid.u32;
	s4 =	rddreg [dreg:$0x0]  }
0x3: {  	s15 =	simm.s32 $0x80;
	s16 =	simm.s32 $0x900;
	s17 =	simm.s32 $0x1100  }
0x4: {  	s18 =	simm.s32 $0x1900;
	s19 =	simm.s32 $0x2100;
	s1 =	sand.u32 $0x1, s1  }
0x5: {  	s20 =	simm.s32 $0x2900;
	s2 =	sshll.u32 s0, $0x8;
	s3 =	sshll.u32 s1, $0x7  }
0x6: {  	s21 =	simm.s32 $0x3100;
	s3 =	sor.u32 s3, s2;
	s2 =	simm.s32 $0x0  }
0x7: {  	s23 =	simm.s32 $0x3900;
	s24 =	simm.s32 $0x4100;
	[smem:$0x7FF] =	sst s2  }
0x8: {  	s25 =	simm.s32 $0x4900;
	_ =	strace $0x8000004A;
	[dreg:$0x6] =	wrdreg s15  }
0x9: {  	s26 =	simm.s32 $0x5100;
	s8 =	simm.s32 $0x6100;
	[dreg:$0x7] =	wrdreg s16  }
0xa: {  	s9 =	simm.s32 $0x6900;
	s10 =	simm.s32 $0x7100;
	[dreg:$0x8] =	wrdreg s17  }
0xb: {  	s11 =	simm.s32 $0x7900;
	s12 =	simm.s32 $0x8100;
	[dreg:$0x9] =	wrdreg s18  }
0xc: {  	s13 =	simm.s32 $0x8900;
	s28 =	simm.s32 $0xF900;
	[dreg:$0xa] =	wrdreg s19  }
0xd: {  	s29 =	simm.s32 $0x1;
	s30 =	simm.s32 $0x2;
	[dreg:$0xb] =	wrdreg s20  }
0xe: {  	s31 =	simm.s32 $0x3;
	s1 =	ssub.s32 $0x2, s1;
	[dreg:$0xc] =	wrdreg s21  }
0xf: {  	s22 =	sshrl.u32 s1, $0x1;
	s5 =	sshrl.u32 s3, $0x3;
	[dreg:$0xd] =	wrdreg s23  }
0x10: {  	s3 =	sshll.u32 s3, $0x5;
	s1 =	ssub.s32 s1, s22;
	[dreg:$0xe] =	wrdreg s24  }
0x11: {  	s22 =	simm.s32 $0xD100;
	s5 =	sadd.s32 s5, s4;
	[dreg:$0xf] =	wrdreg s25  }
0x12: {  	s3 =	sadd.s32 s3, s4;
	[dreg:$0x10] =	wrdreg s26;
	s15 =	simm.s32 $0x9900  }
0x13: {  	s16 =	simm.s32 $0xA100;
	s17 =	simm.s32 $0xA900;
	s18 =	simm.s32 $0xB100  }
0x14: {  	s19 =	simm.s32 $0xB900;
	s20 =	simm.s32 $0xC100;
	s6 =	sadd.s32 $0x14800, s5  }
0x15: {  	s21 =	simm.s32 $0xC900;
	s5 =	sadd.s32 $0x14A00, s5;
	[dreg:$0x2] =	wrdreg s6  }
0x16: {  	s23 =	simm.s32 $0xD900;
	s14 =	sadd.s32 $0x14C00, s3;
	[dreg:$0x3] =	wrdreg s5  }
0x17: {  	s24 =	simm.s32 $0xE100;
	s3 =	sadd.s32 $0x34C00, s3;
	[dreg:$0x4] =	wrdreg s14  }
0x18: {  	v2 =	vlaneseq.u32;
	s25 =	simm.s32 $0xE900;
	s26 =	simm.s32 $0xF100;
	[dreg:$0x5] =	wrdreg s3  }
0x19: {  	vm0 =	vmmov $0xffff;
	v1 =	vshrl.u32 v2, $0x3;
	s3 =	sadd.s32 $0x4400, s4;
	s4 =	smax.u32 s1, $0x1;
	s5 =	simm.s32 $0x5  }
0x1a: {  	v0 =	vand.u32 $0x7, v2;
	v2 =	vor.u32 $0x8, v2;
	v1 =	vmul.u32 $0x8, v1;
	s6 =	simm.s32 $0x100;
	s14 =	simm.s32 $0x9100;
	s1 =	simm.s32 $0x4  }
.LBB2_1:
0x1b: {  	s0 =	rddreg [dreg:$0x2]  }
0x1c: {  	[tilespmem:s2], [sflag:$0x5] =	stream.linear.gather [hbm4b:s0+s2], $0x80, $0x38;
	[tilespmem:$0x10100] =	vst v63  }
0x1d: {  	_ =	swait.ge [sflag:s5], $0x80  }
0x1e: {  	s0 =	rddreg [dreg:$0x3];
	[sflag:s5] =	ssyncset.done $0x0  }
0x1f: {  	s7 =	rddreg [dreg:$0x6];
	[sflag:s5] =	ssyncadd.s32 $0xFFFFFF80  }
0x20: {  	[tilespmem:s7], [sflag:$0x5] =	stream.linear.gather [hbm4b:s0+s2], $0x80, $0x38;
	[tilespmem:$0x10100] =	vst v63  }
0x21: {  	_ =	swait.ge [sflag:s5], $0x80  }
0x22: {  	[sflag:s5] =	ssyncset.done $0x0  }
0x23: {  	[sflag:s5] =	ssyncadd.s32 $0xFFFFFF80  }
0x24: {  	v3 =	vld [tilespmem:$0x0];
	_ =	sdelay $0x4  }
0x25: {  	v4 =	vshll.u32 v3, $0x1  }
0x26: {  	v3 =	vand.u32 $0x7, v3;
	v4 =	vand.u32 $0xFFFFFFF0, v4  }
0x27: {  	v3 =	vor.u32 v3, v4  }
0x28: {  	v4 =	vperm.xlane v3, v0;
	_ =	sdelay $0x1  }
0x29: {  	v3 =	vperm.xlane v3, v2;
	v4 =	vadd.s32 v1, v4;
	_ =	sdelay $0x1  }
0x2a: {  	v3 =	vadd.s32 v1, v3;
	_ =	sdelay $0x2  }
0x2b: {  	[tilespmem:s6], [sflag:$0x1] =	stream.indirect_vreg.gather [hbm4b:s3+s2], $0x80, v4, vm0, $0xb8;
	[tilespmem:$0x10100] =	vst v63  }
0x2c: {  	s7 =	rddreg [dreg:$0x7]  }
0x2d: {  	[tilespmem:s7], [sflag:$0x1] =	stream.indirect_vreg.gather [hbm4b:s3+s2], $0x80, v3, vm0, $0xb8;
	[tilespmem:$0x10100] =	vst v63  }
0x2e: {  	v3 =	vld [tilespmem:$0x10];
	_ =	sdelay $0x4  }
0x2f: {  	v49 =	vshll.u32 v3, $0x1  }
0x30: {  	v3 =	vand.u32 $0x7, v3;
	v4 =	vand.u32 $0xFFFFFFF0, v49  }
0x31: {  	v3 =	vor.u32 v3, v4  }
0x32: {  	v4 =	vperm.xlane v3, v0;
	_ =	sdelay $0x1  }
0x33: {  	v3 =	vperm.xlane v3, v2;
	v4 =	vadd.s32 v1, v4;
	_ =	sdelay $0x1  }
0x34: {  	v3 =	vadd.s32 v1, v3;
	_ =	sdelay $0x1  }
0x35: {  	s0 =	rddreg [dreg:$0x8]  }
0x36: {  	[tilespmem:s0], [sflag:$0x1] =	stream.indirect_vreg.gather [hbm4b:s3+s2], $0x80, v4, vm0, $0xb8;
	[tilespmem:$0x10100] =	vst v63  }
0x37: {  	s7 =	rddreg [dreg:$0x9]  }
0x38: {  	[tilespmem:s7], [sflag:$0x1] =	stream.indirect_vreg.gather [hbm4b:s3+s2], $0x80, v3, vm0, $0xb8;
	[tilespmem:$0x10100] =	vst v63  }
0x39: {  	v3 =	vld [tilespmem:$0x20];
	_ =	sdelay $0x4  }
0x3a: {  	v50 =	vshll.u32 v3, $0x1  }
0x3b: {  	v3 =	vand.u32 $0x7, v3;
	v4 =	vand.u32 $0xFFFFFFF0, v50  }
0x3c: {  	v3 =	vor.u32 v3, v4  }
0x3d: {  	v4 =	vperm.xlane v3, v0;
	_ =	sdelay $0x1  }
0x3e: {  	v3 =	vperm.xlane v3, v2;
	v4 =	vadd.s32 v1, v4;
	_ =	sdelay $0x1  }
0x3f: {  	v3 =	vadd.s32 v1, v3;
	_ =	sdelay $0x1  }
0x40: {  	s0 =	rddreg [dreg:$0xa]  }
0x41: {  	[tilespmem:s0], [sflag:$0x1] =	stream.indirect_vreg.gather [hbm4b:s3+s2], $0x80, v4, vm0, $0xb8;
	[tilespmem:$0x10100] =	vst v63  }
0x42: {  	s7 =	rddreg [dreg:$0xb]  }
0x43: {  	[tilespmem:s7], [sflag:$0x1] =	stream.indirect_vreg.gather [hbm4b:s3+s2], $0x80, v3, vm0, $0xb8;
	[tilespmem:$0x10100] =	vst v63  }
0x44: {  	v3 =	vld [tilespmem:$0x30];
	_ =	sdelay $0x4  }
0x45: {  	v51 =	vshll.u32 v3, $0x1  }
0x46: {  	v3 =	vand.u32 $0x7, v3;
	v4 =	vand.u32 $0xFFFFFFF0, v51  }
0x47: {  	v3 =	vor.u32 v3, v4  }
0x48: {  	v4 =	vperm.xlane v3, v0;
	_ =	sdelay $0x1  }
0x49: {  	v3 =	vperm.xlane v3, v2;
	v4 =	vadd.s32 v1, v4;
	_ =	sdelay $0x1  }
0x4a: {  	v3 =	vadd.s32 v1, v3;
	_ =	sdelay $0x1  }
0x4b: {  	s0 =	rddreg [dreg:$0xc]  }
0x4c: {  	[tilespmem:s0], [sflag:$0x1] =	stream.indirect_vreg.gather [hbm4b:s3+s2], $0x80, v4, vm0, $0xb8;
	[tilespmem:$0x10100] =	vst v63  }
0x4d: {  	s7 =	rddreg [dreg:$0xd]  }
0x4e: {  	[tilespmem:s7], [sflag:$0x1] =	stream.indirect_vreg.gather [hbm4b:s3+s2], $0x80, v3, vm0, $0xb8;
	[tilespmem:$0x10100] =	vst v63  }
0x4f: {  	v3 =	vld [tilespmem:$0x40];
	_ =	sdelay $0x4  }
0x50: {  	v52 =	vshll.u32 v3, $0x1  }
0x51: {  	v3 =	vand.u32 $0x7, v3;
	v4 =	vand.u32 $0xFFFFFFF0, v52  }
0x52: {  	v3 =	vor.u32 v3, v4  }
0x53: {  	v4 =	vperm.xlane v3, v0;
	_ =	sdelay $0x1  }
0x54: {  	v3 =	vperm.xlane v3, v2;
	v4 =	vadd.s32 v1, v4;
	_ =	sdelay $0x1  }
0x55: {  	v3 =	vadd.s32 v1, v3;
	_ =	sdelay $0x1  }
0x56: {  	s0 =	rddreg [dreg:$0xe]  }
0x57: {  	[tilespmem:s0], [sflag:$0x1] =	stream.indirect_vreg.gather [hbm4b:s3+s2], $0x80, v4, vm0, $0xb8;
	[tilespmem:$0x10100] =	vst v63  }
0x58: {  	s7 =	rddreg [dreg:$0xf]  }
0x59: {  	[tilespmem:s7], [sflag:$0x1] =	stream.indirect_vreg.gather [hbm4b:s3+s2], $0x80, v3, vm0, $0xb8;
	[tilespmem:$0x10100] =	vst v63  }
0x5a: {  	v3 =	vld [tilespmem:$0x50];
	_ =	sdelay $0x4  }
0x5b: {  	v53 =	vshll.u32 v3, $0x1  }
0x5c: {  	v3 =	vand.u32 $0x7, v3;
	v4 =	vand.u32 $0xFFFFFFF0, v53  }
0x5d: {  	v3 =	vor.u32 v3, v4  }
0x5e: {  	v4 =	vperm.xlane v3, v0;
	_ =	sdelay $0x1  }
0x5f: {  	v3 =	vperm.xlane v3, v2;
	v4 =	vadd.s32 v1, v4;
	_ =	sdelay $0x1  }
0x60: {  	v3 =	vadd.s32 v1, v3;
	_ =	sdelay $0x1  }
0x61: {  	s7 =	rddreg [dreg:$0x10]  }
0x62: {  	[tilespmem:s7], [sflag:$0x1] =	stream.indirect_vreg.gather [hbm4b:s3+s2], $0x80, v4, vm0, $0xb8;
	[tilespmem:$0x10100] =	vst v63  }
0x63: {  	s7 =	simm.s32 $0x5900  }
0x64: {  	[tilespmem:s7], [sflag:$0x1] =	stream.indirect_vreg.gather [hbm4b:s3+s2], $0x80, v3, vm0, $0xb8;
	[tilespmem:$0x10100] =	vst v63  }
0x65: {  	v3 =	vld [tilespmem:$0x60];
	_ =	sdelay $0x4  }
0x66: {  	v54 =	vshll.u32 v3, $0x1  }
0x67: {  	v3 =	vand.u32 $0x7, v3;
	v4 =	vand.u32 $0xFFFFFFF0, v54  }
0x68: {  	v3 =	vor.u32 v3, v4  }
0x69: {  	v4 =	vperm.xlane v3, v0;
	_ =	sdelay $0x1  }
0x6a: {  	v3 =	vperm.xlane v3, v2;
	v4 =	vadd.s32 v1, v4;
	_ =	sdelay $0x1  }
0x6b: {  	v3 =	vadd.s32 v1, v3;
	_ =	sdelay $0x2  }
0x6c: {  	[tilespmem:s8], [sflag:$0x1] =	stream.indirect_vreg.gather [hbm4b:s3+s2], $0x80, v4, vm0, $0xb8;
	[tilespmem:$0x10100] =	vst v63  }
0x6d: {  	_ = 	snop  }
0x6e: {  	[tilespmem:s9], [sflag:$0x1] =	stream.indirect_vreg.gather [hbm4b:s3+s2], $0x80, v3, vm0, $0xb8;
	[tilespmem:$0x10100] =	vst v63  }
0x6f: {  	v3 =	vld [tilespmem:$0x70];
	_ =	sdelay $0x4  }
0x70: {  	v55 =	vshll.u32 v3, $0x1  }
0x71: {  	v3 =	vand.u32 $0x7, v3;
	v4 =	vand.u32 $0xFFFFFFF0, v55  }
0x72: {  	v3 =	vor.u32 v3, v4  }
0x73: {  	v4 =	vperm.xlane v3, v0;
	_ =	sdelay $0x1  }
0x74: {  	v3 =	vperm.xlane v3, v2;
	v4 =	vadd.s32 v1, v4;
	_ =	sdelay $0x1  }
0x75: {  	v3 =	vadd.s32 v1, v3;
	_ =	sdelay $0x2  }
0x76: {  	[tilespmem:s10], [sflag:$0x1] =	stream.indirect_vreg.gather [hbm4b:s3+s2], $0x80, v4, vm0, $0xb8;
	[tilespmem:$0x10100] =	vst v63  }
0x77: {  	_ = 	snop  }
0x78: {  	[tilespmem:s11], [sflag:$0x1] =	stream.indirect_vreg.gather [hbm4b:s3+s2], $0x80, v3, vm0, $0xb8;
	[tilespmem:$0x10100] =	vst v63  }
0x79: {  	v3 =	vld [tilespmem:$0x80];
	_ =	sdelay $0x4  }
0x7a: {  	v56 =	vshll.u32 v3, $0x1  }
0x7b: {  	v3 =	vand.u32 $0x7, v3;
	v4 =	vand.u32 $0xFFFFFFF0, v56  }
0x7c: {  	v3 =	vor.u32 v3, v4  }
0x7d: {  	v4 =	vperm.xlane v3, v0;
	_ =	sdelay $0x1  }
0x7e: {  	v3 =	vperm.xlane v3, v2;
	v4 =	vadd.s32 v1, v4;
	_ =	sdelay $0x1  }
0x7f: {  	v3 =	vadd.s32 v1, v3;
	_ =	sdelay $0x2  }
0x80: {  	[tilespmem:s12], [sflag:$0x2] =	stream.indirect_vreg.gather [hbm4b:s3+s2], $0x80, v4, vm0, $0xb8;
	[tilespmem:$0x10100] =	vst v63  }
0x81: {  	_ = 	snop  }
0x82: {  	[tilespmem:s13], [sflag:$0x2] =	stream.indirect_vreg.gather [hbm4b:s3+s2], $0x80, v3, vm0, $0xb8;
	[tilespmem:$0x10100] =	vst v63  }
0x83: {  	v3 =	vld [tilespmem:$0x90];
	_ =	sdelay $0x4  }
0x84: {  	v57 =	vshll.u32 v3, $0x1  }
0x85: {  	v3 =	vand.u32 $0x7, v3;
	v4 =	vand.u32 $0xFFFFFFF0, v57  }
0x86: {  	v3 =	vor.u32 v3, v4  }
0x87: {  	v4 =	vperm.xlane v3, v0;
	_ =	sdelay $0x1  }
0x88: {  	v3 =	vperm.xlane v3, v2;
	v4 =	vadd.s32 v1, v4;
	_ =	sdelay $0x1  }
0x89: {  	v3 =	vadd.s32 v1, v3;
	_ =	sdelay $0x2  }
0x8a: {  	[tilespmem:s14], [sflag:$0x2] =	stream.indirect_vreg.gather [hbm4b:s3+s2], $0x80, v4, vm0, $0xb8;
	[tilespmem:$0x10100] =	vst v63  }
0x8b: {  	_ = 	snop  }
0x8c: {  	[tilespmem:s15], [sflag:$0x2] =	stream.indirect_vreg.gather [hbm4b:s3+s2], $0x80, v3, vm0, $0xb8;
	[tilespmem:$0x10100] =	vst v63  }
0x8d: {  	v3 =	vld [tilespmem:$0xA0];
	_ =	sdelay $0x4  }
0x8e: {  	v58 =	vshll.u32 v3, $0x1  }
0x8f: {  	v3 =	vand.u32 $0x7, v3;
	v4 =	vand.u32 $0xFFFFFFF0, v58  }
0x90: {  	v3 =	vor.u32 v3, v4  }
0x91: {  	v4 =	vperm.xlane v3, v0;
	_ =	sdelay $0x1  }
0x92: {  	v3 =	vperm.xlane v3, v2;
	v4 =	vadd.s32 v1, v4;
	_ =	sdelay $0x1  }
0x93: {  	v3 =	vadd.s32 v1, v3;
	_ =	sdelay $0x2  }
0x94: {  	[tilespmem:s16], [sflag:$0x2] =	stream.indirect_vreg.gather [hbm4b:s3+s2], $0x80, v4, vm0, $0xb8;
	[tilespmem:$0x10100] =	vst v63  }
0x95: {  	_ = 	snop  }
0x96: {  	[tilespmem:s17], [sflag:$0x2] =	stream.indirect_vreg.gather [hbm4b:s3+s2], $0x80, v3, vm0, $0xb8;
	[tilespmem:$0x10100] =	vst v63  }
0x97: {  	v3 =	vld [tilespmem:$0xB0];
	_ =	sdelay $0x4  }
0x98: {  	v59 =	vshll.u32 v3, $0x1  }
0x99: {  	v3 =	vand.u32 $0x7, v3;
	v4 =	vand.u32 $0xFFFFFFF0, v59  }
0x9a: {  	v3 =	vor.u32 v3, v4  }
0x9b: {  	v4 =	vperm.xlane v3, v0;
	_ =	sdelay $0x1  }
0x9c: {  	v3 =	vperm.xlane v3, v2;
	v4 =	vadd.s32 v1, v4;
	_ =	sdelay $0x1  }
0x9d: {  	v3 =	vadd.s32 v1, v3;
	_ =	sdelay $0x2  }
0x9e: {  	[tilespmem:s18], [sflag:$0x2] =	stream.indirect_vreg.gather [hbm4b:s3+s2], $0x80, v4, vm0, $0xb8;
	[tilespmem:$0x10100] =	vst v63  }
0x9f: {  	_ = 	snop  }
0xa0: {  	[tilespmem:s19], [sflag:$0x2] =	stream.indirect_vreg.gather [hbm4b:s3+s2], $0x80, v3, vm0, $0xb8;
	[tilespmem:$0x10100] =	vst v63  }
0xa1: {  	v3 =	vld [tilespmem:$0xC0];
	_ =	sdelay $0x4  }
0xa2: {  	v60 =	vshll.u32 v3, $0x1  }
0xa3: {  	v3 =	vand.u32 $0x7, v3;
	v4 =	vand.u32 $0xFFFFFFF0, v60  }
0xa4: {  	v3 =	vor.u32 v3, v4  }
0xa5: {  	v4 =	vperm.xlane v3, v0;
	_ =	sdelay $0x1  }
0xa6: {  	v3 =	vperm.xlane v3, v2;
	v4 =	vadd.s32 v1, v4;
	_ =	sdelay $0x1  }
0xa7: {  	v3 =	vadd.s32 v1, v3;
	_ =	sdelay $0x2  }
0xa8: {  	[tilespmem:s20], [sflag:$0x2] =	stream.indirect_vreg.gather [hbm4b:s3+s2], $0x80, v4, vm0, $0xb8;
	[tilespmem:$0x10100] =	vst v63  }
0xa9: {  	_ = 	snop  }
0xaa: {  	[tilespmem:s21], [sflag:$0x2] =	stream.indirect_vreg.gather [hbm4b:s3+s2], $0x80, v3, vm0, $0xb8;
	[tilespmem:$0x10100] =	vst v63  }
0xab: {  	v3 =	vld [tilespmem:$0xD0];
	_ =	sdelay $0x4  }
0xac: {  	v61 =	vshll.u32 v3, $0x1  }
0xad: {  	v3 =	vand.u32 $0x7, v3;
	v4 =	vand.u32 $0xFFFFFFF0, v61  }
0xae: {  	v3 =	vor.u32 v3, v4  }
0xaf: {  	v4 =	vperm.xlane v3, v0;
	_ =	sdelay $0x1  }
0xb0: {  	v3 =	vperm.xlane v3, v2;
	v4 =	vadd.s32 v1, v4;
	_ =	sdelay $0x1  }
0xb1: {  	v3 =	vadd.s32 v1, v3;
	_ =	sdelay $0x2  }
0xb2: {  	[tilespmem:s22], [sflag:$0x2] =	stream.indirect_vreg.gather [hbm4b:s3+s2], $0x80, v4, vm0, $0xb8;
	[tilespmem:$0x10100] =	vst v63  }
0xb3: {  	_ = 	snop  }
0xb4: {  	[tilespmem:s23], [sflag:$0x2] =	stream.indirect_vreg.gather [hbm4b:s3+s2], $0x80, v3, vm0, $0xb8;
	[tilespmem:$0x10100] =	vst v63  }
0xb5: {  	v3 =	vld [tilespmem:$0xE0];
	_ =	sdelay $0x4  }
0xb6: {  	v62 =	vshll.u32 v3, $0x1  }
0xb7: {  	v3 =	vand.u32 $0x7, v3;
	v4 =	vand.u32 $0xFFFFFFF0, v62  }
0xb8: {  	v3 =	vor.u32 v3, v4  }
0xb9: {  	v4 =	vperm.xlane v3, v0;
	_ =	sdelay $0x1  }
0xba: {  	v3 =	vperm.xlane v3, v2;
	v4 =	vadd.s32 v1, v4;
	_ =	sdelay $0x1  }
0xbb: {  	v3 =	vadd.s32 v1, v3;
	_ =	sdelay $0x2  }
0xbc: {  	[tilespmem:s24], [sflag:$0x2] =	stream.indirect_vreg.gather [hbm4b:s3+s2], $0x80, v4, vm0, $0xb8;
	[tilespmem:$0x10100] =	vst v63  }
0xbd: {  	_ = 	snop  }
0xbe: {  	[tilespmem:s25], [sflag:$0x2] =	stream.indirect_vreg.gather [hbm4b:s3+s2], $0x80, v3, vm0, $0xb8;
	[tilespmem:$0x10100] =	vst v63  }
0xbf: {  	v3 =	vld [tilespmem:$0xF0];
	_ =	sdelay $0x4  }
0xc0: {  	v63 =	vshll.u32 v3, $0x1  }
0xc1: {  	v3 =	vand.u32 $0x7, v3;
	v4 =	vand.u32 $0xFFFFFFF0, v63  }
0xc2: {  	v3 =	vor.u32 v3, v4  }
0xc3: {  	v4 =	vperm.xlane v3, v0;
	_ =	sdelay $0x1  }
0xc4: {  	v3 =	vperm.xlane v3, v2;
	v4 =	vadd.s32 v1, v4;
	_ =	sdelay $0x1  }
0xc5: {  	v3 =	vadd.s32 v1, v3;
	_ =	sdelay $0x2  }
0xc6: {  	[tilespmem:s26], [sflag:$0x2] =	stream.indirect_vreg.gather [hbm4b:s3+s2], $0x80, v4, vm0, $0xb8;
	[tilespmem:$0x10100] =	vst v63  }
0xc7: {  	_ = 	snop  }
0xc8: {  	[tilespmem:s28], [sflag:$0x2] =	stream.indirect_vreg.gather [hbm4b:s3+s2], $0x80, v3, vm0, $0xb8;
	[tilespmem:$0x10100] =	vst v63  }
0xc9: {  	_ =	swait.ge [sflag:s29], $0x8000  }
0xca: {  	[sflag:s29] =	ssyncset.done $0x0  }
0xcb: {  	s7 =	rddreg [dreg:$0x4];
	[sflag:s29] =	ssyncadd.s32 $0xFFFF8000  }
0xcc: {  	[hbm4b:s7+s2] =	stream.linear.scatter [tilespmem:s6], [sflag:$0x3], $0x8000, $0x38;
	[tilespmem:$0x10100] =	vst v63  }
0xcd: {  	_ =	swait.ge [sflag:s30], $0x8000  }
0xce: {  	[sflag:s30] =	ssyncset.done $0x0  }
0xcf: {  	s7 =	rddreg [dreg:$0x5];
	[sflag:s30] =	ssyncadd.s32 $0xFFFF8000  }
0xd0: {  	[hbm4b:s7+s2] =	stream.linear.scatter [tilespmem:s12], [sflag:$0x4], $0x8000, $0x38;
	[tilespmem:$0x10100] =	vst v63  }
0xd1: {  	p0 =	sne.s32 s4, $0x1;
	_ =	swait.ge [sflag:s31], $0x8000  }
.Ltmp0:
0xd2: {  	[sflag:s31] =	ssyncset.done $0x0;
	(pc) =	sbr.rel @p0 .LBB2_1-.Ltmp0, $4  }
0xd3: {  	[sflag:s31] =	ssyncadd.s32 $0xFFFF8000  }
0xd4: {  	_ =	swait.ge [sflag:s1], $0x8000  }
0xd5: {  	[sflag:s1] =	ssyncset.done $0x0  }
0xd6: {  	s4 =	sadd.s32 $0xFFFFFFFF, s4;
	[sflag:s1] =	ssyncadd.s32 $0xFFFF8000  }
0xd7: {  	_ =	sfence.sel $0x180000  }
0xd8: {  	[bflag:$0x0] =	sbarrier.arrive $0xFFFF  }
0xd9: {  	_ =	strace $0x9000004A  }
0xda: {  	s0 =	stileid.u32;
	[bflag:$0x2] =	sbarrier.arrive $0xFFFF  }
0xdb: {  	p0 =	sne.s32 s0, $0x0;
	s0 =	rddreg [dreg:$0x1]  }
0xdc: {  	s0 =	sadd.s32 @!p0 $0x100000, s0  }
0xdd: {  	[sflag:s0] =	ssyncadd.tile.s32 @!p0 $0x1;
	_ =	shalt  }
.Lfunc_end2:
_tile_overlayer_lowered:
.L_overlay_start_2:
0xde: {  	(tag) =	ssettag $0x2  }
0xdf: {  	s0 =	rddreg [dreg:$0x0];
	s2 =	stileid.u32  }
0xe0: {  	s1 =	rddreg [dreg:$0x1];
	p0 =	sne.s32 s2, $0x0  }
0xe1: {  	s3 =	rddreg [dreg:$0x2];
	[bflag:$0x3] =	sbarrier.arrive $0xFFFF;
	s2 =	simm.s32 @!p0 $0x1C05  }
0xe2: {  	[timem:s3], [sflag:s2] =	dma.local @!p0 [hbm:s0], s1  }
0xe3: {  	s0 =	simm.s32 @!p0 $0x5  }
0xe4: {  	_ =	swait.ge @!p0 [sflag:s0], s1  }
0xe5: {  	s1 =	ssub.s32 @!p0 $0x0, s1;
	[sflag:s0] =	ssyncset.done @!p0 $0x0  }
0xe6: {  	[sflag:s0] =	ssyncadd.s32 @!p0 s1  }
0xe7: {  	[bflag:$0x3] =	sbarrier.arrive $0xFFFF  }
0xe8: {  	_ =	shalt  }

// kernel: kernel.17.cloned.1.call-start
scs
__scs_entry_jumppad:
0x0: {  	(pc) =	sbr.rel $0x88, $3  }
0x1: {  	(tag) =	ssettag $0x0;
	lr =	simm.s32 $0x1  }
0x2: {  	[smem:$0x3F7D] =	sst lr;
	_ =	strace $0xD0000000  }
0x3: {  	_ = 	snop  }
0x4: {  	_ = 	snop  }
0x5: {  	_ = 	snop  }
0x6: {  	_ = 	snop  }
0x7: {  	_ = 	snop  }
__scs_overlays_trampoline_lowered:
0x8: {  	[smem:$0x3F8C] =	sst s0  }
0x9: {  	[smem:$0x3F8D] =	sst s1  }
0xa: {  	[smem:$0x3F8E] =	sst s2  }
0xb: {  	[smem:$0x3F8F] =	sst s3  }
0xc: {  	[smem:$0x3F90] =	sst s4  }
0xd: {  	[smem:$0x3F91] =	sst s5  }
0xe: {  	[smem:$0x3F92] =	sst s6  }
0xf: {  	[smem:$0x3F93] =	sst s7  }
0x10: {  	[smem:$0x3F94] =	sst s8  }
0x11: {  	[smem:$0x3F95] =	sst s9;
	s0 =	simm.s32 @!p0 $0x0  }
0x12: {  	s1 =	sld [smem:$0x3F7B];
	s0 =	simm.s32 @p0 $0x1  }
0x13: {  	[smem:$0x3F96] =	sst s0;
	s0 =	simm.s32 @!p1 $0x0  }
0x14: {  	s2 =	sld [smem:$0x3F7A];
	s0 =	simm.s32 @p1 $0x1  }
0x15: {  	[smem:$0x3F97] =	sst s0;
	s0 =	simm.s32 @!p2 $0x0  }
0x16: {  	s3 =	sld [smem:$0x3FDB];
	s0 =	simm.s32 @p2 $0x1  }
0x17: {  	s4 =	simm.s32 $0x1BF5;
	[smem:$0x3F99] =	sst s0  }
0x18: {  	s0 =	sld [smem:$0x3F7C];
	_ =	swait.ge [sflag:s4], $0x0  }
0x19: {  	s7 =	sld [smem:$0x3F7D]  }
0x1a: {  	s8 =	sadd.s32 $0xFFFFE003, lr  }
0x1b: {  	s9 =	sadd.s32 $0xFFFFFEF7, lr;
	s5 =	simm.s32 $0xFFFFFFFF;
	p2 =	slt.u32 s8, $0xFFFFF086  }
0x1c: {  	p1 =	slt.u32 s9, $0xF7A;
	s5 =	simm.s32 @!p2 $0x0  }
0x1d: {  	s5 =	simm.s32 @p1 $0x1;
	p0 =	seq.s32 s7, s2  }
0x1e: {  	s7 =	smul.u32 @!p0 $0xF7A, s2;
	p2 =	seq.s32 @!p0 s5, $0x0  }
0x1f: {  	s9 =	smul.u32 $0xF7A, s1;
	s8 =	simm.s32 @!p0 $0x1BF5;
	p2 =	por !p2, p0  }
0x20: {  	[sflag:s8] =	ssyncset.s32 @!p0 $0xFFFFF086;
	s6 =	sadd.s32 @!p0 s3, s7;
	s7 =	simm.s32 @!p0 $0x108  }
0x21: {  	s3 =	sadd.s32 s3, s9;
	s6 =	sadd.s32 @!p0 $0x88, s6;
	s7 =	simm.s32 @p2 $0x1082  }
0x22: {  	[simem:s7], [sflag:s8] =	dma.local @!p0 [hbm:s6], $0xF7A  }
0x23: {  	s9 =	sor.u32 $0xD0000000, s2;
	s6 =	simm.s32 $0x108;
	_ =	swait.ge @!p0 [sflag:s8], $0x0  }
0x24: {  	s3 =	sadd.s32 $0x88, s3;
	s6 =	simm.s32 @!p1 $0x1082;
	[sflag:s4] =	ssyncset.s32 $0xFFFFF086  }
0x25: {  	[simem:s6], [sflag:s4] =	dma.local [hbm:s3], $0xF7A  }
0x26: {  	[smem:$0x3F7D] =	sst s1;
	(tag) =	ssettag s2;
	_ =	strace s9  }
0x27: {  	s1 =	sld [smem:$0x3F8D]  }
0x28: {  	s2 =	sld [smem:$0x3F8E]  }
0x29: {  	s4 =	sld [smem:$0x3F90]  }
0x2a: {  	p0 =	seq.s32 s5, $0x0;
	s5 =	sld [smem:$0x3F91]  }
0x2b: {  	s6 =	sld [smem:$0x3F92]  }
0x2c: {  	s7 =	sld [smem:$0x3F93]  }
0x2d: {  	s3 =	simm.s32 $0x108;
	s8 =	sld [smem:$0x3F94]  }
0x2e: {  	s3 =	simm.s32 @!p0 $0x1082;
	s9 =	sld [smem:$0x3F95]  }
0x2f: {  	lr =	sadd.s32 s0, s3;
	s0 =	sld [smem:$0x3F8C]  }
0x30: {  	s3 =	sld [smem:$0x3F8F]  }
0x31: {  	[smem:$0x3F98] =	sst s10  }
0x32: {  	s10 =	sld [smem:$0x3F96];
	_ =	sdelay $0x3  }
0x33: {  	p0 =	seq.s32 s10, $0x1;
	s10 =	sld [smem:$0x3F98];
	_ =	sdelay $0x3  }
0x34: {  	[smem:$0x3F98] =	sst s10  }
0x35: {  	s10 =	sld [smem:$0x3F97];
	_ =	sdelay $0x3  }
0x36: {  	p1 =	seq.s32 s10, $0x1;
	s10 =	sld [smem:$0x3F98];
	_ =	sdelay $0x3  }
0x37: {  	[smem:$0x3F98] =	sst s10  }
0x38: {  	s10 =	sld [smem:$0x3F99]  }
0x39: {  	_ = 	snop;
	(pc) =	sbr.ind lr, $3  }
0x3a: {  	_ = 	snop  }
0x3b: {  	_ = 	snop  }
0x3c: {  	p2 =	seq.s32 s10, $0x1;
	s10 =	sld [smem:$0x3F98]  }
0x3d: {  	_ =	shalt  }
0x3e: {  	_ =	shalt  }
0x3f: {  	_ =	shalt  }
0x40: {  	_ =	shalt  }
0x41: {  	_ =	shalt  }
0x42: {  	_ =	shalt  }
0x43: {  	_ =	shalt  }
0x44: {  	_ =	shalt  }
0x45: {  	_ =	shalt  }
0x46: {  	_ =	shalt  }
0x47: {  	_ =	shalt  }
0x48: {  	_ =	shalt  }
0x49: {  	_ =	shalt  }
0x4a: {  	_ =	shalt  }
0x4b: {  	_ =	shalt  }
0x4c: {  	_ =	shalt  }
0x4d: {  	_ =	shalt  }
0x4e: {  	_ =	shalt  }
0x4f: {  	_ =	shalt  }
0x50: {  	_ =	shalt  }
0x51: {  	_ =	shalt  }
0x52: {  	_ =	shalt  }
0x53: {  	_ =	shalt  }
0x54: {  	_ =	shalt  }
0x55: {  	_ =	shalt  }
0x56: {  	_ =	shalt  }
0x57: {  	_ =	shalt  }
0x58: {  	_ =	shalt  }
0x59: {  	_ =	shalt  }
0x5a: {  	_ =	shalt  }
0x5b: {  	_ =	shalt  }
0x5c: {  	_ =	shalt  }
0x5d: {  	_ =	shalt  }
0x5e: {  	_ =	shalt  }
0x5f: {  	_ =	shalt  }
0x60: {  	_ =	shalt  }
0x61: {  	_ =	shalt  }
0x62: {  	_ =	shalt  }
0x63: {  	_ =	shalt  }
0x64: {  	_ =	shalt  }
0x65: {  	_ =	shalt  }
0x66: {  	_ =	shalt  }
0x67: {  	_ =	shalt  }
0x68: {  	_ =	shalt  }
0x69: {  	_ =	shalt  }
0x6a: {  	_ =	shalt  }
0x6b: {  	_ =	shalt  }
0x6c: {  	_ =	shalt  }
0x6d: {  	_ =	shalt  }
0x6e: {  	_ =	shalt  }
0x6f: {  	_ =	shalt  }
0x70: {  	_ =	shalt  }
0x71: {  	_ =	shalt  }
0x72: {  	_ =	shalt  }
0x73: {  	_ =	shalt  }
0x74: {  	_ =	shalt  }
0x75: {  	_ =	shalt  }
0x76: {  	_ =	shalt  }
0x77: {  	_ =	shalt  }
0x78: {  	_ =	shalt  }
0x79: {  	_ =	shalt  }
0x7a: {  	_ =	shalt  }
0x7b: {  	_ =	shalt  }
0x7c: {  	_ =	shalt  }
0x7d: {  	_ =	shalt  }
0x7e: {  	_ =	shalt  }
0x7f: {  	_ =	shalt  }
0x80: {  	_ =	shalt  }
0x81: {  	_ =	shalt  }
0x82: {  	_ =	shalt  }
0x83: {  	_ =	shalt  }
0x84: {  	_ =	shalt  }
0x85: {  	_ =	shalt  }
0x86: {  	_ =	shalt  }
0x87: {  	_ =	shalt  }
.Lfunc_end0:
.L_simem_size_0:
called_computation.2_lowered:
.L_overlay_start_0:
0x88: {  	s2 =	sld [smem:$0x3FD9]  }
0x89: {  	s3 =	sld [smem:$0x3FFE];
	_ =	sdelay $0x1  }
0x8a: {  	s1 =	srdreg.scid  }
0x8b: {  	s0 =	sand.u32 $0x1, s1  }
0x8c: {  	s17 =	sshll.u32 s0, $0xA;
	s2 =	sadd.s32 s3, s2  }
0x8d: {  	s2 =	sadd.s32 s2, s17  }
0x8e: {  	[smem:$0x3FA4] =	sst s2  }
0x8f: {  	_ = 	snop  }
0x90: {  	s2 =	sld [smem:$0x3FD0];
	(tm) =	ssettm $0x1  }
0x91: {  	s18 =	sld [smem:$0x3FFB];
	_ =	sdelay $0x3  }
0x92: {  	_ =	strace s18  }
0x93: {  	s3 =	sld [smem:$0x3FFC];
	_ =	sdelay $0x3  }
0x94: {  	_ =	strace s3  }
0x95: {  	s3 =	sld [smem:$0x3FFD];
	_ =	sdelay $0x3  }
0x96: {  	_ =	strace s3  }
0x97: {  	_ =	strace $0x8FFFFFFF  }
0x98: {  	s19 =	sld [smem:$0x3FDB];
	_ =	sdelay $0x1  }
0x99: {  	s4 =	simm.s32 $_scs_section_size  }
0x9a: {  	s5 =	simm.s32 $_size__tile_overlayer_lowered;
	s6 =	simm.s32 $_tile_overlayer_lowered  }
0x9b: {  	s22 =	simm.s32 $0x1BFF;
	s21 =	sshll.u32 s6, $0x1;
	s3 =	sadd.s32 s4, s19  }
0x9c: {  	s7 =	simm.s32 $0x0;
	s20 =	sshll.u32 s5, $0x1;
	s5 =	sadd.s32 s21, s3  }
0x9d: {  	[timem:s7], [sflag:s22] =	dma.local [hbm:s5], s20  }
0x9e: {  	_ =	swait.ge [sflag:s22], s20  }
0x9f: {  	s4 =	ssub.s32 $0x0, s20;
	[sflag:s22] =	ssyncset.done $0x0  }
0xa0: {  	[sflag:s22] =	ssyncadd.s32 s4;
	_ =	sdelay $0x1  }
0xa1: {  	s23 =	simm.s32 $0x1B8B  }
0xa2: {  	_ =	swait.ge [sflag:s23], $0x1  }
0xa3: {  	[sflag:s23] =	ssyncset.done $0x0  }
0xa4: {  	s25 =	simm.s32 $0x1B8E;
	s24 =	sld [smem:$0x3FFE];
	[sflag:s23] =	ssyncadd.s32 $0xFFFFFFFF  }
0xa5: {  	s26 =	simm.s32 $execute0_lowered;
	[smem:$0x3FD2] =	sst s25  }
0xa6: {  	s5 =	sshll.u32 s26, $0x1;
	_ =	strace $0x8000004C;
	[dreg:$0x1] =	wrdreg $0xFFFFFFFF  }
0xa7: {  	s28 =	simm.s32 $_size_execute0_lowered;
	s3 =	sadd.s32 s3, s5;
	[dreg:$0x0] =	wrdreg $0x0  }
0xa8: {  	s5 =	sshll.u32 s28, $0x1;
	[dreg:$0x2] =	wrdreg s3  }
0xa9: {  	[dreg:$0x3] =	wrdreg s5  }
0xaa: {  	[dreg:$0x4] =	wrdreg $0xC0  }
0xab: {  	_ =	task [dreg:s7], $0x5FFFF  }
0xac: {  	[dreg:$0x1] =	wrdreg $0xFFFFFFFF  }
0xad: {  	[dreg:$0x0] =	wrdreg $0x60  }
0xae: {  	[dreg:$0x2] =	wrdreg s2  }
0xaf: {  	[dreg:$0x3] =	wrdreg s24  }
0xb0: {  	[dreg:$0x4] =	wrdreg $0x9  }
0xb1: {  	_ =	task.clear_ibuf [dreg:s7], $0x5FFFF;
	_ =	strace $0x9000004C  }
0xb2: {  	s29 =	simm.s32 $0x9;
	_ =	strace $0x8000004E  }
0xb3: {  	_ =	swait.ge [sflag:s29], $0x1  }
0xb4: {  	[sflag:s29] =	ssyncadd.s32 $0xFFFFFFFF  }
0xb5: {  	_ =	strace $0x9000004E  }
0xb6: {  	_ =	sfence  }
0xb7: {  	s30 =	sld [smem:$0x0];
	_ =	sdelay $0x2  }
0xb8: {  	s31 =	sshll.u32 s1, $0xD;
	s1 =	sshrl.u32 s1, $0x2  }
0xb9: {  	s3 =	sand.u32 $0x4000, s31;
	s1 =	sadd.s32 s1, s30  }
0xba: {  	s0 =	sor.u32 s3, s0;
	s1 =	sshll.u32 s1, $0x11  }
0xbb: {  	s0 =	sor.u32 s1, s0  }
0xbc: {  	s0 =	sadd.s32 $0x8F2B, s0  }
0xbd: {  	[sflag:s0] =	ssyncadd.remote.s32 $0x1  }
0xbe: {  	_ =	sfence.sel $0xFFFF  }
0xbf: {  	[dreg:$0x0] =	wrdreg $0xFFFFFFFF;
	(pc) =	sbr.abs _section_cstart, $3  }
0xc0: {  	[dreg:$0x1] =	wrdreg $0xFFFFFFFF  }
0xc1: {  	_ =	task.clear_ibuf [dreg:s7], $0x2FFFF;
	_ =	strace $0x9FFFFFFF  }
0xc2: {  	(tm) =	ssettm $0x7FFFFFFF  }
0xc3: {  	_ =	shalt  }
tec
execute0_lowered:
.L_overlay_start_1:
0x0: {  	(tag) =	ssettag $0x1  }
0x1: {  	s1 =	rddreg [dreg:$0x0]  }
0x2: {  	s0 =	rddreg [dreg:$0x1];
	s2 =	srdreg.scid  }
0x3: {  	s3 =	simm.s32 $0x0;
	s4 =	stileid.u32;
	s2 =	sand.u32 $0x1, s2  }
0x4: {  	s28 =	simm.s32 $0x100;
	s4 =	sshll.u32 s4, $0xA;
	s5 =	sshll.u32 s2, $0x9  }
0x5: {  	[smem:$0x7FF] =	sst s3;
	s30 =	sadd.s32 $0xC400, s0;
	s4 =	sor.u32 s5, s4  }
0x6: {  	s6 =	sadd.s32 $0xCC00, s0;
	s8 =	sadd.s32 $0xD4C00, s0;
	s7 =	sshrl.u32 s4, $0x3  }
0x7: {  	s0 =	sadd.s32 $0x154C00, s0;
	_ =	strace $0x8000004D;
	s9 =	sadd.s32 s30, s7  }
0x8: {  	s31 =	sshll.u32 s4, $0x5;
	s7 =	sadd.s32 s6, s7;
	[dreg:$0x3] =	wrdreg s9  }
0x9: {  	s10 =	sor.u32 $0x80, s4;
	s11 =	sadd.s32 s8, s31;
	[dreg:$0x4] =	wrdreg s7  }
0xa: {  	s12 =	sadd.s32 s0, s31;
	s13 =	sshrl.u32 s10, $0x3;
	[dreg:$0x5] =	wrdreg s11  }
0xb: {  	s2 =	ssub.s32 $0x2, s2;
	[dreg:$0x6] =	wrdreg s12;
	s14 =	sadd.s32 s30, s13  }
0xc: {  	s16 =	sshll.u32 s10, $0x5;
	s15 =	sadd.s32 s6, s13;
	[dreg:$0x7] =	wrdreg s14  }
0xd: {  	s18 =	sor.u32 $0x100, s4;
	s17 =	sadd.s32 s8, s16;
	[dreg:$0x8] =	wrdreg s15  }
0xe: {  	s20 =	sshrl.u32 s18, $0x3;
	s19 =	sadd.s32 s0, s16;
	[dreg:$0x9] =	wrdreg s17  }
0xf: {  	s4 =	sor.u32 $0x180, s4;
	s21 =	sadd.s32 s30, s20;
	[dreg:$0xa] =	wrdreg s19  }
0x10: {  	s23 =	sshll.u32 s18, $0x5;
	s22 =	sadd.s32 s6, s20;
	[dreg:$0xb] =	wrdreg s21  }
0x11: {  	s26 =	sshrl.u32 s4, $0x3;
	s24 =	sadd.s32 s8, s23;
	[dreg:$0xc] =	wrdreg s22  }
0x12: {  	s4 =	sshll.u32 s4, $0x5;
	s25 =	sadd.s32 s0, s23;
	[dreg:$0xd] =	wrdreg s24  }
0x13: {  	s31 =	sshrl.u32 s2, $0x1;
	s5 =	sadd.s32 s30, s26;
	[dreg:$0xe] =	wrdreg s25  }
0x14: {  	s29 =	sadd.s32 s6, s26;
	s30 =	sadd.s32 s8, s4;
	[dreg:$0xf] =	wrdreg s5  }
0x15: {  	s0 =	sadd.s32 s0, s4;
	s2 =	ssub.s32 s2, s31;
	[dreg:$0x10] =	wrdreg s29  }
0x16: {  	v2 =	vlaneseq.u32;
	s23 =	simm.s32 $0x8100;
	s13 =	simm.s32 $0x1;
	[dreg:$0x11] =	wrdreg s30  }
0x17: {  	vm0 =	vmmov $0xffff;
	v1 =	vshrl.u32 v2, $0x3;
	s16 =	simm.s32 $0x4;
	[dreg:$0x12] =	wrdreg s0;
	s4 =	smax.u32 s2, $0x1  }
0x18: {  	v0 =	vand.u32 $0x7, v2;
	v2 =	vor.u32 $0x8, v2;
	v1 =	vmul.u32 $0x8, v1;
	s5 =	simm.s32 $0x5;
	s14 =	simm.s32 $0x2;
	s15 =	simm.s32 $0x3  }
.LBB2_1:
0x19: {  	s17 =	rddreg [dreg:$0x3]  }
0x1a: {  	[tilespmem:s3], [sflag:$0x5] =	stream.linear.gather [hbm4b:s17+s3], $0x80, $0x38;
	[tilespmem:$0x10100] =	vst v63  }
0x1b: {  	_ =	swait.ge [sflag:s5], $0x80  }
0x1c: {  	[sflag:s5] =	ssyncset.done $0x0  }
0x1d: {  	s0 =	simm.s32 $0x80;
	s8 =	rddreg [dreg:$0x4];
	[sflag:s5] =	ssyncadd.s32 $0xFFFFFF80  }
0x1e: {  	[tilespmem:s0], [sflag:$0x5] =	stream.linear.gather [hbm4b:s8+s3], $0x80, $0x38;
	[tilespmem:$0x10100] =	vst v63  }
0x1f: {  	_ =	swait.ge [sflag:s5], $0x80  }
0x20: {  	[sflag:s5] =	ssyncset.done $0x0  }
0x21: {  	[sflag:s5] =	ssyncadd.s32 $0xFFFFFF80  }
0x22: {  	v3 =	vld [tilespmem:$0x0];
	_ =	sdelay $0x4  }
0x23: {  	v4 =	vshll.u32 v3, $0x1  }
0x24: {  	v3 =	vand.u32 $0x7, v3;
	v4 =	vand.u32 $0xFFFFFFF0, v4  }
0x25: {  	v3 =	vor.u32 v3, v4  }
0x26: {  	v4 =	vperm.xlane v3, v0;
	_ =	sdelay $0x1  }
0x27: {  	v3 =	vperm.xlane v3, v2;
	v4 =	vadd.s32 v1, v4;
	_ =	sdelay $0x1  }
0x28: {  	v3 =	vadd.s32 v1, v3;
	_ =	sdelay $0x2  }
0x29: {  	[tilespmem:s28], [sflag:$0x1] =	stream.indirect_vreg.gather [hbm4b:s1+s3], $0x80, v4, vm0, $0xb8;
	[tilespmem:$0x10100] =	vst v63  }
0x2a: {  	s9 =	simm.s32 $0x900  }
0x2b: {  	[tilespmem:s9], [sflag:$0x1] =	stream.indirect_vreg.gather [hbm4b:s1+s3], $0x80, v3, vm0, $0xb8;
	[tilespmem:$0x10100] =	vst v63  }
0x2c: {  	v3 =	vld [tilespmem:$0x10];
	_ =	sdelay $0x4  }
0x2d: {  	v57 =	vshll.u32 v3, $0x1  }
0x2e: {  	v3 =	vand.u32 $0x7, v3;
	v4 =	vand.u32 $0xFFFFFFF0, v57  }
0x2f: {  	v3 =	vor.u32 v3, v4  }
0x30: {  	v4 =	vperm.xlane v3, v0;
	_ =	sdelay $0x1  }
0x31: {  	v3 =	vperm.xlane v3, v2;
	v4 =	vadd.s32 v1, v4;
	_ =	sdelay $0x1  }
0x32: {  	v3 =	vadd.s32 v1, v3;
	_ =	sdelay $0x1  }
0x33: {  	s10 =	simm.s32 $0x1100  }
0x34: {  	[tilespmem:s10], [sflag:$0x1] =	stream.indirect_vreg.gather [hbm4b:s1+s3], $0x80, v4, vm0, $0xb8;
	[tilespmem:$0x10100] =	vst v63  }
0x35: {  	s11 =	simm.s32 $0x1900  }
0x36: {  	[tilespmem:s11], [sflag:$0x1] =	stream.indirect_vreg.gather [hbm4b:s1+s3], $0x80, v3, vm0, $0xb8;
	[tilespmem:$0x10100] =	vst v63  }
0x37: {  	v3 =	vld [tilespmem:$0x20];
	_ =	sdelay $0x4  }
0x38: {  	v58 =	vshll.u32 v3, $0x1  }
0x39: {  	v3 =	vand.u32 $0x7, v3;
	v4 =	vand.u32 $0xFFFFFFF0, v58  }
0x3a: {  	v3 =	vor.u32 v3, v4  }
0x3b: {  	v4 =	vperm.xlane v3, v0;
	_ =	sdelay $0x1  }
0x3c: {  	v3 =	vperm.xlane v3, v2;
	v4 =	vadd.s32 v1, v4;
	_ =	sdelay $0x1  }
0x3d: {  	v3 =	vadd.s32 v1, v3;
	_ =	sdelay $0x1  }
0x3e: {  	s12 =	simm.s32 $0x2100  }
0x3f: {  	[tilespmem:s12], [sflag:$0x1] =	stream.indirect_vreg.gather [hbm4b:s1+s3], $0x80, v4, vm0, $0xb8;
	[tilespmem:$0x10100] =	vst v63  }
0x40: {  	s17 =	simm.s32 $0x2900  }
0x41: {  	[tilespmem:s17], [sflag:$0x1] =	stream.indirect_vreg.gather [hbm4b:s1+s3], $0x80, v3, vm0, $0xb8;
	[tilespmem:$0x10100] =	vst v63  }
0x42: {  	v3 =	vld [tilespmem:$0x30];
	_ =	sdelay $0x4  }
0x43: {  	v59 =	vshll.u32 v3, $0x1  }
0x44: {  	v3 =	vand.u32 $0x7, v3;
	v4 =	vand.u32 $0xFFFFFFF0, v59  }
0x45: {  	v3 =	vor.u32 v3, v4  }
0x46: {  	v4 =	vperm.xlane v3, v0;
	_ =	sdelay $0x1  }
0x47: {  	v3 =	vperm.xlane v3, v2;
	v4 =	vadd.s32 v1, v4;
	_ =	sdelay $0x1  }
0x48: {  	v3 =	vadd.s32 v1, v3;
	_ =	sdelay $0x1  }
0x49: {  	s18 =	simm.s32 $0x3100  }
0x4a: {  	[tilespmem:s18], [sflag:$0x1] =	stream.indirect_vreg.gather [hbm4b:s1+s3], $0x80, v4, vm0, $0xb8;
	[tilespmem:$0x10100] =	vst v63  }
0x4b: {  	s19 =	simm.s32 $0x3900  }
0x4c: {  	[tilespmem:s19], [sflag:$0x1] =	stream.indirect_vreg.gather [hbm4b:s1+s3], $0x80, v3, vm0, $0xb8;
	[tilespmem:$0x10100] =	vst v63  }
0x4d: {  	v3 =	vld [tilespmem:$0x40];
	_ =	sdelay $0x4  }
0x4e: {  	v60 =	vshll.u32 v3, $0x1  }
0x4f: {  	v3 =	vand.u32 $0x7, v3;
	v4 =	vand.u32 $0xFFFFFFF0, v60  }
0x50: {  	v3 =	vor.u32 v3, v4  }
0x51: {  	v4 =	vperm.xlane v3, v0;
	_ =	sdelay $0x1  }
0x52: {  	v3 =	vperm.xlane v3, v2;
	v4 =	vadd.s32 v1, v4;
	_ =	sdelay $0x1  }
0x53: {  	v3 =	vadd.s32 v1, v3;
	_ =	sdelay $0x1  }
0x54: {  	s20 =	simm.s32 $0x4100  }
0x55: {  	[tilespmem:s20], [sflag:$0x1] =	stream.indirect_vreg.gather [hbm4b:s1+s3], $0x80, v4, vm0, $0xb8;
	[tilespmem:$0x10100] =	vst v63  }
0x56: {  	s21 =	simm.s32 $0x4900  }
0x57: {  	[tilespmem:s21], [sflag:$0x1] =	stream.indirect_vreg.gather [hbm4b:s1+s3], $0x80, v3, vm0, $0xb8;
	[tilespmem:$0x10100] =	vst v63  }
0x58: {  	v3 =	vld [tilespmem:$0x50];
	_ =	sdelay $0x4  }
0x59: {  	v61 =	vshll.u32 v3, $0x1  }
0x5a: {  	v3 =	vand.u32 $0x7, v3;
	v4 =	vand.u32 $0xFFFFFFF0, v61  }
0x5b: {  	v3 =	vor.u32 v3, v4  }
0x5c: {  	v4 =	vperm.xlane v3, v0;
	_ =	sdelay $0x1  }
0x5d: {  	v3 =	vperm.xlane v3, v2;
	v4 =	vadd.s32 v1, v4;
	_ =	sdelay $0x1  }
0x5e: {  	v3 =	vadd.s32 v1, v3;
	_ =	sdelay $0x1  }
0x5f: {  	s22 =	simm.s32 $0x5100  }
0x60: {  	[tilespmem:s22], [sflag:$0x1] =	stream.indirect_vreg.gather [hbm4b:s1+s3], $0x80, v4, vm0, $0xb8;
	[tilespmem:$0x10100] =	vst v63  }
0x61: {  	s24 =	simm.s32 $0x5900  }
0x62: {  	[tilespmem:s24], [sflag:$0x1] =	stream.indirect_vreg.gather [hbm4b:s1+s3], $0x80, v3, vm0, $0xb8;
	[tilespmem:$0x10100] =	vst v63  }
0x63: {  	v3 =	vld [tilespmem:$0x60];
	_ =	sdelay $0x4  }
0x64: {  	v62 =	vshll.u32 v3, $0x1  }
0x65: {  	v3 =	vand.u32 $0x7, v3;
	v4 =	vand.u32 $0xFFFFFFF0, v62  }
0x66: {  	v3 =	vor.u32 v3, v4  }
0x67: {  	v4 =	vperm.xlane v3, v0;
	_ =	sdelay $0x1  }
0x68: {  	v3 =	vperm.xlane v3, v2;
	v4 =	vadd.s32 v1, v4;
	_ =	sdelay $0x1  }
0x69: {  	v3 =	vadd.s32 v1, v3;
	_ =	sdelay $0x1  }
0x6a: {  	s25 =	simm.s32 $0x6100  }
0x6b: {  	[tilespmem:s25], [sflag:$0x1] =	stream.indirect_vreg.gather [hbm4b:s1+s3], $0x80, v4, vm0, $0xb8;
	[tilespmem:$0x10100] =	vst v63  }
0x6c: {  	s26 =	simm.s32 $0x6900  }
0x6d: {  	[tilespmem:s26], [sflag:$0x1] =	stream.indirect_vreg.gather [hbm4b:s1+s3], $0x80, v3, vm0, $0xb8;
	[tilespmem:$0x10100] =	vst v63  }
0x6e: {  	v3 =	vld [tilespmem:$0x70];
	_ =	sdelay $0x4  }
0x6f: {  	v63 =	vshll.u32 v3, $0x1  }
0x70: {  	v3 =	vand.u32 $0x7, v3;
	v4 =	vand.u32 $0xFFFFFFF0, v63  }
0x71: {  	v3 =	vor.u32 v3, v4  }
0x72: {  	v4 =	vperm.xlane v3, v0;
	_ =	sdelay $0x1  }
0x73: {  	v3 =	vperm.xlane v3, v2;
	v4 =	vadd.s32 v1, v4;
	_ =	sdelay $0x1  }
0x74: {  	v3 =	vadd.s32 v1, v3;
	_ =	sdelay $0x1  }
0x75: {  	s29 =	simm.s32 $0x7100  }
0x76: {  	[tilespmem:s29], [sflag:$0x1] =	stream.indirect_vreg.gather [hbm4b:s1+s3], $0x80, v4, vm0, $0xb8;
	[tilespmem:$0x10100] =	vst v63  }
0x77: {  	s30 =	simm.s32 $0x7900  }
0x78: {  	[tilespmem:s30], [sflag:$0x1] =	stream.indirect_vreg.gather [hbm4b:s1+s3], $0x80, v3, vm0, $0xb8;
	[tilespmem:$0x10100] =	vst v63  }
0x79: {  	v3 =	vld [tilespmem:$0x80];
	_ =	sdelay $0x4  }
0x7a: {  	v8 =	vshll.u32 v3, $0x1  }
0x7b: {  	v3 =	vand.u32 $0x7, v3;
	v4 =	vand.u32 $0xFFFFFFF0, v8  }
0x7c: {  	v3 =	vor.u32 v3, v4  }
0x7d: {  	v4 =	vperm.xlane v3, v0;
	_ =	sdelay $0x1  }
0x7e: {  	v3 =	vperm.xlane v3, v2;
	v4 =	vadd.s32 v1, v4;
	_ =	sdelay $0x1  }
0x7f: {  	v3 =	vadd.s32 v1, v3;
	_ =	sdelay $0x2  }
0x80: {  	[tilespmem:s23], [sflag:$0x2] =	stream.indirect_vreg.gather [hbm4b:s1+s3], $0x80, v4, vm0, $0xb8;
	[tilespmem:$0x10100] =	vst v63  }
0x81: {  	s31 =	simm.s32 $0x8900  }
0x82: {  	[tilespmem:s31], [sflag:$0x2] =	stream.indirect_vreg.gather [hbm4b:s1+s3], $0x80, v3, vm0, $0xb8;
	[tilespmem:$0x10100] =	vst v63  }
0x83: {  	v3 =	vld [tilespmem:$0x90];
	_ =	sdelay $0x4  }
0x84: {  	v9 =	vshll.u32 v3, $0x1  }
0x85: {  	v3 =	vand.u32 $0x7, v3;
	v4 =	vand.u32 $0xFFFFFFF0, v9  }
0x86: {  	v3 =	vor.u32 v3, v4  }
0x87: {  	v4 =	vperm.xlane v3, v0;
	_ =	sdelay $0x1  }
0x88: {  	v3 =	vperm.xlane v3, v2;
	v4 =	vadd.s32 v1, v4;
	_ =	sdelay $0x1  }
0x89: {  	v3 =	vadd.s32 v1, v3;
	_ =	sdelay $0x1  }
0x8a: {  	s17 =	simm.s32 $0x9100  }
0x8b: {  	[tilespmem:s17], [sflag:$0x2] =	stream.indirect_vreg.gather [hbm4b:s1+s3], $0x80, v4, vm0, $0xb8;
	[tilespmem:$0x10100] =	vst v63  }
0x8c: {  	s18 =	simm.s32 $0x9900  }
0x8d: {  	[tilespmem:s18], [sflag:$0x2] =	stream.indirect_vreg.gather [hbm4b:s1+s3], $0x80, v3, vm0, $0xb8;
	[tilespmem:$0x10100] =	vst v63  }
0x8e: {  	v3 =	vld [tilespmem:$0xA0];
	_ =	sdelay $0x4  }
0x8f: {  	v10 =	vshll.u32 v3, $0x1  }
0x90: {  	v3 =	vand.u32 $0x7, v3;
	v4 =	vand.u32 $0xFFFFFFF0, v10  }
0x91: {  	v3 =	vor.u32 v3, v4  }
0x92: {  	v4 =	vperm.xlane v3, v0;
	_ =	sdelay $0x1  }
0x93: {  	v3 =	vperm.xlane v3, v2;
	v4 =	vadd.s32 v1, v4;
	_ =	sdelay $0x1  }
0x94: {  	v3 =	vadd.s32 v1, v3;
	_ =	sdelay $0x1  }
0x95: {  	s19 =	simm.s32 $0xA100  }
0x96: {  	[tilespmem:s19], [sflag:$0x2] =	stream.indirect_vreg.gather [hbm4b:s1+s3], $0x80, v4, vm0, $0xb8;
	[tilespmem:$0x10100] =	vst v63  }
0x97: {  	s20 =	simm.s32 $0xA900  }
0x98: {  	[tilespmem:s20], [sflag:$0x2] =	stream.indirect_vreg.gather [hbm4b:s1+s3], $0x80, v3, vm0, $0xb8;
	[tilespmem:$0x10100] =	vst v63  }
0x99: {  	v3 =	vld [tilespmem:$0xB0];
	_ =	sdelay $0x4  }
0x9a: {  	v11 =	vshll.u32 v3, $0x1  }
0x9b: {  	v3 =	vand.u32 $0x7, v3;
	v4 =	vand.u32 $0xFFFFFFF0, v11  }
0x9c: {  	v3 =	vor.u32 v3, v4  }
0x9d: {  	v4 =	vperm.xlane v3, v0;
	_ =	sdelay $0x1  }
0x9e: {  	v3 =	vperm.xlane v3, v2;
	v4 =	vadd.s32 v1, v4;
	_ =	sdelay $0x1  }
0x9f: {  	v3 =	vadd.s32 v1, v3;
	_ =	sdelay $0x1  }
0xa0: {  	s21 =	simm.s32 $0xB100  }
0xa1: {  	[tilespmem:s21], [sflag:$0x2] =	stream.indirect_vreg.gather [hbm4b:s1+s3], $0x80, v4, vm0, $0xb8;
	[tilespmem:$0x10100] =	vst v63  }
0xa2: {  	s22 =	simm.s32 $0xB900  }
0xa3: {  	[tilespmem:s22], [sflag:$0x2] =	stream.indirect_vreg.gather [hbm4b:s1+s3], $0x80, v3, vm0, $0xb8;
	[tilespmem:$0x10100] =	vst v63  }
0xa4: {  	v3 =	vld [tilespmem:$0xC0];
	_ =	sdelay $0x4  }
0xa5: {  	v12 =	vshll.u32 v3, $0x1  }
0xa6: {  	v3 =	vand.u32 $0x7, v3;
	v4 =	vand.u32 $0xFFFFFFF0, v12  }
0xa7: {  	v3 =	vor.u32 v3, v4  }
0xa8: {  	v4 =	vperm.xlane v3, v0;
	_ =	sdelay $0x1  }
0xa9: {  	v3 =	vperm.xlane v3, v2;
	v4 =	vadd.s32 v1, v4;
	_ =	sdelay $0x1  }
0xaa: {  	v3 =	vadd.s32 v1, v3;
	_ =	sdelay $0x1  }
0xab: {  	s24 =	simm.s32 $0xC100  }
0xac: {  	[tilespmem:s24], [sflag:$0x2] =	stream.indirect_vreg.gather [hbm4b:s1+s3], $0x80, v4, vm0, $0xb8;
	[tilespmem:$0x10100] =	vst v63  }
0xad: {  	s25 =	simm.s32 $0xC900  }
0xae: {  	[tilespmem:s25], [sflag:$0x2] =	stream.indirect_vreg.gather [hbm4b:s1+s3], $0x80, v3, vm0, $0xb8;
	[tilespmem:$0x10100] =	vst v63  }
0xaf: {  	v3 =	vld [tilespmem:$0xD0];
	_ =	sdelay $0x4  }
0xb0: {  	v13 =	vshll.u32 v3, $0x1  }
0xb1: {  	v3 =	vand.u32 $0x7, v3;
	v4 =	vand.u32 $0xFFFFFFF0, v13  }
0xb2: {  	v3 =	vor.u32 v3, v4  }
0xb3: {  	v4 =	vperm.xlane v3, v0;
	_ =	sdelay $0x1  }
0xb4: {  	v3 =	vperm.xlane v3, v2;
	v4 =	vadd.s32 v1, v4;
	_ =	sdelay $0x1  }
0xb5: {  	v3 =	vadd.s32 v1, v3;
	_ =	sdelay $0x1  }
0xb6: {  	s29 =	simm.s32 $0xD100  }
0xb7: {  	[tilespmem:s29], [sflag:$0x2] =	stream.indirect_vreg.gather [hbm4b:s1+s3], $0x80, v4, vm0, $0xb8;
	[tilespmem:$0x10100] =	vst v63  }
0xb8: {  	s30 =	simm.s32 $0xD900  }
0xb9: {  	[tilespmem:s30], [sflag:$0x2] =	stream.indirect_vreg.gather [hbm4b:s1+s3], $0x80, v3, vm0, $0xb8;
	[tilespmem:$0x10100] =	vst v63  }
0xba: {  	v3 =	vld [tilespmem:$0xE0];
	_ =	sdelay $0x4  }
0xbb: {  	v14 =	vshll.u32 v3, $0x1  }
0xbc: {  	v3 =	vand.u32 $0x7, v3;
	v4 =	vand.u32 $0xFFFFFFF0, v14  }
0xbd: {  	v3 =	vor.u32 v3, v4  }
0xbe: {  	v4 =	vperm.xlane v3, v0;
	_ =	sdelay $0x1  }
0xbf: {  	v3 =	vperm.xlane v3, v2;
	v4 =	vadd.s32 v1, v4;
	_ =	sdelay $0x1  }
0xc0: {  	v3 =	vadd.s32 v1, v3;
	_ =	sdelay $0x1  }
0xc1: {  	s0 =	simm.s32 $0xE100  }
0xc2: {  	[tilespmem:s0], [sflag:$0x2] =	stream.indirect_vreg.gather [hbm4b:s1+s3], $0x80, v4, vm0, $0xb8;
	[tilespmem:$0x10100] =	vst v63  }
0xc3: {  	s18 =	simm.s32 $0xE900  }
0xc4: {  	[tilespmem:s18], [sflag:$0x2] =	stream.indirect_vreg.gather [hbm4b:s1+s3], $0x80, v3, vm0, $0xb8;
	[tilespmem:$0x10100] =	vst v63  }
0xc5: {  	v3 =	vld [tilespmem:$0xF0];
	_ =	sdelay $0x4  }
0xc6: {  	v15 =	vshll.u32 v3, $0x1  }
0xc7: {  	v3 =	vand.u32 $0x7, v3;
	v4 =	vand.u32 $0xFFFFFFF0, v15  }
0xc8: {  	v3 =	vor.u32 v3, v4  }
0xc9: {  	v4 =	vperm.xlane v3, v0;
	_ =	sdelay $0x1  }
0xca: {  	v3 =	vperm.xlane v3, v2;
	v4 =	vadd.s32 v1, v4;
	_ =	sdelay $0x1  }
0xcb: {  	v3 =	vadd.s32 v1, v3;
	_ =	sdelay $0x1  }
0xcc: {  	s19 =	simm.s32 $0xF100  }
0xcd: {  	[tilespmem:s19], [sflag:$0x2] =	stream.indirect_vreg.gather [hbm4b:s1+s3], $0x80, v4, vm0, $0xb8;
	[tilespmem:$0x10100] =	vst v63  }
0xce: {  	s29 =	simm.s32 $0xF900  }
0xcf: {  	[tilespmem:s29], [sflag:$0x2] =	stream.indirect_vreg.gather [hbm4b:s1+s3], $0x80, v3, vm0, $0xb8;
	[tilespmem:$0x10100] =	vst v63  }
0xd0: {  	_ =	swait.ge [sflag:s13], $0x8000  }
0xd1: {  	[sflag:s13] =	ssyncset.done $0x0  }
0xd2: {  	s30 =	rddreg [dreg:$0x5];
	[sflag:s13] =	ssyncadd.s32 $0xFFFF8000  }
0xd3: {  	[hbm4b:s30+s3] =	stream.linear.scatter [tilespmem:s28], [sflag:$0x3], $0x8000, $0x38;
	[tilespmem:$0x10100] =	vst v63  }
0xd4: {  	_ =	swait.ge [sflag:s14], $0x8000  }
0xd5: {  	[sflag:s14] =	ssyncset.done $0x0  }
0xd6: {  	s0 =	rddreg [dreg:$0x6];
	[sflag:s14] =	ssyncadd.s32 $0xFFFF8000  }
0xd7: {  	[hbm4b:s0+s3] =	stream.linear.scatter [tilespmem:s23], [sflag:$0x4], $0x8000, $0x38;
	[tilespmem:$0x10100] =	vst v63  }
0xd8: {  	s18 =	rddreg [dreg:$0x7]  }
0xd9: {  	[tilespmem:s3], [sflag:$0x5] =	stream.linear.gather [hbm4b:s18+s3], $0x80, $0x38;
	[tilespmem:$0x10100] =	vst v63  }
0xda: {  	_ =	swait.ge [sflag:s5], $0x80  }
0xdb: {  	[sflag:s5] =	ssyncset.done $0x0  }
0xdc: {  	s19 =	simm.s32 $0x80;
	s18 =	rddreg [dreg:$0x8];
	[sflag:s5] =	ssyncadd.s32 $0xFFFFFF80  }
0xdd: {  	[tilespmem:s19], [sflag:$0x5] =	stream.linear.gather [hbm4b:s18+s3], $0x80, $0x38;
	[tilespmem:$0x10100] =	vst v63  }
0xde: {  	_ =	swait.ge [sflag:s5], $0x80  }
0xdf: {  	[sflag:s5] =	ssyncset.done $0x0  }
0xe0: {  	[sflag:s5] =	ssyncadd.s32 $0xFFFFFF80  }
0xe1: {  	_ =	swait.ge [sflag:s15], $0x8000  }
0xe2: {  	[sflag:s15] =	ssyncset.done $0x0  }
0xe3: {  	[sflag:s15] =	ssyncadd.s32 $0xFFFF8000  }
0xe4: {  	_ =	swait.ge [sflag:s16], $0x8000  }
0xe5: {  	[sflag:s16] =	ssyncset.done $0x0  }
0xe6: {  	[sflag:s16] =	ssyncadd.s32 $0xFFFF8000  }
0xe7: {  	v3 =	vld [tilespmem:$0x0];
	_ =	sdelay $0x4  }
0xe8: {  	v16 =	vshll.u32 v3, $0x1  }
0xe9: {  	v3 =	vand.u32 $0x7, v3;
	v4 =	vand.u32 $0xFFFFFFF0, v16  }
0xea: {  	v3 =	vor.u32 v3, v4  }
0xeb: {  	v4 =	vperm.xlane v3, v0;
	_ =	sdelay $0x1  }
0xec: {  	v3 =	vperm.xlane v3, v2;
	v4 =	vadd.s32 v1, v4;
	_ =	sdelay $0x1  }
0xed: {  	v3 =	vadd.s32 v1, v3;
	_ =	sdelay $0x2  }
0xee: {  	[tilespmem:s28], [sflag:$0x1] =	stream.indirect_vreg.gather [hbm4b:s1+s3], $0x80, v4, vm0, $0xb8;
	[tilespmem:$0x10100] =	vst v63  }
0xef: {  	s7 =	simm.s32 $0x900  }
0xf0: {  	[tilespmem:s7], [sflag:$0x1] =	stream.indirect_vreg.gather [hbm4b:s1+s3], $0x80, v3, vm0, $0xb8;
	[tilespmem:$0x10100] =	vst v63  }
0xf1: {  	v3 =	vld [tilespmem:$0x10];
	_ =	sdelay $0x4  }
0xf2: {  	v17 =	vshll.u32 v3, $0x1  }
0xf3: {  	v3 =	vand.u32 $0x7, v3;
	v4 =	vand.u32 $0xFFFFFFF0, v17  }
0xf4: {  	v3 =	vor.u32 v3, v4  }
0xf5: {  	v4 =	vperm.xlane v3, v0;
	_ =	sdelay $0x1  }
0xf6: {  	v3 =	vperm.xlane v3, v2;
	v4 =	vadd.s32 v1, v4;
	_ =	sdelay $0x1  }
0xf7: {  	v3 =	vadd.s32 v1, v3;
	_ =	sdelay $0x1  }
0xf8: {  	s2 =	simm.s32 $0x1100  }
0xf9: {  	[tilespmem:s2], [sflag:$0x1] =	stream.indirect_vreg.gather [hbm4b:s1+s3], $0x80, v4, vm0, $0xb8;
	[tilespmem:$0x10100] =	vst v63  }
0xfa: {  	s8 =	simm.s32 $0x1900  }
0xfb: {  	[tilespmem:s8], [sflag:$0x1] =	stream.indirect_vreg.gather [hbm4b:s1+s3], $0x80, v3, vm0, $0xb8;
	[tilespmem:$0x10100] =	vst v63  }
0xfc: {  	v3 =	vld [tilespmem:$0x20];
	_ =	sdelay $0x4  }
0xfd: {  	v18 =	vshll.u32 v3, $0x1  }
0xfe: {  	v3 =	vand.u32 $0x7, v3;
	v4 =	vand.u32 $0xFFFFFFF0, v18  }
0xff: {  	v3 =	vor.u32 v3, v4  }
0x100: {  	v4 =	vperm.xlane v3, v0;
	_ =	sdelay $0x1  }
0x101: {  	v3 =	vperm.xlane v3, v2;
	v4 =	vadd.s32 v1, v4;
	_ =	sdelay $0x1  }
0x102: {  	v3 =	vadd.s32 v1, v3;
	_ =	sdelay $0x1  }
0x103: {  	s6 =	simm.s32 $0x2100  }
0x104: {  	[tilespmem:s6], [sflag:$0x1] =	stream.indirect_vreg.gather [hbm4b:s1+s3], $0x80, v4, vm0, $0xb8;
	[tilespmem:$0x10100] =	vst v63  }
0x105: {  	s10 =	simm.s32 $0x2900  }
0x106: {  	[tilespmem:s10], [sflag:$0x1] =	stream.indirect_vreg.gather [hbm4b:s1+s3], $0x80, v3, vm0, $0xb8;
	[tilespmem:$0x10100] =	vst v63  }
0x107: {  	v3 =	vld [tilespmem:$0x30];
	_ =	sdelay $0x4  }
0x108: {  	v19 =	vshll.u32 v3, $0x1  }
0x109: {  	v3 =	vand.u32 $0x7, v3;
	v4 =	vand.u32 $0xFFFFFFF0, v19  }
0x10a: {  	v3 =	vor.u32 v3, v4  }
0x10b: {  	v4 =	vperm.xlane v3, v0;
	_ =	sdelay $0x1  }
0x10c: {  	v3 =	vperm.xlane v3, v2;
	v4 =	vadd.s32 v1, v4;
	_ =	sdelay $0x1  }
0x10d: {  	v3 =	vadd.s32 v1, v3;
	_ =	sdelay $0x1  }
0x10e: {  	s7 =	simm.s32 $0x3100  }
0x10f: {  	[tilespmem:s7], [sflag:$0x1] =	stream.indirect_vreg.gather [hbm4b:s1+s3], $0x80, v4, vm0, $0xb8;
	[tilespmem:$0x10100] =	vst v63  }
0x110: {  	s11 =	simm.s32 $0x3900  }
0x111: {  	[tilespmem:s11], [sflag:$0x1] =	stream.indirect_vreg.gather [hbm4b:s1+s3], $0x80, v3, vm0, $0xb8;
	[tilespmem:$0x10100] =	vst v63  }
0x112: {  	v3 =	vld [tilespmem:$0x40];
	_ =	sdelay $0x4  }
0x113: {  	v20 =	vshll.u32 v3, $0x1  }
0x114: {  	v3 =	vand.u32 $0x7, v3;
	v4 =	vand.u32 $0xFFFFFFF0, v20  }
0x115: {  	v3 =	vor.u32 v3, v4  }
0x116: {  	v4 =	vperm.xlane v3, v0;
	_ =	sdelay $0x1  }
0x117: {  	v3 =	vperm.xlane v3, v2;
	v4 =	vadd.s32 v1, v4;
	_ =	sdelay $0x1  }
0x118: {  	v3 =	vadd.s32 v1, v3;
	_ =	sdelay $0x1  }
0x119: {  	s8 =	simm.s32 $0x4100  }
0x11a: {  	[tilespmem:s8], [sflag:$0x1] =	stream.indirect_vreg.gather [hbm4b:s1+s3], $0x80, v4, vm0, $0xb8;
	[tilespmem:$0x10100] =	vst v63  }
0x11b: {  	s12 =	simm.s32 $0x4900  }
0x11c: {  	[tilespmem:s12], [sflag:$0x1] =	stream.indirect_vreg.gather [hbm4b:s1+s3], $0x80, v3, vm0, $0xb8;
	[tilespmem:$0x10100] =	vst v63  }
0x11d: {  	v3 =	vld [tilespmem:$0x50];
	_ =	sdelay $0x4  }
0x11e: {  	v21 =	vshll.u32 v3, $0x1  }
0x11f: {  	v3 =	vand.u32 $0x7, v3;
	v4 =	vand.u32 $0xFFFFFFF0, v21  }
0x120: {  	v3 =	vor.u32 v3, v4  }
0x121: {  	v4 =	vperm.xlane v3, v0;
	_ =	sdelay $0x1  }
0x122: {  	v3 =	vperm.xlane v3, v2;
	v4 =	vadd.s32 v1, v4;
	_ =	sdelay $0x1  }
0x123: {  	v3 =	vadd.s32 v1, v3;
	_ =	sdelay $0x1  }
0x124: {  	s9 =	simm.s32 $0x5100  }
0x125: {  	[tilespmem:s9], [sflag:$0x1] =	stream.indirect_vreg.gather [hbm4b:s1+s3], $0x80, v4, vm0, $0xb8;
	[tilespmem:$0x10100] =	vst v63  }
0x126: {  	s9 =	simm.s32 $0x5900  }
0x127: {  	[tilespmem:s9], [sflag:$0x1] =	stream.indirect_vreg.gather [hbm4b:s1+s3], $0x80, v3, vm0, $0xb8;
	[tilespmem:$0x10100] =	vst v63  }
0x128: {  	v3 =	vld [tilespmem:$0x60];
	_ =	sdelay $0x4  }
0x129: {  	v22 =	vshll.u32 v3, $0x1  }
0x12a: {  	v3 =	vand.u32 $0x7, v3;
	v4 =	vand.u32 $0xFFFFFFF0, v22  }
0x12b: {  	v3 =	vor.u32 v3, v4  }
0x12c: {  	v4 =	vperm.xlane v3, v0;
	_ =	sdelay $0x1  }
0x12d: {  	v3 =	vperm.xlane v3, v2;
	v4 =	vadd.s32 v1, v4;
	_ =	sdelay $0x1  }
0x12e: {  	v3 =	vadd.s32 v1, v3;
	_ =	sdelay $0x1  }
0x12f: {  	s0 =	simm.s32 $0x6100  }
0x130: {  	[tilespmem:s0], [sflag:$0x1] =	stream.indirect_vreg.gather [hbm4b:s1+s3], $0x80, v4, vm0, $0xb8;
	[tilespmem:$0x10100] =	vst v63  }
0x131: {  	s10 =	simm.s32 $0x6900  }
0x132: {  	[tilespmem:s10], [sflag:$0x1] =	stream.indirect_vreg.gather [hbm4b:s1+s3], $0x80, v3, vm0, $0xb8;
	[tilespmem:$0x10100] =	vst v63  }
0x133: {  	v3 =	vld [tilespmem:$0x70];
	_ =	sdelay $0x4  }
0x134: {  	v23 =	vshll.u32 v3, $0x1  }
0x135: {  	v3 =	vand.u32 $0x7, v3;
	v4 =	vand.u32 $0xFFFFFFF0, v23  }
0x136: {  	v3 =	vor.u32 v3, v4  }
0x137: {  	v4 =	vperm.xlane v3, v0;
	_ =	sdelay $0x1  }
0x138: {  	v3 =	vperm.xlane v3, v2;
	v4 =	vadd.s32 v1, v4;
	_ =	sdelay $0x1  }
0x139: {  	v3 =	vadd.s32 v1, v3;
	_ =	sdelay $0x1  }
0x13a: {  	s2 =	simm.s32 $0x7100  }
0x13b: {  	[tilespmem:s2], [sflag:$0x1] =	stream.indirect_vreg.gather [hbm4b:s1+s3], $0x80, v4, vm0, $0xb8;
	[tilespmem:$0x10100] =	vst v63  }
0x13c: {  	s11 =	simm.s32 $0x7900  }
0x13d: {  	[tilespmem:s11], [sflag:$0x1] =	stream.indirect_vreg.gather [hbm4b:s1+s3], $0x80, v3, vm0, $0xb8;
	[tilespmem:$0x10100] =	vst v63  }
0x13e: {  	v3 =	vld [tilespmem:$0x80];
	_ =	sdelay $0x4  }
0x13f: {  	v24 =	vshll.u32 v3, $0x1  }
0x140: {  	v3 =	vand.u32 $0x7, v3;
	v4 =	vand.u32 $0xFFFFFFF0, v24  }
0x141: {  	v3 =	vor.u32 v3, v4  }
0x142: {  	v4 =	vperm.xlane v3, v0;
	_ =	sdelay $0x1  }
0x143: {  	v3 =	vperm.xlane v3, v2;
	v4 =	vadd.s32 v1, v4;
	_ =	sdelay $0x1  }
0x144: {  	v3 =	vadd.s32 v1, v3;
	_ =	sdelay $0x2  }
0x145: {  	[tilespmem:s23], [sflag:$0x2] =	stream.indirect_vreg.gather [hbm4b:s1+s3], $0x80, v4, vm0, $0xb8;
	[tilespmem:$0x10100] =	vst v63  }
0x146: {  	s12 =	simm.s32 $0x8900  }
0x147: {  	[tilespmem:s12], [sflag:$0x2] =	stream.indirect_vreg.gather [hbm4b:s1+s3], $0x80, v3, vm0, $0xb8;
	[tilespmem:$0x10100] =	vst v63  }
0x148: {  	v3 =	vld [tilespmem:$0x90];
	_ =	sdelay $0x4  }
0x149: {  	v25 =	vshll.u32 v3, $0x1  }
0x14a: {  	v3 =	vand.u32 $0x7, v3;
	v4 =	vand.u32 $0xFFFFFFF0, v25  }
0x14b: {  	v3 =	vor.u32 v3, v4  }
0x14c: {  	v4 =	vperm.xlane v3, v0;
	_ =	sdelay $0x1  }
0x14d: {  	v3 =	vperm.xlane v3, v2;
	v4 =	vadd.s32 v1, v4;
	_ =	sdelay $0x1  }
0x14e: {  	v3 =	vadd.s32 v1, v3;
	_ =	sdelay $0x1  }
0x14f: {  	s6 =	simm.s32 $0x9100  }
0x150: {  	[tilespmem:s6], [sflag:$0x2] =	stream.indirect_vreg.gather [hbm4b:s1+s3], $0x80, v4, vm0, $0xb8;
	[tilespmem:$0x10100] =	vst v63  }
0x151: {  	s26 =	simm.s32 $0x9900  }
0x152: {  	[tilespmem:s26], [sflag:$0x2] =	stream.indirect_vreg.gather [hbm4b:s1+s3], $0x80, v3, vm0, $0xb8;
	[tilespmem:$0x10100] =	vst v63  }
0x153: {  	v3 =	vld [tilespmem:$0xA0];
	_ =	sdelay $0x4  }
0x154: {  	v26 =	vshll.u32 v3, $0x1  }
0x155: {  	v3 =	vand.u32 $0x7, v3;
	v4 =	vand.u32 $0xFFFFFFF0, v26  }
0x156: {  	v3 =	vor.u32 v3, v4  }
0x157: {  	v4 =	vperm.xlane v3, v0;
	_ =	sdelay $0x1  }
0x158: {  	v3 =	vperm.xlane v3, v2;
	v4 =	vadd.s32 v1, v4;
	_ =	sdelay $0x1  }
0x159: {  	v3 =	vadd.s32 v1, v3;
	_ =	sdelay $0x1  }
0x15a: {  	s31 =	simm.s32 $0xA100  }
0x15b: {  	[tilespmem:s31], [sflag:$0x2] =	stream.indirect_vreg.gather [hbm4b:s1+s3], $0x80, v4, vm0, $0xb8;
	[tilespmem:$0x10100] =	vst v63  }
0x15c: {  	s20 =	simm.s32 $0xA900  }
0x15d: {  	[tilespmem:s20], [sflag:$0x2] =	stream.indirect_vreg.gather [hbm4b:s1+s3], $0x80, v3, vm0, $0xb8;
	[tilespmem:$0x10100] =	vst v63  }
0x15e: {  	v3 =	vld [tilespmem:$0xB0];
	_ =	sdelay $0x4  }
0x15f: {  	v27 =	vshll.u32 v3, $0x1  }
0x160: {  	v3 =	vand.u32 $0x7, v3;
	v4 =	vand.u32 $0xFFFFFFF0, v27  }
0x161: {  	v3 =	vor.u32 v3, v4  }
0x162: {  	v4 =	vperm.xlane v3, v0;
	_ =	sdelay $0x1  }
0x163: {  	v3 =	vperm.xlane v3, v2;
	v4 =	vadd.s32 v1, v4;
	_ =	sdelay $0x1  }
0x164: {  	v3 =	vadd.s32 v1, v3;
	_ =	sdelay $0x1  }
0x165: {  	s20 =	simm.s32 $0xB100  }
0x166: {  	[tilespmem:s20], [sflag:$0x2] =	stream.indirect_vreg.gather [hbm4b:s1+s3], $0x80, v4, vm0, $0xb8;
	[tilespmem:$0x10100] =	vst v63  }
0x167: {  	s21 =	simm.s32 $0xB900  }
0x168: {  	[tilespmem:s21], [sflag:$0x2] =	stream.indirect_vreg.gather [hbm4b:s1+s3], $0x80, v3, vm0, $0xb8;
	[tilespmem:$0x10100] =	vst v63  }
0x169: {  	v3 =	vld [tilespmem:$0xC0];
	_ =	sdelay $0x4  }
0x16a: {  	v28 =	vshll.u32 v3, $0x1  }
0x16b: {  	v3 =	vand.u32 $0x7, v3;
	v4 =	vand.u32 $0xFFFFFFF0, v28  }
0x16c: {  	v3 =	vor.u32 v3, v4  }
0x16d: {  	v4 =	vperm.xlane v3, v0;
	_ =	sdelay $0x1  }
0x16e: {  	v3 =	vperm.xlane v3, v2;
	v4 =	vadd.s32 v1, v4;
	_ =	sdelay $0x1  }
0x16f: {  	v3 =	vadd.s32 v1, v3;
	_ =	sdelay $0x1  }
0x170: {  	s21 =	simm.s32 $0xC100  }
0x171: {  	[tilespmem:s21], [sflag:$0x2] =	stream.indirect_vreg.gather [hbm4b:s1+s3], $0x80, v4, vm0, $0xb8;
	[tilespmem:$0x10100] =	vst v63  }
0x172: {  	s22 =	simm.s32 $0xC900  }
0x173: {  	[tilespmem:s22], [sflag:$0x2] =	stream.indirect_vreg.gather [hbm4b:s1+s3], $0x80, v3, vm0, $0xb8;
	[tilespmem:$0x10100] =	vst v63  }
0x174: {  	v3 =	vld [tilespmem:$0xD0];
	_ =	sdelay $0x4  }
0x175: {  	v29 =	vshll.u32 v3, $0x1  }
0x176: {  	v3 =	vand.u32 $0x7, v3;
	v4 =	vand.u32 $0xFFFFFFF0, v29  }
0x177: {  	v3 =	vor.u32 v3, v4  }
0x178: {  	v4 =	vperm.xlane v3, v0;
	_ =	sdelay $0x1  }
0x179: {  	v3 =	vperm.xlane v3, v2;
	v4 =	vadd.s32 v1, v4;
	_ =	sdelay $0x1  }
0x17a: {  	v3 =	vadd.s32 v1, v3;
	_ =	sdelay $0x1  }
0x17b: {  	s22 =	simm.s32 $0xD100  }
0x17c: {  	[tilespmem:s22], [sflag:$0x2] =	stream.indirect_vreg.gather [hbm4b:s1+s3], $0x80, v4, vm0, $0xb8;
	[tilespmem:$0x10100] =	vst v63  }
0x17d: {  	s24 =	simm.s32 $0xD900  }
0x17e: {  	[tilespmem:s24], [sflag:$0x2] =	stream.indirect_vreg.gather [hbm4b:s1+s3], $0x80, v3, vm0, $0xb8;
	[tilespmem:$0x10100] =	vst v63  }
0x17f: {  	v3 =	vld [tilespmem:$0xE0];
	_ =	sdelay $0x4  }
0x180: {  	v30 =	vshll.u32 v3, $0x1  }
0x181: {  	v3 =	vand.u32 $0x7, v3;
	v4 =	vand.u32 $0xFFFFFFF0, v30  }
0x182: {  	v3 =	vor.u32 v3, v4  }
0x183: {  	v4 =	vperm.xlane v3, v0;
	_ =	sdelay $0x1  }
0x184: {  	v3 =	vperm.xlane v3, v2;
	v4 =	vadd.s32 v1, v4;
	_ =	sdelay $0x1  }
0x185: {  	v3 =	vadd.s32 v1, v3;
	_ =	sdelay $0x1  }
0x186: {  	s24 =	simm.s32 $0xE100  }
0x187: {  	[tilespmem:s24], [sflag:$0x2] =	stream.indirect_vreg.gather [hbm4b:s1+s3], $0x80, v4, vm0, $0xb8;
	[tilespmem:$0x10100] =	vst v63  }
0x188: {  	s25 =	simm.s32 $0xE900  }
0x189: {  	[tilespmem:s25], [sflag:$0x2] =	stream.indirect_vreg.gather [hbm4b:s1+s3], $0x80, v3, vm0, $0xb8;
	[tilespmem:$0x10100] =	vst v63  }
0x18a: {  	v3 =	vld [tilespmem:$0xF0];
	_ =	sdelay $0x4  }
0x18b: {  	v31 =	vshll.u32 v3, $0x1  }
0x18c: {  	v3 =	vand.u32 $0x7, v3;
	v4 =	vand.u32 $0xFFFFFFF0, v31  }
0x18d: {  	v3 =	vor.u32 v3, v4  }
0x18e: {  	v4 =	vperm.xlane v3, v0;
	_ =	sdelay $0x1  }
0x18f: {  	v3 =	vperm.xlane v3, v2;
	v4 =	vadd.s32 v1, v4;
	_ =	sdelay $0x1  }
0x190: {  	v3 =	vadd.s32 v1, v3;
	_ =	sdelay $0x1  }
0x191: {  	s25 =	simm.s32 $0xF100  }
0x192: {  	[tilespmem:s25], [sflag:$0x2] =	stream.indirect_vreg.gather [hbm4b:s1+s3], $0x80, v4, vm0, $0xb8;
	[tilespmem:$0x10100] =	vst v63  }
0x193: {  	s29 =	simm.s32 $0xF900  }
0x194: {  	[tilespmem:s29], [sflag:$0x2] =	stream.indirect_vreg.gather [hbm4b:s1+s3], $0x80, v3, vm0, $0xb8;
	[tilespmem:$0x10100] =	vst v63  }
0x195: {  	_ =	swait.ge [sflag:s13], $0x8000  }
0x196: {  	[sflag:s13] =	ssyncset.done $0x0  }
0x197: {  	s18 =	rddreg [dreg:$0x9];
	[sflag:s13] =	ssyncadd.s32 $0xFFFF8000  }
0x198: {  	[hbm4b:s18+s3] =	stream.linear.scatter [tilespmem:s28], [sflag:$0x3], $0x8000, $0x38;
	[tilespmem:$0x10100] =	vst v63  }
0x199: {  	_ =	swait.ge [sflag:s14], $0x8000  }
0x19a: {  	[sflag:s14] =	ssyncset.done $0x0  }
0x19b: {  	s25 =	rddreg [dreg:$0xa];
	[sflag:s14] =	ssyncadd.s32 $0xFFFF8000  }
0x19c: {  	[hbm4b:s25+s3] =	stream.linear.scatter [tilespmem:s23], [sflag:$0x4], $0x8000, $0x38;
	[tilespmem:$0x10100] =	vst v63  }
0x19d: {  	s29 =	rddreg [dreg:$0xb]  }
0x19e: {  	[tilespmem:s3], [sflag:$0x5] =	stream.linear.gather [hbm4b:s29+s3], $0x80, $0x38;
	[tilespmem:$0x10100] =	vst v63  }
0x19f: {  	_ =	swait.ge [sflag:s5], $0x80  }
0x1a0: {  	[sflag:s5] =	ssyncset.done $0x0  }
0x1a1: {  	s18 =	rddreg [dreg:$0xc];
	[sflag:s5] =	ssyncadd.s32 $0xFFFFFF80  }
0x1a2: {  	[tilespmem:s19], [sflag:$0x5] =	stream.linear.gather [hbm4b:s18+s3], $0x80, $0x38;
	[tilespmem:$0x10100] =	vst v63  }
0x1a3: {  	_ =	swait.ge [sflag:s5], $0x80  }
0x1a4: {  	[sflag:s5] =	ssyncset.done $0x0  }
0x1a5: {  	[sflag:s5] =	ssyncadd.s32 $0xFFFFFF80  }
0x1a6: {  	_ =	swait.ge [sflag:s15], $0x8000  }
0x1a7: {  	[sflag:s15] =	ssyncset.done $0x0  }
0x1a8: {  	[sflag:s15] =	ssyncadd.s32 $0xFFFF8000  }
0x1a9: {  	_ =	swait.ge [sflag:s16], $0x8000  }
0x1aa: {  	[sflag:s16] =	ssyncset.done $0x0  }
0x1ab: {  	[sflag:s16] =	ssyncadd.s32 $0xFFFF8000  }
0x1ac: {  	v3 =	vld [tilespmem:$0x0];
	_ =	sdelay $0x4  }
0x1ad: {  	v32 =	vshll.u32 v3, $0x1  }
0x1ae: {  	v3 =	vand.u32 $0x7, v3;
	v4 =	vand.u32 $0xFFFFFFF0, v32  }
0x1af: {  	v3 =	vor.u32 v3, v4  }
0x1b0: {  	v4 =	vperm.xlane v3, v0;
	_ =	sdelay $0x1  }
0x1b1: {  	v3 =	vperm.xlane v3, v2;
	v4 =	vadd.s32 v1, v4;
	_ =	sdelay $0x1  }
0x1b2: {  	v3 =	vadd.s32 v1, v3;
	_ =	sdelay $0x2  }
0x1b3: {  	[tilespmem:s28], [sflag:$0x1] =	stream.indirect_vreg.gather [hbm4b:s1+s3], $0x80, v4, vm0, $0xb8;
	[tilespmem:$0x10100] =	vst v63  }
0x1b4: {  	s25 =	simm.s32 $0x900  }
0x1b5: {  	[tilespmem:s25], [sflag:$0x1] =	stream.indirect_vreg.gather [hbm4b:s1+s3], $0x80, v3, vm0, $0xb8;
	[tilespmem:$0x10100] =	vst v63  }
0x1b6: {  	v3 =	vld [tilespmem:$0x10];
	_ =	sdelay $0x4  }
0x1b7: {  	v33 =	vshll.u32 v3, $0x1  }
0x1b8: {  	v3 =	vand.u32 $0x7, v3;
	v4 =	vand.u32 $0xFFFFFFF0, v33  }
0x1b9: {  	v3 =	vor.u32 v3, v4  }
0x1ba: {  	v4 =	vperm.xlane v3, v0;
	_ =	sdelay $0x1  }
0x1bb: {  	v3 =	vperm.xlane v3, v2;
	v4 =	vadd.s32 v1, v4;
	_ =	sdelay $0x1  }
0x1bc: {  	v3 =	vadd.s32 v1, v3;
	_ =	sdelay $0x1  }
0x1bd: {  	s30 =	simm.s32 $0x1100  }
0x1be: {  	[tilespmem:s30], [sflag:$0x1] =	stream.indirect_vreg.gather [hbm4b:s1+s3], $0x80, v4, vm0, $0xb8;
	[tilespmem:$0x10100] =	vst v63  }
0x1bf: {  	s29 =	simm.s32 $0x1900  }
0x1c0: {  	[tilespmem:s29], [sflag:$0x1] =	stream.indirect_vreg.gather [hbm4b:s1+s3], $0x80, v3, vm0, $0xb8;
	[tilespmem:$0x10100] =	vst v63  }
0x1c1: {  	v3 =	vld [tilespmem:$0x20];
	_ =	sdelay $0x4  }
0x1c2: {  	v34 =	vshll.u32 v3, $0x1  }
0x1c3: {  	v3 =	vand.u32 $0x7, v3;
	v4 =	vand.u32 $0xFFFFFFF0, v34  }
0x1c4: {  	v3 =	vor.u32 v3, v4  }
0x1c5: {  	v4 =	vperm.xlane v3, v0;
	_ =	sdelay $0x1  }
0x1c6: {  	v3 =	vperm.xlane v3, v2;
	v4 =	vadd.s32 v1, v4;
	_ =	sdelay $0x1  }
0x1c7: {  	v3 =	vadd.s32 v1, v3;
	_ =	sdelay $0x1  }
0x1c8: {  	s30 =	simm.s32 $0x2100  }
0x1c9: {  	[tilespmem:s30], [sflag:$0x1] =	stream.indirect_vreg.gather [hbm4b:s1+s3], $0x80, v4, vm0, $0xb8;
	[tilespmem:$0x10100] =	vst v63  }
0x1ca: {  	s18 =	simm.s32 $0x2900  }
0x1cb: {  	[tilespmem:s18], [sflag:$0x1] =	stream.indirect_vreg.gather [hbm4b:s1+s3], $0x80, v3, vm0, $0xb8;
	[tilespmem:$0x10100] =	vst v63  }
0x1cc: {  	v3 =	vld [tilespmem:$0x30];
	_ =	sdelay $0x4  }
0x1cd: {  	v35 =	vshll.u32 v3, $0x1  }
0x1ce: {  	v3 =	vand.u32 $0x7, v3;
	v4 =	vand.u32 $0xFFFFFFF0, v35  }
0x1cf: {  	v3 =	vor.u32 v3, v4  }
0x1d0: {  	v4 =	vperm.xlane v3, v0;
	_ =	sdelay $0x1  }
0x1d1: {  	v3 =	vperm.xlane v3, v2;
	v4 =	vadd.s32 v1, v4;
	_ =	sdelay $0x1  }
0x1d2: {  	v3 =	vadd.s32 v1, v3;
	_ =	sdelay $0x2  }
0x1d3: {  	[tilespmem:s7], [sflag:$0x1] =	stream.indirect_vreg.gather [hbm4b:s1+s3], $0x80, v4, vm0, $0xb8;
	[tilespmem:$0x10100] =	vst v63  }
0x1d4: {  	s25 =	simm.s32 $0x3900  }
0x1d5: {  	[tilespmem:s25], [sflag:$0x1] =	stream.indirect_vreg.gather [hbm4b:s1+s3], $0x80, v3, vm0, $0xb8;
	[tilespmem:$0x10100] =	vst v63  }
0x1d6: {  	v3 =	vld [tilespmem:$0x40];
	_ =	sdelay $0x4  }
0x1d7: {  	v36 =	vshll.u32 v3, $0x1  }
0x1d8: {  	v3 =	vand.u32 $0x7, v3;
	v4 =	vand.u32 $0xFFFFFFF0, v36  }
0x1d9: {  	v3 =	vor.u32 v3, v4  }
0x1da: {  	v4 =	vperm.xlane v3, v0;
	_ =	sdelay $0x1  }
0x1db: {  	v3 =	vperm.xlane v3, v2;
	v4 =	vadd.s32 v1, v4;
	_ =	sdelay $0x1  }
0x1dc: {  	v3 =	vadd.s32 v1, v3;
	_ =	sdelay $0x2  }
0x1dd: {  	[tilespmem:s8], [sflag:$0x1] =	stream.indirect_vreg.gather [hbm4b:s1+s3], $0x80, v4, vm0, $0xb8;
	[tilespmem:$0x10100] =	vst v63  }
0x1de: {  	s29 =	simm.s32 $0x4900  }
0x1df: {  	[tilespmem:s29], [sflag:$0x1] =	stream.indirect_vreg.gather [hbm4b:s1+s3], $0x80, v3, vm0, $0xb8;
	[tilespmem:$0x10100] =	vst v63  }
0x1e0: {  	v3 =	vld [tilespmem:$0x50];
	_ =	sdelay $0x4  }
0x1e1: {  	v37 =	vshll.u32 v3, $0x1  }
0x1e2: {  	v3 =	vand.u32 $0x7, v3;
	v4 =	vand.u32 $0xFFFFFFF0, v37  }
0x1e3: {  	v3 =	vor.u32 v3, v4  }
0x1e4: {  	v4 =	vperm.xlane v3, v0;
	_ =	sdelay $0x1  }
0x1e5: {  	v3 =	vperm.xlane v3, v2;
	v4 =	vadd.s32 v1, v4;
	_ =	sdelay $0x1  }
0x1e6: {  	v3 =	vadd.s32 v1, v3;
	_ =	sdelay $0x1  }
0x1e7: {  	s30 =	simm.s32 $0x5100  }
0x1e8: {  	[tilespmem:s30], [sflag:$0x1] =	stream.indirect_vreg.gather [hbm4b:s1+s3], $0x80, v4, vm0, $0xb8;
	[tilespmem:$0x10100] =	vst v63  }
0x1e9: {  	_ = 	snop  }
0x1ea: {  	[tilespmem:s9], [sflag:$0x1] =	stream.indirect_vreg.gather [hbm4b:s1+s3], $0x80, v3, vm0, $0xb8;
	[tilespmem:$0x10100] =	vst v63  }
0x1eb: {  	v3 =	vld [tilespmem:$0x60];
	_ =	sdelay $0x4  }
0x1ec: {  	v38 =	vshll.u32 v3, $0x1  }
0x1ed: {  	v3 =	vand.u32 $0x7, v3;
	v4 =	vand.u32 $0xFFFFFFF0, v38  }
0x1ee: {  	v3 =	vor.u32 v3, v4  }
0x1ef: {  	v4 =	vperm.xlane v3, v0;
	_ =	sdelay $0x1  }
0x1f0: {  	v3 =	vperm.xlane v3, v2;
	v4 =	vadd.s32 v1, v4;
	_ =	sdelay $0x1  }
0x1f1: {  	v3 =	vadd.s32 v1, v3;
	_ =	sdelay $0x2  }
0x1f2: {  	[tilespmem:s0], [sflag:$0x1] =	stream.indirect_vreg.gather [hbm4b:s1+s3], $0x80, v4, vm0, $0xb8;
	[tilespmem:$0x10100] =	vst v63  }
0x1f3: {  	_ = 	snop  }
0x1f4: {  	[tilespmem:s10], [sflag:$0x1] =	stream.indirect_vreg.gather [hbm4b:s1+s3], $0x80, v3, vm0, $0xb8;
	[tilespmem:$0x10100] =	vst v63  }
0x1f5: {  	v3 =	vld [tilespmem:$0x70];
	_ =	sdelay $0x4  }
0x1f6: {  	v39 =	vshll.u32 v3, $0x1  }
0x1f7: {  	v3 =	vand.u32 $0x7, v3;
	v4 =	vand.u32 $0xFFFFFFF0, v39  }
0x1f8: {  	v3 =	vor.u32 v3, v4  }
0x1f9: {  	v4 =	vperm.xlane v3, v0;
	_ =	sdelay $0x1  }
0x1fa: {  	v3 =	vperm.xlane v3, v2;
	v4 =	vadd.s32 v1, v4;
	_ =	sdelay $0x1  }
0x1fb: {  	v3 =	vadd.s32 v1, v3;
	_ =	sdelay $0x2  }
0x1fc: {  	[tilespmem:s2], [sflag:$0x1] =	stream.indirect_vreg.gather [hbm4b:s1+s3], $0x80, v4, vm0, $0xb8;
	[tilespmem:$0x10100] =	vst v63  }
0x1fd: {  	_ = 	snop  }
0x1fe: {  	[tilespmem:s11], [sflag:$0x1] =	stream.indirect_vreg.gather [hbm4b:s1+s3], $0x80, v3, vm0, $0xb8;
	[tilespmem:$0x10100] =	vst v63  }
0x1ff: {  	v3 =	vld [tilespmem:$0x80];
	_ =	sdelay $0x4  }
0x200: {  	v40 =	vshll.u32 v3, $0x1  }
0x201: {  	v3 =	vand.u32 $0x7, v3;
	v4 =	vand.u32 $0xFFFFFFF0, v40  }
0x202: {  	v3 =	vor.u32 v3, v4  }
0x203: {  	v4 =	vperm.xlane v3, v0;
	_ =	sdelay $0x1  }
0x204: {  	v3 =	vperm.xlane v3, v2;
	v4 =	vadd.s32 v1, v4;
	_ =	sdelay $0x1  }
0x205: {  	v3 =	vadd.s32 v1, v3;
	_ =	sdelay $0x2  }
0x206: {  	[tilespmem:s23], [sflag:$0x2] =	stream.indirect_vreg.gather [hbm4b:s1+s3], $0x80, v4, vm0, $0xb8;
	[tilespmem:$0x10100] =	vst v63  }
0x207: {  	_ = 	snop  }
0x208: {  	[tilespmem:s12], [sflag:$0x2] =	stream.indirect_vreg.gather [hbm4b:s1+s3], $0x80, v3, vm0, $0xb8;
	[tilespmem:$0x10100] =	vst v63  }
0x209: {  	v3 =	vld [tilespmem:$0x90];
	_ =	sdelay $0x4  }
0x20a: {  	v41 =	vshll.u32 v3, $0x1  }
0x20b: {  	v3 =	vand.u32 $0x7, v3;
	v4 =	vand.u32 $0xFFFFFFF0, v41  }
0x20c: {  	v3 =	vor.u32 v3, v4  }
0x20d: {  	v4 =	vperm.xlane v3, v0;
	_ =	sdelay $0x1  }
0x20e: {  	v3 =	vperm.xlane v3, v2;
	v4 =	vadd.s32 v1, v4;
	_ =	sdelay $0x1  }
0x20f: {  	v3 =	vadd.s32 v1, v3;
	_ =	sdelay $0x2  }
0x210: {  	[tilespmem:s6], [sflag:$0x2] =	stream.indirect_vreg.gather [hbm4b:s1+s3], $0x80, v4, vm0, $0xb8;
	[tilespmem:$0x10100] =	vst v63  }
0x211: {  	s18 =	simm.s32 $0x9900  }
0x212: {  	[tilespmem:s18], [sflag:$0x2] =	stream.indirect_vreg.gather [hbm4b:s1+s3], $0x80, v3, vm0, $0xb8;
	[tilespmem:$0x10100] =	vst v63  }
0x213: {  	v3 =	vld [tilespmem:$0xA0];
	_ =	sdelay $0x4  }
0x214: {  	v42 =	vshll.u32 v3, $0x1  }
0x215: {  	v3 =	vand.u32 $0x7, v3;
	v4 =	vand.u32 $0xFFFFFFF0, v42  }
0x216: {  	v3 =	vor.u32 v3, v4  }
0x217: {  	v4 =	vperm.xlane v3, v0;
	_ =	sdelay $0x1  }
0x218: {  	v3 =	vperm.xlane v3, v2;
	v4 =	vadd.s32 v1, v4;
	_ =	sdelay $0x1  }
0x219: {  	v3 =	vadd.s32 v1, v3;
	_ =	sdelay $0x1  }
0x21a: {  	s26 =	simm.s32 $0xA100  }
0x21b: {  	[tilespmem:s26], [sflag:$0x2] =	stream.indirect_vreg.gather [hbm4b:s1+s3], $0x80, v4, vm0, $0xb8;
	[tilespmem:$0x10100] =	vst v63  }
0x21c: {  	s31 =	simm.s32 $0xA900  }
0x21d: {  	[tilespmem:s31], [sflag:$0x2] =	stream.indirect_vreg.gather [hbm4b:s1+s3], $0x80, v3, vm0, $0xb8;
	[tilespmem:$0x10100] =	vst v63  }
0x21e: {  	v3 =	vld [tilespmem:$0xB0];
	_ =	sdelay $0x4  }
0x21f: {  	v43 =	vshll.u32 v3, $0x1  }
0x220: {  	v3 =	vand.u32 $0x7, v3;
	v4 =	vand.u32 $0xFFFFFFF0, v43  }
0x221: {  	v3 =	vor.u32 v3, v4  }
0x222: {  	v4 =	vperm.xlane v3, v0;
	_ =	sdelay $0x1  }
0x223: {  	v3 =	vperm.xlane v3, v2;
	v4 =	vadd.s32 v1, v4;
	_ =	sdelay $0x1  }
0x224: {  	v3 =	vadd.s32 v1, v3;
	_ =	sdelay $0x1  }
0x225: {  	s20 =	simm.s32 $0xB100  }
0x226: {  	[tilespmem:s20], [sflag:$0x2] =	stream.indirect_vreg.gather [hbm4b:s1+s3], $0x80, v4, vm0, $0xb8;
	[tilespmem:$0x10100] =	vst v63  }
0x227: {  	s20 =	simm.s32 $0xB900  }
0x228: {  	[tilespmem:s20], [sflag:$0x2] =	stream.indirect_vreg.gather [hbm4b:s1+s3], $0x80, v3, vm0, $0xb8;
	[tilespmem:$0x10100] =	vst v63  }
0x229: {  	v3 =	vld [tilespmem:$0xC0];
	_ =	sdelay $0x4  }
0x22a: {  	v44 =	vshll.u32 v3, $0x1  }
0x22b: {  	v3 =	vand.u32 $0x7, v3;
	v4 =	vand.u32 $0xFFFFFFF0, v44  }
0x22c: {  	v3 =	vor.u32 v3, v4  }
0x22d: {  	v4 =	vperm.xlane v3, v0;
	_ =	sdelay $0x1  }
0x22e: {  	v3 =	vperm.xlane v3, v2;
	v4 =	vadd.s32 v1, v4;
	_ =	sdelay $0x1  }
0x22f: {  	v3 =	vadd.s32 v1, v3;
	_ =	sdelay $0x1  }
0x230: {  	s21 =	simm.s32 $0xC100  }
0x231: {  	[tilespmem:s21], [sflag:$0x2] =	stream.indirect_vreg.gather [hbm4b:s1+s3], $0x80, v4, vm0, $0xb8;
	[tilespmem:$0x10100] =	vst v63  }
0x232: {  	s21 =	simm.s32 $0xC900  }
0x233: {  	[tilespmem:s21], [sflag:$0x2] =	stream.indirect_vreg.gather [hbm4b:s1+s3], $0x80, v3, vm0, $0xb8;
	[tilespmem:$0x10100] =	vst v63  }
0x234: {  	v3 =	vld [tilespmem:$0xD0];
	_ =	sdelay $0x4  }
0x235: {  	v45 =	vshll.u32 v3, $0x1  }
0x236: {  	v3 =	vand.u32 $0x7, v3;
	v4 =	vand.u32 $0xFFFFFFF0, v45  }
0x237: {  	v3 =	vor.u32 v3, v4  }
0x238: {  	v4 =	vperm.xlane v3, v0;
	_ =	sdelay $0x1  }
0x239: {  	v3 =	vperm.xlane v3, v2;
	v4 =	vadd.s32 v1, v4;
	_ =	sdelay $0x1  }
0x23a: {  	v3 =	vadd.s32 v1, v3;
	_ =	sdelay $0x1  }
0x23b: {  	s22 =	simm.s32 $0xD100  }
0x23c: {  	[tilespmem:s22], [sflag:$0x2] =	stream.indirect_vreg.gather [hbm4b:s1+s3], $0x80, v4, vm0, $0xb8;
	[tilespmem:$0x10100] =	vst v63  }
0x23d: {  	s22 =	simm.s32 $0xD900  }
0x23e: {  	[tilespmem:s22], [sflag:$0x2] =	stream.indirect_vreg.gather [hbm4b:s1+s3], $0x80, v3, vm0, $0xb8;
	[tilespmem:$0x10100] =	vst v63  }
0x23f: {  	v3 =	vld [tilespmem:$0xE0];
	_ =	sdelay $0x4  }
0x240: {  	v46 =	vshll.u32 v3, $0x1  }
0x241: {  	v3 =	vand.u32 $0x7, v3;
	v4 =	vand.u32 $0xFFFFFFF0, v46  }
0x242: {  	v3 =	vor.u32 v3, v4  }
0x243: {  	v4 =	vperm.xlane v3, v0;
	_ =	sdelay $0x1  }
0x244: {  	v3 =	vperm.xlane v3, v2;
	v4 =	vadd.s32 v1, v4;
	_ =	sdelay $0x1  }
0x245: {  	v3 =	vadd.s32 v1, v3;
	_ =	sdelay $0x1  }
0x246: {  	s24 =	simm.s32 $0xE100  }
0x247: {  	[tilespmem:s24], [sflag:$0x2] =	stream.indirect_vreg.gather [hbm4b:s1+s3], $0x80, v4, vm0, $0xb8;
	[tilespmem:$0x10100] =	vst v63  }
0x248: {  	s18 =	simm.s32 $0xE900  }
0x249: {  	[tilespmem:s18], [sflag:$0x2] =	stream.indirect_vreg.gather [hbm4b:s1+s3], $0x80, v3, vm0, $0xb8;
	[tilespmem:$0x10100] =	vst v63  }
0x24a: {  	v3 =	vld [tilespmem:$0xF0];
	_ =	sdelay $0x4  }
0x24b: {  	v47 =	vshll.u32 v3, $0x1  }
0x24c: {  	v3 =	vand.u32 $0x7, v3;
	v4 =	vand.u32 $0xFFFFFFF0, v47  }
0x24d: {  	v3 =	vor.u32 v3, v4  }
0x24e: {  	v4 =	vperm.xlane v3, v0;
	_ =	sdelay $0x1  }
0x24f: {  	v3 =	vperm.xlane v3, v2;
	v4 =	vadd.s32 v1, v4;
	_ =	sdelay $0x1  }
0x250: {  	v3 =	vadd.s32 v1, v3;
	_ =	sdelay $0x1  }
0x251: {  	s24 =	simm.s32 $0xF100  }
0x252: {  	[tilespmem:s24], [sflag:$0x2] =	stream.indirect_vreg.gather [hbm4b:s1+s3], $0x80, v4, vm0, $0xb8;
	[tilespmem:$0x10100] =	vst v63  }
0x253: {  	s18 =	simm.s32 $0xF900  }
0x254: {  	[tilespmem:s18], [sflag:$0x2] =	stream.indirect_vreg.gather [hbm4b:s1+s3], $0x80, v3, vm0, $0xb8;
	[tilespmem:$0x10100] =	vst v63  }
0x255: {  	_ =	swait.ge [sflag:s13], $0x8000  }
0x256: {  	[sflag:s13] =	ssyncset.done $0x0  }
0x257: {  	s18 =	rddreg [dreg:$0xd];
	[sflag:s13] =	ssyncadd.s32 $0xFFFF8000  }
0x258: {  	[hbm4b:s18+s3] =	stream.linear.scatter [tilespmem:s28], [sflag:$0x3], $0x8000, $0x38;
	[tilespmem:$0x10100] =	vst v63  }
0x259: {  	_ =	swait.ge [sflag:s14], $0x8000  }
0x25a: {  	[sflag:s14] =	ssyncset.done $0x0  }
0x25b: {  	s17 =	rddreg [dreg:$0xe];
	[sflag:s14] =	ssyncadd.s32 $0xFFFF8000  }
0x25c: {  	[hbm4b:s17+s3] =	stream.linear.scatter [tilespmem:s23], [sflag:$0x4], $0x8000, $0x38;
	[tilespmem:$0x10100] =	vst v63  }
0x25d: {  	s18 =	rddreg [dreg:$0xf]  }
0x25e: {  	[tilespmem:s3], [sflag:$0x5] =	stream.linear.gather [hbm4b:s18+s3], $0x80, $0x38;
	[tilespmem:$0x10100] =	vst v63  }
0x25f: {  	_ =	swait.ge [sflag:s5], $0x80  }
0x260: {  	[sflag:s5] =	ssyncset.done $0x0  }
0x261: {  	s19 =	simm.s32 $0x80;
	s18 =	rddreg [dreg:$0x10];
	[sflag:s5] =	ssyncadd.s32 $0xFFFFFF80  }
0x262: {  	[tilespmem:s19], [sflag:$0x5] =	stream.linear.gather [hbm4b:s18+s3], $0x80, $0x38;
	[tilespmem:$0x10100] =	vst v63  }
0x263: {  	_ =	swait.ge [sflag:s5], $0x80  }
0x264: {  	[sflag:s5] =	ssyncset.done $0x0  }
0x265: {  	[sflag:s5] =	ssyncadd.s32 $0xFFFFFF80  }
0x266: {  	_ =	swait.ge [sflag:s15], $0x8000  }
0x267: {  	[sflag:s15] =	ssyncset.done $0x0  }
0x268: {  	[sflag:s15] =	ssyncadd.s32 $0xFFFF8000  }
0x269: {  	_ =	swait.ge [sflag:s16], $0x8000  }
0x26a: {  	[sflag:s16] =	ssyncset.done $0x0  }
0x26b: {  	[sflag:s16] =	ssyncadd.s32 $0xFFFF8000  }
0x26c: {  	v3 =	vld [tilespmem:$0x0];
	_ =	sdelay $0x4  }
0x26d: {  	v48 =	vshll.u32 v3, $0x1  }
0x26e: {  	v3 =	vand.u32 $0x7, v3;
	v4 =	vand.u32 $0xFFFFFFF0, v48  }
0x26f: {  	v3 =	vor.u32 v3, v4  }
0x270: {  	v4 =	vperm.xlane v3, v0;
	_ =	sdelay $0x1  }
0x271: {  	v3 =	vperm.xlane v3, v2;
	v4 =	vadd.s32 v1, v4;
	_ =	sdelay $0x1  }
0x272: {  	v3 =	vadd.s32 v1, v3;
	_ =	sdelay $0x2  }
0x273: {  	[tilespmem:s28], [sflag:$0x1] =	stream.indirect_vreg.gather [hbm4b:s1+s3], $0x80, v4, vm0, $0xb8;
	[tilespmem:$0x10100] =	vst v63  }
0x274: {  	s19 =	simm.s32 $0x900  }
0x275: {  	[tilespmem:s19], [sflag:$0x1] =	stream.indirect_vreg.gather [hbm4b:s1+s3], $0x80, v3, vm0, $0xb8;
	[tilespmem:$0x10100] =	vst v63  }
0x276: {  	v3 =	vld [tilespmem:$0x10];
	_ =	sdelay $0x4  }
0x277: {  	v49 =	vshll.u32 v3, $0x1  }
0x278: {  	v3 =	vand.u32 $0x7, v3;
	v4 =	vand.u32 $0xFFFFFFF0, v49  }
0x279: {  	v3 =	vor.u32 v3, v4  }
0x27a: {  	v4 =	vperm.xlane v3, v0;
	_ =	sdelay $0x1  }
0x27b: {  	v3 =	vperm.xlane v3, v2;
	v4 =	vadd.s32 v1, v4;
	_ =	sdelay $0x1  }
0x27c: {  	v3 =	vadd.s32 v1, v3;
	_ =	sdelay $0x1  }
0x27d: {  	s18 =	simm.s32 $0x1100  }
0x27e: {  	[tilespmem:s18], [sflag:$0x1] =	stream.indirect_vreg.gather [hbm4b:s1+s3], $0x80, v4, vm0, $0xb8;
	[tilespmem:$0x10100] =	vst v63  }
0x27f: {  	s19 =	simm.s32 $0x1900  }
0x280: {  	[tilespmem:s19], [sflag:$0x1] =	stream.indirect_vreg.gather [hbm4b:s1+s3], $0x80, v3, vm0, $0xb8;
	[tilespmem:$0x10100] =	vst v63  }
0x281: {  	v3 =	vld [tilespmem:$0x20];
	_ =	sdelay $0x4  }
0x282: {  	v50 =	vshll.u32 v3, $0x1  }
0x283: {  	v3 =	vand.u32 $0x7, v3;
	v4 =	vand.u32 $0xFFFFFFF0, v50  }
0x284: {  	v3 =	vor.u32 v3, v4  }
0x285: {  	v4 =	vperm.xlane v3, v0;
	_ =	sdelay $0x1  }
0x286: {  	v3 =	vperm.xlane v3, v2;
	v4 =	vadd.s32 v1, v4;
	_ =	sdelay $0x1  }
0x287: {  	v3 =	vadd.s32 v1, v3;
	_ =	sdelay $0x1  }
0x288: {  	s18 =	simm.s32 $0x2100  }
0x289: {  	[tilespmem:s18], [sflag:$0x1] =	stream.indirect_vreg.gather [hbm4b:s1+s3], $0x80, v4, vm0, $0xb8;
	[tilespmem:$0x10100] =	vst v63  }
0x28a: {  	s19 =	simm.s32 $0x2900  }
0x28b: {  	[tilespmem:s19], [sflag:$0x1] =	stream.indirect_vreg.gather [hbm4b:s1+s3], $0x80, v3, vm0, $0xb8;
	[tilespmem:$0x10100] =	vst v63  }
0x28c: {  	v3 =	vld [tilespmem:$0x30];
	_ =	sdelay $0x4  }
0x28d: {  	v51 =	vshll.u32 v3, $0x1  }
0x28e: {  	v3 =	vand.u32 $0x7, v3;
	v4 =	vand.u32 $0xFFFFFFF0, v51  }
0x28f: {  	v3 =	vor.u32 v3, v4  }
0x290: {  	v4 =	vperm.xlane v3, v0;
	_ =	sdelay $0x1  }
0x291: {  	v3 =	vperm.xlane v3, v2;
	v4 =	vadd.s32 v1, v4;
	_ =	sdelay $0x1  }
0x292: {  	v3 =	vadd.s32 v1, v3;
	_ =	sdelay $0x1  }
0x293: {  	s7 =	simm.s32 $0x3100  }
0x294: {  	[tilespmem:s7], [sflag:$0x1] =	stream.indirect_vreg.gather [hbm4b:s1+s3], $0x80, v4, vm0, $0xb8;
	[tilespmem:$0x10100] =	vst v63  }
0x295: {  	s17 =	simm.s32 $0x3900  }
0x296: {  	[tilespmem:s17], [sflag:$0x1] =	stream.indirect_vreg.gather [hbm4b:s1+s3], $0x80, v3, vm0, $0xb8;
	[tilespmem:$0x10100] =	vst v63  }
0x297: {  	v3 =	vld [tilespmem:$0x40];
	_ =	sdelay $0x4  }
0x298: {  	v52 =	vshll.u32 v3, $0x1  }
0x299: {  	v3 =	vand.u32 $0x7, v3;
	v4 =	vand.u32 $0xFFFFFFF0, v52  }
0x29a: {  	v3 =	vor.u32 v3, v4  }
0x29b: {  	v4 =	vperm.xlane v3, v0;
	_ =	sdelay $0x1  }
0x29c: {  	v3 =	vperm.xlane v3, v2;
	v4 =	vadd.s32 v1, v4;
	_ =	sdelay $0x1  }
0x29d: {  	v3 =	vadd.s32 v1, v3;
	_ =	sdelay $0x1  }
0x29e: {  	s8 =	simm.s32 $0x4100  }
0x29f: {  	[tilespmem:s8], [sflag:$0x1] =	stream.indirect_vreg.gather [hbm4b:s1+s3], $0x80, v4, vm0, $0xb8;
	[tilespmem:$0x10100] =	vst v63  }
0x2a0: {  	s18 =	simm.s32 $0x4900  }
0x2a1: {  	[tilespmem:s18], [sflag:$0x1] =	stream.indirect_vreg.gather [hbm4b:s1+s3], $0x80, v3, vm0, $0xb8;
	[tilespmem:$0x10100] =	vst v63  }
0x2a2: {  	v3 =	vld [tilespmem:$0x50];
	_ =	sdelay $0x4  }
0x2a3: {  	v53 =	vshll.u32 v3, $0x1  }
0x2a4: {  	v3 =	vand.u32 $0x7, v3;
	v4 =	vand.u32 $0xFFFFFFF0, v53  }
0x2a5: {  	v3 =	vor.u32 v3, v4  }
0x2a6: {  	v4 =	vperm.xlane v3, v0;
	_ =	sdelay $0x1  }
0x2a7: {  	v3 =	vperm.xlane v3, v2;
	v4 =	vadd.s32 v1, v4;
	_ =	sdelay $0x1  }
0x2a8: {  	v3 =	vadd.s32 v1, v3;
	_ =	sdelay $0x1  }
0x2a9: {  	s29 =	simm.s32 $0x5100  }
0x2aa: {  	[tilespmem:s29], [sflag:$0x1] =	stream.indirect_vreg.gather [hbm4b:s1+s3], $0x80, v4, vm0, $0xb8;
	[tilespmem:$0x10100] =	vst v63  }
0x2ab: {  	s9 =	simm.s32 $0x5900  }
0x2ac: {  	[tilespmem:s9], [sflag:$0x1] =	stream.indirect_vreg.gather [hbm4b:s1+s3], $0x80, v3, vm0, $0xb8;
	[tilespmem:$0x10100] =	vst v63  }
0x2ad: {  	v3 =	vld [tilespmem:$0x60];
	_ =	sdelay $0x4  }
0x2ae: {  	v54 =	vshll.u32 v3, $0x1  }
0x2af: {  	v3 =	vand.u32 $0x7, v3;
	v4 =	vand.u32 $0xFFFFFFF0, v54  }
0x2b0: {  	v3 =	vor.u32 v3, v4  }
0x2b1: {  	v4 =	vperm.xlane v3, v0;
	_ =	sdelay $0x1  }
0x2b2: {  	v3 =	vperm.xlane v3, v2;
	v4 =	vadd.s32 v1, v4;
	_ =	sdelay $0x1  }
0x2b3: {  	v3 =	vadd.s32 v1, v3;
	_ =	sdelay $0x1  }
0x2b4: {  	s0 =	simm.s32 $0x6100  }
0x2b5: {  	[tilespmem:s0], [sflag:$0x1] =	stream.indirect_vreg.gather [hbm4b:s1+s3], $0x80, v4, vm0, $0xb8;
	[tilespmem:$0x10100] =	vst v63  }
0x2b6: {  	s10 =	simm.s32 $0x6900  }
0x2b7: {  	[tilespmem:s10], [sflag:$0x1] =	stream.indirect_vreg.gather [hbm4b:s1+s3], $0x80, v3, vm0, $0xb8;
	[tilespmem:$0x10100] =	vst v63  }
0x2b8: {  	v3 =	vld [tilespmem:$0x70];
	_ =	sdelay $0x4  }
0x2b9: {  	v55 =	vshll.u32 v3, $0x1  }
0x2ba: {  	v3 =	vand.u32 $0x7, v3;
	v4 =	vand.u32 $0xFFFFFFF0, v55  }
0x2bb: {  	v3 =	vor.u32 v3, v4  }
0x2bc: {  	v4 =	vperm.xlane v3, v0;
	_ =	sdelay $0x1  }
0x2bd: {  	v3 =	vperm.xlane v3, v2;
	v4 =	vadd.s32 v1, v4;
	_ =	sdelay $0x1  }
0x2be: {  	v3 =	vadd.s32 v1, v3;
	_ =	sdelay $0x1  }
0x2bf: {  	s2 =	simm.s32 $0x7100  }
0x2c0: {  	[tilespmem:s2], [sflag:$0x1] =	stream.indirect_vreg.gather [hbm4b:s1+s3], $0x80, v4, vm0, $0xb8;
	[tilespmem:$0x10100] =	vst v63  }
0x2c1: {  	s11 =	simm.s32 $0x7900  }
0x2c2: {  	[tilespmem:s11], [sflag:$0x1] =	stream.indirect_vreg.gather [hbm4b:s1+s3], $0x80, v3, vm0, $0xb8;
	[tilespmem:$0x10100] =	vst v63  }
0x2c3: {  	v3 =	vld [tilespmem:$0x80];
	_ =	sdelay $0x4  }
0x2c4: {  	v56 =	vshll.u32 v3, $0x1  }
0x2c5: {  	v3 =	vand.u32 $0x7, v3;
	v4 =	vand.u32 $0xFFFFFFF0, v56  }
0x2c6: {  	v3 =	vor.u32 v3, v4  }
0x2c7: {  	v4 =	vperm.xlane v3, v0;
	_ =	sdelay $0x1  }
0x2c8: {  	v3 =	vperm.xlane v3, v2;
	v4 =	vadd.s32 v1, v4;
	_ =	sdelay $0x1  }
0x2c9: {  	v3 =	vadd.s32 v1, v3;
	_ =	sdelay $0x2  }
0x2ca: {  	[tilespmem:s23], [sflag:$0x2] =	stream.indirect_vreg.gather [hbm4b:s1+s3], $0x80, v4, vm0, $0xb8;
	[tilespmem:$0x10100] =	vst v63  }
0x2cb: {  	s12 =	simm.s32 $0x8900  }
0x2cc: {  	[tilespmem:s12], [sflag:$0x2] =	stream.indirect_vreg.gather [hbm4b:s1+s3], $0x80, v3, vm0, $0xb8;
	[tilespmem:$0x10100] =	vst v63  }
0x2cd: {  	v3 =	vld [tilespmem:$0x90];
	_ =	sdelay $0x4  }
0x2ce: {  	v57 =	vshll.u32 v3, $0x1  }
0x2cf: {  	v3 =	vand.u32 $0x7, v3;
	v4 =	vand.u32 $0xFFFFFFF0, v57  }
0x2d0: {  	v3 =	vor.u32 v3, v4  }
0x2d1: {  	v4 =	vperm.xlane v3, v0;
	_ =	sdelay $0x1  }
0x2d2: {  	v3 =	vperm.xlane v3, v2;
	v4 =	vadd.s32 v1, v4;
	_ =	sdelay $0x1  }
0x2d3: {  	v3 =	vadd.s32 v1, v3;
	_ =	sdelay $0x1  }
0x2d4: {  	s6 =	simm.s32 $0x9100  }
0x2d5: {  	[tilespmem:s6], [sflag:$0x2] =	stream.indirect_vreg.gather [hbm4b:s1+s3], $0x80, v4, vm0, $0xb8;
	[tilespmem:$0x10100] =	vst v63  }
0x2d6: {  	s19 =	simm.s32 $0x9900  }
0x2d7: {  	[tilespmem:s19], [sflag:$0x2] =	stream.indirect_vreg.gather [hbm4b:s1+s3], $0x80, v3, vm0, $0xb8;
	[tilespmem:$0x10100] =	vst v63  }
0x2d8: {  	v3 =	vld [tilespmem:$0xA0];
	_ =	sdelay $0x4  }
0x2d9: {  	v58 =	vshll.u32 v3, $0x1  }
0x2da: {  	v3 =	vand.u32 $0x7, v3;
	v4 =	vand.u32 $0xFFFFFFF0, v58  }
0x2db: {  	v3 =	vor.u32 v3, v4  }
0x2dc: {  	v4 =	vperm.xlane v3, v0;
	_ =	sdelay $0x1  }
0x2dd: {  	v3 =	vperm.xlane v3, v2;
	v4 =	vadd.s32 v1, v4;
	_ =	sdelay $0x1  }
0x2de: {  	v3 =	vadd.s32 v1, v3;
	_ =	sdelay $0x1  }
0x2df: {  	s30 =	simm.s32 $0xA100  }
0x2e0: {  	[tilespmem:s30], [sflag:$0x2] =	stream.indirect_vreg.gather [hbm4b:s1+s3], $0x80, v4, vm0, $0xb8;
	[tilespmem:$0x10100] =	vst v63  }
0x2e1: {  	s25 =	simm.s32 $0xA900  }
0x2e2: {  	[tilespmem:s25], [sflag:$0x2] =	stream.indirect_vreg.gather [hbm4b:s1+s3], $0x80, v3, vm0, $0xb8;
	[tilespmem:$0x10100] =	vst v63  }
0x2e3: {  	v3 =	vld [tilespmem:$0xB0];
	_ =	sdelay $0x4  }
0x2e4: {  	v59 =	vshll.u32 v3, $0x1  }
0x2e5: {  	v3 =	vand.u32 $0x7, v3;
	v4 =	vand.u32 $0xFFFFFFF0, v59  }
0x2e6: {  	v3 =	vor.u32 v3, v4  }
0x2e7: {  	v4 =	vperm.xlane v3, v0;
	_ =	sdelay $0x1  }
0x2e8: {  	v3 =	vperm.xlane v3, v2;
	v4 =	vadd.s32 v1, v4;
	_ =	sdelay $0x1  }
0x2e9: {  	v3 =	vadd.s32 v1, v3;
	_ =	sdelay $0x1  }
0x2ea: {  	s26 =	simm.s32 $0xB100  }
0x2eb: {  	[tilespmem:s26], [sflag:$0x2] =	stream.indirect_vreg.gather [hbm4b:s1+s3], $0x80, v4, vm0, $0xb8;
	[tilespmem:$0x10100] =	vst v63  }
0x2ec: {  	s31 =	simm.s32 $0xB900  }
0x2ed: {  	[tilespmem:s31], [sflag:$0x2] =	stream.indirect_vreg.gather [hbm4b:s1+s3], $0x80, v3, vm0, $0xb8;
	[tilespmem:$0x10100] =	vst v63  }
0x2ee: {  	v3 =	vld [tilespmem:$0xC0];
	_ =	sdelay $0x4  }
0x2ef: {  	v60 =	vshll.u32 v3, $0x1  }
0x2f0: {  	v3 =	vand.u32 $0x7, v3;
	v4 =	vand.u32 $0xFFFFFFF0, v60  }
0x2f1: {  	v3 =	vor.u32 v3, v4  }
0x2f2: {  	v4 =	vperm.xlane v3, v0;
	_ =	sdelay $0x1  }
0x2f3: {  	v3 =	vperm.xlane v3, v2;
	v4 =	vadd.s32 v1, v4;
	_ =	sdelay $0x1  }
0x2f4: {  	v3 =	vadd.s32 v1, v3;
	_ =	sdelay $0x1  }
0x2f5: {  	s20 =	simm.s32 $0xC100  }
0x2f6: {  	[tilespmem:s20], [sflag:$0x2] =	stream.indirect_vreg.gather [hbm4b:s1+s3], $0x80, v4, vm0, $0xb8;
	[tilespmem:$0x10100] =	vst v63  }
0x2f7: {  	s20 =	simm.s32 $0xC900  }
0x2f8: {  	[tilespmem:s20], [sflag:$0x2] =	stream.indirect_vreg.gather [hbm4b:s1+s3], $0x80, v3, vm0, $0xb8;
	[tilespmem:$0x10100] =	vst v63  }
0x2f9: {  	v3 =	vld [tilespmem:$0xD0];
	_ =	sdelay $0x4  }
0x2fa: {  	v61 =	vshll.u32 v3, $0x1  }
0x2fb: {  	v3 =	vand.u32 $0x7, v3;
	v4 =	vand.u32 $0xFFFFFFF0, v61  }
0x2fc: {  	v3 =	vor.u32 v3, v4  }
0x2fd: {  	v4 =	vperm.xlane v3, v0;
	_ =	sdelay $0x1  }
0x2fe: {  	v3 =	vperm.xlane v3, v2;
	v4 =	vadd.s32 v1, v4;
	_ =	sdelay $0x1  }
0x2ff: {  	v3 =	vadd.s32 v1, v3;
	_ =	sdelay $0x1  }
0x300: {  	s21 =	simm.s32 $0xD100  }
0x301: {  	[tilespmem:s21], [sflag:$0x2] =	stream.indirect_vreg.gather [hbm4b:s1+s3], $0x80, v4, vm0, $0xb8;
	[tilespmem:$0x10100] =	vst v63  }
0x302: {  	s25 =	simm.s32 $0xD900  }
0x303: {  	[tilespmem:s25], [sflag:$0x2] =	stream.indirect_vreg.gather [hbm4b:s1+s3], $0x80, v3, vm0, $0xb8;
	[tilespmem:$0x10100] =	vst v63  }
0x304: {  	v3 =	vld [tilespmem:$0xE0];
	_ =	sdelay $0x4  }
0x305: {  	v62 =	vshll.u32 v3, $0x1  }
0x306: {  	v3 =	vand.u32 $0x7, v3;
	v4 =	vand.u32 $0xFFFFFFF0, v62  }
0x307: {  	v3 =	vor.u32 v3, v4  }
0x308: {  	v4 =	vperm.xlane v3, v0;
	_ =	sdelay $0x1  }
0x309: {  	v3 =	vperm.xlane v3, v2;
	v4 =	vadd.s32 v1, v4;
	_ =	sdelay $0x1  }
0x30a: {  	v3 =	vadd.s32 v1, v3;
	_ =	sdelay $0x1  }
0x30b: {  	s22 =	simm.s32 $0xE100  }
0x30c: {  	[tilespmem:s22], [sflag:$0x2] =	stream.indirect_vreg.gather [hbm4b:s1+s3], $0x80, v4, vm0, $0xb8;
	[tilespmem:$0x10100] =	vst v63  }
0x30d: {  	s26 =	simm.s32 $0xE900  }
0x30e: {  	[tilespmem:s26], [sflag:$0x2] =	stream.indirect_vreg.gather [hbm4b:s1+s3], $0x80, v3, vm0, $0xb8;
	[tilespmem:$0x10100] =	vst v63  }
0x30f: {  	v3 =	vld [tilespmem:$0xF0];
	_ =	sdelay $0x4  }
0x310: {  	v63 =	vshll.u32 v3, $0x1  }
0x311: {  	v3 =	vand.u32 $0x7, v3;
	v4 =	vand.u32 $0xFFFFFFF0, v63  }
0x312: {  	v3 =	vor.u32 v3, v4  }
0x313: {  	v4 =	vperm.xlane v3, v0;
	_ =	sdelay $0x1  }
0x314: {  	v3 =	vperm.xlane v3, v2;
	v4 =	vadd.s32 v1, v4;
	_ =	sdelay $0x1  }
0x315: {  	v3 =	vadd.s32 v1, v3;
	_ =	sdelay $0x1  }
0x316: {  	s24 =	simm.s32 $0xF100  }
0x317: {  	[tilespmem:s24], [sflag:$0x2] =	stream.indirect_vreg.gather [hbm4b:s1+s3], $0x80, v4, vm0, $0xb8;
	[tilespmem:$0x10100] =	vst v63  }
0x318: {  	s29 =	simm.s32 $0xF900  }
0x319: {  	[tilespmem:s29], [sflag:$0x2] =	stream.indirect_vreg.gather [hbm4b:s1+s3], $0x80, v3, vm0, $0xb8;
	[tilespmem:$0x10100] =	vst v63  }
0x31a: {  	_ =	swait.ge [sflag:s13], $0x8000  }
0x31b: {  	[sflag:s13] =	ssyncset.done $0x0  }
0x31c: {  	s30 =	rddreg [dreg:$0x11];
	[sflag:s13] =	ssyncadd.s32 $0xFFFF8000  }
0x31d: {  	[hbm4b:s30+s3] =	stream.linear.scatter [tilespmem:s28], [sflag:$0x3], $0x8000, $0x38;
	[tilespmem:$0x10100] =	vst v63  }
0x31e: {  	_ =	swait.ge [sflag:s14], $0x8000  }
0x31f: {  	[sflag:s14] =	ssyncset.done $0x0  }
0x320: {  	s31 =	rddreg [dreg:$0x12];
	[sflag:s14] =	ssyncadd.s32 $0xFFFF8000  }
0x321: {  	[hbm4b:s31+s3] =	stream.linear.scatter [tilespmem:s23], [sflag:$0x4], $0x8000, $0x38;
	[tilespmem:$0x10100] =	vst v63  }
0x322: {  	p0 =	sne.s32 s4, $0x1;
	_ =	swait.ge [sflag:s15], $0x8000  }
.Ltmp0:
0x323: {  	[sflag:s15] =	ssyncset.done $0x0;
	(pc) =	sbr.rel @p0 .LBB2_1-.Ltmp0, $4  }
0x324: {  	[sflag:s15] =	ssyncadd.s32 $0xFFFF8000  }
0x325: {  	_ =	swait.ge [sflag:s16], $0x8000  }
0x326: {  	[sflag:s16] =	ssyncset.done $0x0  }
0x327: {  	s4 =	sadd.s32 $0xFFFFFFFF, s4;
	[sflag:s16] =	ssyncadd.s32 $0xFFFF8000  }
0x328: {  	_ =	sfence.sel $0x180000  }
0x329: {  	[bflag:$0x0] =	sbarrier.arrive $0xFFFF  }
0x32a: {  	_ =	strace $0x9000004D  }
0x32b: {  	s0 =	stileid.u32;
	[bflag:$0x2] =	sbarrier.arrive $0xFFFF  }
0x32c: {  	p0 =	sne.s32 s0, $0x0;
	s0 =	rddreg [dreg:$0x2]  }
0x32d: {  	s0 =	sadd.s32 @!p0 $0x100000, s0  }
0x32e: {  	[sflag:s0] =	ssyncadd.tile.s32 @!p0 $0x1;
	_ =	shalt  }
.Lfunc_end2:
_tile_overlayer_lowered:
.L_overlay_start_2:
0x32f: {  	(tag) =	ssettag $0x2  }
0x330: {  	s0 =	rddreg [dreg:$0x0];
	s2 =	stileid.u32  }
0x331: {  	s1 =	rddreg [dreg:$0x1];
	p0 =	sne.s32 s2, $0x0  }
0x332: {  	s3 =	rddreg [dreg:$0x2];
	[bflag:$0x3] =	sbarrier.arrive $0xFFFF;
	s2 =	simm.s32 @!p0 $0x1C05  }
0x333: {  	[timem:s3], [sflag:s2] =	dma.local @!p0 [hbm:s0], s1  }
0x334: {  	s0 =	simm.s32 @!p0 $0x5  }
0x335: {  	_ =	swait.ge @!p0 [sflag:s0], s1  }
0x336: {  	s1 =	ssub.s32 @!p0 $0x0, s1;
	[sflag:s0] =	ssyncset.done @!p0 $0x0  }
0x337: {  	[sflag:s0] =	ssyncadd.s32 @!p0 s1  }
0x338: {  	[bflag:$0x3] =	sbarrier.arrive $0xFFFF  }
0x339: {  	_ =	shalt  }

</sc_bundles>
